<compile_context>
chip_gen: v7x
topology: tpu7x:2x2x1
jax: 0.10.2.dev20260603
libtpu: 0.0.44.dev20260713+nightly
codegen_flags: <defaults>
</compile_context>

<pallas_src>
import jax
import jax.numpy as jnp
from jax import lax
from jax.experimental import pallas as pl
from jax.experimental.pallas import tpu as pltpu
from jax.experimental.pallas import tpu_sc as plsc

N_NODES = 10000
N_PAD = 10240
E = 320000
D = 128
N_CLASS = 40

NC = 2
NS = 16
EPT = E // (NC * NS)
CHUNK = 128
NFULL = EPT // CHUNK
TAIL = EPT - NFULL * CHUNK
NCHUNK = NFULL + 1
EPT_PAD = NCHUNK * CHUNK
STG1 = 40
STG2 = NFULL - STG1
SL = N_PAD // NS

ROW_BLK = 2560
TC_GRID = N_PAD // ROW_BLK



DEG_W = 128


def _deg_body(dst2_hbm, dtail_hbm, zeros_hbm, ones_hbm, deg_out,
              dstbuf, dtail, onesbuf, degacc, sem):
    c = lax.axis_index("c")
    s = lax.axis_index("s")
    g = c * NS + s

    pltpu.sync_copy(ones_hbm, onesbuf)
    pltpu.sync_copy(dst2_hbm.at[g], dstbuf)
    pltpu.sync_copy(dtail_hbm.at[g], dtail)
    pltpu.sync_copy(zeros_hbm.at[pl.ds(s * SL, SL)],
                    degacc.at[pl.ds(s * SL, SL)])
    plsc.subcore_barrier()

    def fire_body(j, _):
        pltpu.async_copy(onesbuf, degacc.at[dstbuf.at[j]], sem, add=True)
        return 0
    lax.fori_loop(0, NFULL, fire_body, 0)
    pltpu.async_copy(onesbuf.at[pl.ds(0, TAIL)], degacc.at[dtail.at[0]],
                     sem, add=True)

    def drain_body(j, _):
        pltpu.make_async_copy(onesbuf, degacc.at[dstbuf.at[j]], sem).wait()
        return 0
    lax.fori_loop(0, NFULL, drain_body, 0)
    pltpu.make_async_copy(onesbuf.at[pl.ds(0, TAIL)], degacc.at[dtail.at[0]],
                          sem).wait()

    plsc.subcore_barrier()
    pltpu.sync_copy(degacc.at[pl.ds(s * SL, SL)],
                    deg_out.at[pl.ds(c * N_PAD + s * SL, SL)])


def _deg_kernel(dst2, dtail, zeros_pad, ones_rows):
    mesh = plsc.VectorSubcoreMesh(core_axis_name="c", subcore_axis_name="s")
    return pl.kernel(
        _deg_body,
        out_type=jax.ShapeDtypeStruct((NC * N_PAD, DEG_W), jnp.float32),
        mesh=mesh,
        scratch_types=[
            pltpu.VMEM((NCHUNK, CHUNK), jnp.int32),
            pltpu.VMEM((1, TAIL), jnp.int32),
            pltpu.VMEM((CHUNK, DEG_W), jnp.float32),
            pltpu.VMEM_SHARED((N_PAD, DEG_W), jnp.float32),
            pltpu.SemaphoreType.DMA,
        ],
    )(dst2, dtail, zeros_pad, ones_rows)


def _agg_body(src1_hbm, dst2_hbm, dtail_hbm, mh_hbm, zeros_hbm, out_hbm,
              srcbuf, dstbuf, dtail, rows_a, rows_b, acc, sem_ga, sem_gb):
    c = lax.axis_index("c")
    s = lax.axis_index("s")
    g = c * NS + s

    pltpu.sync_copy(dst2_hbm.at[g], dstbuf)
    pltpu.sync_copy(dtail_hbm.at[g], dtail)
    pltpu.sync_copy(zeros_hbm.at[pl.ds(s * SL, SL)], acc.at[pl.ds(s * SL, SL)])
    plsc.subcore_barrier()

    def fire_g(o, rbuf, sem):
        pltpu.async_copy(mh_hbm.at[srcbuf.at[pl.ds(o, CHUNK)]], rbuf, sem)

    def wait_g(rbuf, sem):
        pltpu.make_async_copy(mh_hbm.at[srcbuf.at[pl.ds(0, CHUNK)]],
                              rbuf, sem).wait()

    def scatter(k, rbuf):
        pltpu.sync_copy(rbuf, acc.at[dstbuf.at[k]], add=True)

    def run_stage(cbase, npairs):
        fire_g(0, rows_a, sem_ga)

        def pair_body(i, _):
            fire_g((2 * i + 1) * CHUNK, rows_b, sem_gb)
            wait_g(rows_a, sem_ga)
            scatter(cbase + 2 * i, rows_a)

            @pl.when(i < npairs - 1)
            def _():
                fire_g((2 * i + 2) * CHUNK, rows_a, sem_ga)
            wait_g(rows_b, sem_gb)
            scatter(cbase + 2 * i + 1, rows_b)
            return 0
        lax.fori_loop(0, npairs, pair_body, 0)

    pltpu.sync_copy(src1_hbm.at[pl.ds(g * EPT_PAD, STG1 * CHUNK)], srcbuf)
    run_stage(0, STG1 // 2)
    pltpu.sync_copy(src1_hbm.at[pl.ds(g * EPT_PAD + STG1 * CHUNK,
                                      STG2 * CHUNK)],
                    srcbuf.at[pl.ds(0, STG2 * CHUNK)])
    run_stage(STG1, STG2 // 2)
    pltpu.sync_copy(src1_hbm.at[pl.ds(g * EPT_PAD + NFULL * CHUNK, TAIL)],
                    srcbuf.at[pl.ds(0, TAIL)])
    pltpu.async_copy(mh_hbm.at[srcbuf.at[pl.ds(0, TAIL)]],
                     rows_a.at[pl.ds(0, TAIL)], sem_ga)
    pltpu.make_async_copy(mh_hbm.at[srcbuf.at[pl.ds(0, TAIL)]],
                          rows_a.at[pl.ds(0, TAIL)], sem_ga).wait()
    pltpu.sync_copy(rows_a.at[pl.ds(0, TAIL)], acc.at[dtail.at[0]], add=True)

    plsc.subcore_barrier()
    pltpu.sync_copy(acc.at[pl.ds(s * SL, SL)],
                    out_hbm.at[pl.ds(c * N_PAD + s * SL, SL)])


def _agg_kernel(src1, dst2, dtail, mh, zeros_pad):
    mesh = plsc.VectorSubcoreMesh(core_axis_name="c", subcore_axis_name="s")
    return pl.kernel(
        _agg_body,
        out_type=jax.ShapeDtypeStruct((NC * N_PAD, D), jnp.float32),
        mesh=mesh,
        scratch_types=[
            pltpu.VMEM((STG1 * CHUNK,), jnp.int32),
            pltpu.VMEM((NCHUNK, CHUNK), jnp.int32),
            pltpu.VMEM((1, TAIL), jnp.int32),
            pltpu.VMEM((CHUNK, D), jnp.float32),
            pltpu.VMEM((CHUNK, D), jnp.float32),
            pltpu.VMEM_SHARED((N_PAD, D), jnp.float32),
            pltpu.SemaphoreType.DMA,
            pltpu.SemaphoreType.DMA,
        ],
    )(src1, dst2, dtail, mh, zeros_pad)



def _m0_body(x_ref, w_ref, m_ref):
    m_ref[...] = jnp.dot(x_ref[...], w_ref[...],
                         preferred_element_type=jnp.float32)


def _tc_m0(x_pad, W0):
    return pl.pallas_call(
        _m0_body,
        grid=(TC_GRID,),
        in_specs=[
            pl.BlockSpec((ROW_BLK, D), lambda i: (i, 0)),
            pl.BlockSpec((D, D), lambda i: (0, 0)),
        ],
        out_specs=[pl.BlockSpec((ROW_BLK, D), lambda i: (i, 0))],
        out_shape=[jax.ShapeDtypeStruct((N_PAD, D), jnp.float32)],
    )(x_pad, W0)


def _scale_body(m_ref, degp_ref, mh_ref, dinv_ref):
    deg = degp_ref[0, :, 0] + degp_ref[1, :, 0] + 1.0
    dinv = lax.rsqrt(deg)[:, None]
    mh_ref[...] = m_ref[...] * dinv
    dinv_ref[...] = dinv


def _tc_scale(m0, degp):
    return pl.pallas_call(
        _scale_body,
        grid=(TC_GRID,),
        in_specs=[
            pl.BlockSpec((ROW_BLK, D), lambda i: (i, 0)),
            pl.BlockSpec((NC, ROW_BLK, DEG_W), lambda i: (0, i, 0)),
        ],
        out_specs=[
            pl.BlockSpec((ROW_BLK, D), lambda i: (i, 0)),
            pl.BlockSpec((ROW_BLK, 1), lambda i: (i, 0)),
        ],
        out_shape=[
            jax.ShapeDtypeStruct((N_PAD, D), jnp.float32),
            jax.ShapeDtypeStruct((N_PAD, 1), jnp.float32),
        ],
    )(m0, degp)


def _mid_body(p_ref, m_prev_ref, dinv_ref, b_ref, jk_ref, w_ref,
              m_ref, mh_ref, jk_out_ref):
    dinv = dinv_ref[...]
    agg = p_ref[0] + p_ref[1]
    xl = jnp.maximum(dinv * agg + dinv * dinv * m_prev_ref[...]
                     + b_ref[...][None, :], 0.0)
    jk_out_ref[...] = jnp.maximum(jk_ref[...], xl)
    m = jnp.dot(xl, w_ref[...], preferred_element_type=jnp.float32)
    m_ref[...] = m
    mh_ref[...] = m * dinv


def _tc_mid(p, m_prev, dinv, b, jk, W):
    return pl.pallas_call(
        _mid_body,
        grid=(TC_GRID,),
        in_specs=[
            pl.BlockSpec((NC, ROW_BLK, D), lambda i: (0, i, 0)),
            pl.BlockSpec((ROW_BLK, D), lambda i: (i, 0)),
            pl.BlockSpec((ROW_BLK, 1), lambda i: (i, 0)),
            pl.BlockSpec((D,), lambda i: (0,)),
            pl.BlockSpec((ROW_BLK, D), lambda i: (i, 0)),
            pl.BlockSpec((D, D), lambda i: (0, 0)),
        ],
        out_specs=[
            pl.BlockSpec((ROW_BLK, D), lambda i: (i, 0)),
            pl.BlockSpec((ROW_BLK, D), lambda i: (i, 0)),
            pl.BlockSpec((ROW_BLK, D), lambda i: (i, 0)),
        ],
        out_shape=[
            jax.ShapeDtypeStruct((N_PAD, D), jnp.float32),
            jax.ShapeDtypeStruct((N_PAD, D), jnp.float32),
            jax.ShapeDtypeStruct((N_PAD, D), jnp.float32),
        ],
    )(p, m_prev, dinv, b, jk, W)


def _post_body(p_ref, m_prev_ref, dinv_ref, b_ref, jk_ref, wo_ref, bo_ref,
               out_ref):
    dinv = dinv_ref[...]
    agg = p_ref[0] + p_ref[1]
    xl = jnp.maximum(dinv * agg + dinv * dinv * m_prev_ref[...]
                     + b_ref[...][None, :], 0.0)
    jk = jnp.maximum(jk_ref[...], xl)
    out_ref[...] = (jnp.dot(jk, wo_ref[...], preferred_element_type=jnp.float32)
                    + bo_ref[...][None, :])


def _tc_post(p, m_prev, dinv, b, jk, Wo, bo):
    return pl.pallas_call(
        _post_body,
        grid=(TC_GRID,),
        in_specs=[
            pl.BlockSpec((NC, ROW_BLK, D), lambda i: (0, i, 0)),
            pl.BlockSpec((ROW_BLK, D), lambda i: (i, 0)),
            pl.BlockSpec((ROW_BLK, 1), lambda i: (i, 0)),
            pl.BlockSpec((D,), lambda i: (0,)),
            pl.BlockSpec((ROW_BLK, D), lambda i: (i, 0)),
            pl.BlockSpec((D, N_CLASS), lambda i: (0, 0)),
            pl.BlockSpec((N_CLASS,), lambda i: (0,)),
        ],
        out_specs=[pl.BlockSpec((ROW_BLK, N_CLASS), lambda i: (i, 0))],
        out_shape=[jax.ShapeDtypeStruct((N_PAD, N_CLASS), jnp.float32)],
    )(p, m_prev, dinv, b, jk, Wo, bo)



def kernel(x, edge_index, W0, b0, W1, b1, W2, b2, Wo, bo):
    src_t = edge_index[0].reshape(NC * NS, EPT)
    dst_t = edge_index[1].reshape(NC * NS, EPT)
    src1 = jnp.pad(src_t, ((0, 0), (0, EPT_PAD - EPT))).reshape(-1)
    dst2 = jnp.pad(dst_t, ((0, 0), (0, EPT_PAD - EPT))).reshape(
        NC * NS, NCHUNK, CHUNK)
    dtail = dst_t[:, NFULL * CHUNK:].reshape(NC * NS, 1, TAIL)
    x_pad = jnp.pad(x, ((0, N_PAD - N_NODES), (0, 0)))
    zeros_pad = jnp.zeros((N_PAD, D), jnp.float32)
    ones_rows = jnp.ones((CHUNK, DEG_W), jnp.float32)
    jk0 = jnp.zeros((N_PAD, D), jnp.float32)

    m0 = _tc_m0(x_pad, W0)[0]
    degp = _deg_kernel(dst2, dtail, zeros_pad,
                       ones_rows).reshape(NC, N_PAD, DEG_W)
    mh0, dinv = _tc_scale(m0, degp)

    p1 = _agg_kernel(src1, dst2, dtail, mh0, zeros_pad).reshape(NC, N_PAD, D)
    m1, mh1, jk1 = _tc_mid(p1, m0, dinv, b0, jk0, W1)

    p2 = _agg_kernel(src1, dst2, dtail, mh1, zeros_pad).reshape(NC, N_PAD, D)
    m2, mh2, jk2 = _tc_mid(p2, m1, dinv, b1, jk1, W2)

    p3 = _agg_kernel(src1, dst2, dtail, mh2, zeros_pad).reshape(NC, N_PAD, D)
    out = _tc_post(p3, m2, dinv, b2, jk2, Wo, bo)[0]

    return out[:N_NODES]

# --- scband reference (transcript-rebuilt; emitter-appended) ---
"""Pipeline reference for scband-jknet-gcnconv-23089744183638 (READ-ONLY COPY).

The authoritative reference and input builder live on the scoring server;
editing this copy changes nothing except your own understanding.
"""

import jax, jax.numpy as jnp
import numpy as np

N_NODES = 10000
N_EDGES = 320000
D_FEAT = 128
N_HID = 128
N_CLASS = 40


def setup_inputs(seed: int = 0) -> dict:
    key = jax.random.key(seed)
    ks = jax.random.split(key, 12)
    x = jax.random.normal(ks[0], (N_NODES, D_FEAT), dtype=jnp.float32)
    edge_index = jax.random.randint(ks[1], (2, N_EDGES), 0, N_NODES, dtype=jnp.int32)
    s0 = 1.0 / np.sqrt(D_FEAT)
    s1 = 1.0 / np.sqrt(N_HID)
    W0 = jax.random.normal(ks[2], (D_FEAT, N_HID), dtype=jnp.float32) * s0
    b0 = jnp.zeros((N_HID,), dtype=jnp.float32)
    W1 = jax.random.normal(ks[3], (N_HID, N_HID), dtype=jnp.float32) * s1
    b1 = jnp.zeros((N_HID,), dtype=jnp.float32)
    W2 = jax.random.normal(ks[4], (N_HID, N_HID), dtype=jnp.float32) * s1
    b2 = jnp.zeros((N_HID,), dtype=jnp.float32)
    Wo = jax.random.normal(ks[5], (N_HID, N_CLASS), dtype=jnp.float32) * s1
    bo = jnp.zeros((N_CLASS,), dtype=jnp.float32)
    return {"x": x, "edge_index": edge_index, "W0": W0, "b0": b0, "W1": W1, "b1": b1, "W2": W2, "b2": b2, "Wo": Wo, "bo": bo}


def reference(x, edge_index, W0, b0, W1, b1, W2, b2, Wo, bo):
    N = x.shape[0]
    loops = jnp.arange(N, dtype=edge_index.dtype)
    src = jnp.concatenate([edge_index[0], loops])
    dst = jnp.concatenate([edge_index[1], loops])
    deg = jnp.zeros((N,), jnp.float32).at[dst].add(1.0)
    dinv = jnp.where(deg > 0, jax.lax.rsqrt(jnp.maximum(deg, 1e-12)), 0.0)
    norm = dinv[src] * dinv[dst]

    def gcn_conv(h, W, b):
        m = h @ W
        msg = m[src] * norm[:, None]
        agg = jax.ops.segment_sum(msg, dst, num_segments=N)
        return agg + b

    # dropout omitted (eval mode: F.dropout with training=False is identity)
    x1 = jax.nn.relu(gcn_conv(x, W0, b0))
    x2 = jax.nn.relu(gcn_conv(x1, W1, b1))
    x3 = jax.nn.relu(gcn_conv(x2, W2, b2))
    # JumpingKnowledge mode='max': elementwise max over layer outputs (alpha is None)
    h = jnp.maximum(jnp.maximum(x1, x2), x3)
    return h @ Wo + bo

if __name__ == "__main__":
    import jax
    _d = setup_inputs()
    print(jax.jit(kernel)(*tuple(_d.values())))

</pallas_src>

<mosaic_0001>
#map = affine_map<(d0, d1) -> (0, 0, 0)>
#map1 = affine_map<(d0, d1) -> (0, 0)>
module attributes {stable_mosaic.version = 14 : i64} {
  func.func @_deg_body(%arg0: i32, %arg1: i32, %arg2: memref<32x79x128xi32, #tpu.memory_space<hbm>>, %arg3: memref<32x1x16xi32, #tpu.memory_space<hbm>>, %arg4: memref<10240x128xf32, #tpu.memory_space<hbm>>, %arg5: memref<128x128xf32, #tpu.memory_space<hbm>>, %arg6: memref<20480x128xf32, #tpu.memory_space<hbm>>, %arg7: memref<79x128xi32, #tpu.memory_space<vmem>>, %arg8: memref<1x16xi32, #tpu.memory_space<vmem>>, %arg9: memref<128x128xf32, #tpu.memory_space<vmem>>, %arg10: memref<10240x128xf32, #tpu.memory_space<vmem_shared>>, %arg11: memref<!tpu.dma_semaphore, #tpu.memory_space<semaphore_mem>>) attributes {dimension_semantics = [#tpu.dimension_semantics<core_parallel>, #tpu.dimension_semantics<subcore_parallel>], iteration_bounds = array<i64: 2, 16>, scalar_prefetch = 0 : i64, scratch_operands = 5 : i64, tpu.core_type = #tpu.core_type<sc_vector_subcore>, window_params = [{transform_indices = #map}, {transform_indices = #map}, {transform_indices = #map1}, {transform_indices = #map1}, {transform_indices = #map1}]} {
    %mul3A = arith.constant 16 : i32
    %mul3A_0 = arith.muli %arg0, %mul3A : i32
    %add3A = arith.addi %mul3A_0, %arg1 : i32
    "tpu.region"() ({
      %run_scoped3A = tpu.sem_alloc : memref<!tpu.dma_semaphore, #tpu.memory_space<semaphore_mem>>
      tpu.enqueue_dma source(%arg5 : memref<128x128xf32, #tpu.memory_space<hbm>>) target(%arg9 : memref<128x128xf32, #tpu.memory_space<vmem>>) target_semaphore(%run_scoped3A : memref<!tpu.dma_semaphore, #tpu.memory_space<semaphore_mem>>)
      tpu.wait_dma2 semaphore(%run_scoped3A : memref<!tpu.dma_semaphore, #tpu.memory_space<semaphore_mem>>) src(%arg5 : memref<128x128xf32, #tpu.memory_space<hbm>>) dst(%arg9 : memref<128x128xf32, #tpu.memory_space<vmem>>)
      tpu.yield
    }) : () -> ()
    "tpu.region"() ({
      %run_scoped3A = tpu.sem_alloc : memref<!tpu.dma_semaphore, #tpu.memory_space<semaphore_mem>>
      %dma_start3A_44 = arith.constant 0 : i32
      %dma_start3A_45 = arith.constant 0 : i32
      %dma_start3A_46 = tpu.memref_slice %arg2[%add3A, %dma_start3A_44, %dma_start3A_45] : memref<32x79x128xi32, #tpu.memory_space<hbm>> -> memref<1x79x128xi32, #tpu.memory_space<hbm>>
      %dma_start3A_47 = tpu.memref_squeeze %dma_start3A_46 : memref<1x79x128xi32, #tpu.memory_space<hbm>> -> memref<79x128xi32, #tpu.memory_space<hbm>>
      %dma_start3A_48 = arith.constant 0 : i32
      %dma_start3A_49 = arith.constant 0 : i32
      %dma_start3A_50 = tpu.memref_slice %arg2[%add3A, %dma_start3A_48, %dma_start3A_49] : memref<32x79x128xi32, #tpu.memory_space<hbm>> -> memref<1x79x128xi32, #tpu.memory_space<hbm>>
      %dma_start3A_51 = tpu.memref_squeeze %dma_start3A_50 : memref<1x79x128xi32, #tpu.memory_space<hbm>> -> memref<79x128xi32, #tpu.memory_space<hbm>>
      tpu.enqueue_dma source(%dma_start3A_51 : memref<79x128xi32, #tpu.memory_space<hbm>>) target(%arg7 : memref<79x128xi32, #tpu.memory_space<vmem>>) target_semaphore(%run_scoped3A : memref<!tpu.dma_semaphore, #tpu.memory_space<semaphore_mem>>)
      %dma_wait3A_52 = arith.constant 0 : i32
      %dma_wait3A_53 = arith.constant 0 : i32
      %dma_wait3A_54 = tpu.memref_slice %arg2[%add3A, %dma_wait3A_52, %dma_wait3A_53] : memref<32x79x128xi32, #tpu.memory_space<hbm>> -> memref<1x79x128xi32, #tpu.memory_space<hbm>>
      %dma_wait3A_55 = tpu.memref_squeeze %dma_wait3A_54 : memref<1x79x128xi32, #tpu.memory_space<hbm>> -> memref<79x128xi32, #tpu.memory_space<hbm>>
      %dma_wait3A_56 = arith.constant 0 : i32
      %dma_wait3A_57 = arith.constant 0 : i32
      %dma_wait3A_58 = tpu.memref_slice %arg2[%add3A, %dma_wait3A_56, %dma_wait3A_57] : memref<32x79x128xi32, #tpu.memory_space<hbm>> -> memref<1x79x128xi32, #tpu.memory_space<hbm>>
      %dma_wait3A_59 = tpu.memref_squeeze %dma_wait3A_58 : memref<1x79x128xi32, #tpu.memory_space<hbm>> -> memref<79x128xi32, #tpu.memory_space<hbm>>
      tpu.wait_dma2 semaphore(%run_scoped3A : memref<!tpu.dma_semaphore, #tpu.memory_space<semaphore_mem>>) src(%dma_wait3A_59 : memref<79x128xi32, #tpu.memory_space<hbm>>) dst(%arg7 : memref<79x128xi32, #tpu.memory_space<vmem>>)
      tpu.yield
    }) : () -> ()
    "tpu.region"() ({
      %run_scoped3A = tpu.sem_alloc : memref<!tpu.dma_semaphore, #tpu.memory_space<semaphore_mem>>
      %dma_start3A_44 = arith.constant 0 : i32
      %dma_start3A_45 = arith.constant 0 : i32
      %dma_start3A_46 = tpu.memref_slice %arg3[%add3A, %dma_start3A_44, %dma_start3A_45] : memref<32x1x16xi32, #tpu.memory_space<hbm>> -> memref<1x1x16xi32, #tpu.memory_space<hbm>>
      %dma_start3A_47 = tpu.memref_squeeze %dma_start3A_46 : memref<1x1x16xi32, #tpu.memory_space<hbm>> -> memref<1x16xi32, #tpu.memory_space<hbm>>
      %dma_start3A_48 = arith.constant 0 : i32
      %dma_start3A_49 = arith.constant 0 : i32
      %dma_start3A_50 = tpu.memref_slice %arg3[%add3A, %dma_start3A_48, %dma_start3A_49] : memref<32x1x16xi32, #tpu.memory_space<hbm>> -> memref<1x1x16xi32, #tpu.memory_space<hbm>>
      %dma_start3A_51 = tpu.memref_squeeze %dma_start3A_50 : memref<1x1x16xi32, #tpu.memory_space<hbm>> -> memref<1x16xi32, #tpu.memory_space<hbm>>
      tpu.enqueue_dma source(%dma_start3A_51 : memref<1x16xi32, #tpu.memory_space<hbm>>) target(%arg8 : memref<1x16xi32, #tpu.memory_space<vmem>>) target_semaphore(%run_scoped3A : memref<!tpu.dma_semaphore, #tpu.memory_space<semaphore_mem>>)
      %dma_wait3A_52 = arith.constant 0 : i32
      %dma_wait3A_53 = arith.constant 0 : i32
      %dma_wait3A_54 = tpu.memref_slice %arg3[%add3A, %dma_wait3A_52, %dma_wait3A_53] : memref<32x1x16xi32, #tpu.memory_space<hbm>> -> memref<1x1x16xi32, #tpu.memory_space<hbm>>
      %dma_wait3A_55 = tpu.memref_squeeze %dma_wait3A_54 : memref<1x1x16xi32, #tpu.memory_space<hbm>> -> memref<1x16xi32, #tpu.memory_space<hbm>>
      %dma_wait3A_56 = arith.constant 0 : i32
      %dma_wait3A_57 = arith.constant 0 : i32
      %dma_wait3A_58 = tpu.memref_slice %arg3[%add3A, %dma_wait3A_56, %dma_wait3A_57] : memref<32x1x16xi32, #tpu.memory_space<hbm>> -> memref<1x1x16xi32, #tpu.memory_space<hbm>>
      %dma_wait3A_59 = tpu.memref_squeeze %dma_wait3A_58 : memref<1x1x16xi32, #tpu.memory_space<hbm>> -> memref<1x16xi32, #tpu.memory_space<hbm>>
      tpu.wait_dma2 semaphore(%run_scoped3A : memref<!tpu.dma_semaphore, #tpu.memory_space<semaphore_mem>>) src(%dma_wait3A_59 : memref<1x16xi32, #tpu.memory_space<hbm>>) dst(%arg8 : memref<1x16xi32, #tpu.memory_space<vmem>>)
      tpu.yield
    }) : () -> ()
    %mul3A_1 = arith.constant 640 : i32
    %mul3A_2 = arith.muli %arg1, %mul3A_1 : i32
    %mul3A_3 = arith.constant 640 : i32
    %mul3A_4 = arith.muli %arg1, %mul3A_3 : i32
    "tpu.region"() ({
      %run_scoped3A = tpu.sem_alloc : memref<!tpu.dma_semaphore, #tpu.memory_space<semaphore_mem>>
      %dma_start3A_44 = arith.constant 0 : i32
      %dma_start3A_45 = tpu.memref_slice %arg10[%mul3A_4, %dma_start3A_44] : memref<10240x128xf32, #tpu.memory_space<vmem_shared>> -> memref<640x128xf32, #tpu.memory_space<vmem_shared>>
      %dma_start3A_46 = arith.constant 0 : i32
      %dma_start3A_47 = tpu.memref_slice %arg4[%mul3A_2, %dma_start3A_46] : memref<10240x128xf32, #tpu.memory_space<hbm>> -> memref<640x128xf32, #tpu.memory_space<hbm>>
      tpu.enqueue_dma source(%dma_start3A_47 : memref<640x128xf32, #tpu.memory_space<hbm>>) target(%dma_start3A_45 : memref<640x128xf32, #tpu.memory_space<vmem_shared>>) target_semaphore(%run_scoped3A : memref<!tpu.dma_semaphore, #tpu.memory_space<semaphore_mem>>)
      %dma_wait3A_48 = arith.constant 0 : i32
      %dma_wait3A_49 = tpu.memref_slice %arg10[%mul3A_4, %dma_wait3A_48] : memref<10240x128xf32, #tpu.memory_space<vmem_shared>> -> memref<640x128xf32, #tpu.memory_space<vmem_shared>>
      %dma_wait3A_50 = arith.constant 0 : i32
      %dma_wait3A_51 = tpu.memref_slice %arg4[%mul3A_2, %dma_wait3A_50] : memref<10240x128xf32, #tpu.memory_space<hbm>> -> memref<640x128xf32, #tpu.memory_space<hbm>>
      tpu.wait_dma2 semaphore(%run_scoped3A : memref<!tpu.dma_semaphore, #tpu.memory_space<semaphore_mem>>) src(%dma_wait3A_51 : memref<640x128xf32, #tpu.memory_space<hbm>>) dst(%dma_wait3A_49 : memref<640x128xf32, #tpu.memory_space<vmem_shared>>)
      tpu.yield
    }) : () -> ()
    %barrier3A = arith.constant 0 : index
    tpu.barrier barrier_id(%barrier3A)
    %scan3A = arith.constant 0 : i32
    %scan3A_5 = arith.constant 0 : i32
    %scan3A_6 = arith.constant 78 : i32
    %scan3A_7 = arith.addi %scan3A_5, %scan3A_6 : i32
    %scan3A_8 = arith.constant 1 : i32
    %scan3A_9 = scf.for %scan3A_44 = %scan3A_5 to %scan3A_7 step %scan3A_8 iter_args(%scan3A_45 = %scan3A) -> (i32)  : i32 {
      %dma_start3A_46 = arith.constant 0 : i32
      %dma_start3A_47 = tpu.memref_slice %arg7[%scan3A_44, %dma_start3A_46] : memref<79x128xi32, #tpu.memory_space<vmem>> -> memref<1x128xi32, #tpu.memory_space<vmem>>
      %dma_start3A_48 = tpu.memref_squeeze %dma_start3A_47 : memref<1x128xi32, #tpu.memory_space<vmem>> -> memref<128xi32, #tpu.memory_space<vmem>>
      %dma_start3A_49 = arith.constant 0 : i32
      %dma_start3A_50 = arith.constant 0 : i32
      %dma_start3A_51 = tpu.memref_slice %arg10[%dma_start3A_49, %dma_start3A_50] : memref<10240x128xf32, #tpu.memory_space<vmem_shared>> -> memref<10240x128xf32, #tpu.memory_space<vmem_shared>>
      tpu.enqueue_indirect_dma source(%arg9 : memref<128x128xf32, #tpu.memory_space<vmem>>) target(%dma_start3A_51 : memref<10240x128xf32, #tpu.memory_space<vmem_shared>>) offsets(%dma_start3A_48 : memref<128xi32, #tpu.memory_space<vmem>>) semaphore(%arg11 : memref<!tpu.dma_semaphore, #tpu.memory_space<semaphore_mem>>) {add = true}
      %scan3A_52 = arith.constant 0 : i32
      scf.yield %scan3A_52 : i32
    }
    %scan3A_10 = arith.constant 78 : i32
    %dma_start3A = arith.constant 0 : i32
    %dma_start3A_11 = arith.constant 0 : i32
    %dma_start3A_12 = arith.constant 0 : i32
    %dma_start3A_13 = tpu.memref_slice %arg9[%dma_start3A_11, %dma_start3A_12] : memref<128x128xf32, #tpu.memory_space<vmem>> -> memref<16x128xf32, #tpu.memory_space<vmem>>
    %dma_start3A_14 = arith.constant 0 : i32
    %dma_start3A_15 = tpu.memref_slice %arg8[%dma_start3A, %dma_start3A_14] : memref<1x16xi32, #tpu.memory_space<vmem>> -> memref<1x16xi32, #tpu.memory_space<vmem>>
    %dma_start3A_16 = tpu.memref_squeeze %dma_start3A_15 : memref<1x16xi32, #tpu.memory_space<vmem>> -> memref<16xi32, #tpu.memory_space<vmem>>
    %dma_start3A_17 = arith.constant 0 : i32
    %dma_start3A_18 = arith.constant 0 : i32
    %dma_start3A_19 = tpu.memref_slice %arg10[%dma_start3A_17, %dma_start3A_18] : memref<10240x128xf32, #tpu.memory_space<vmem_shared>> -> memref<10240x128xf32, #tpu.memory_space<vmem_shared>>
    tpu.enqueue_indirect_dma source(%dma_start3A_13 : memref<16x128xf32, #tpu.memory_space<vmem>>) target(%dma_start3A_19 : memref<10240x128xf32, #tpu.memory_space<vmem_shared>>) offsets(%dma_start3A_16 : memref<16xi32, #tpu.memory_space<vmem>>) semaphore(%arg11 : memref<!tpu.dma_semaphore, #tpu.memory_space<semaphore_mem>>) {add = true}
    %scan3A_20 = arith.constant 0 : i32
    %scan3A_21 = arith.constant 0 : i32
    %scan3A_22 = arith.constant 78 : i32
    %scan3A_23 = arith.addi %scan3A_21, %scan3A_22 : i32
    %scan3A_24 = arith.constant 1 : i32
    %scan3A_25 = scf.for %scan3A_44 = %scan3A_21 to %scan3A_23 step %scan3A_24 iter_args(%scan3A_45 = %scan3A_20) -> (i32)  : i32 {
      %dma_wait3A_46 = arith.constant 0 : i32
      %dma_wait3A_47 = tpu.memref_slice %arg7[%scan3A_44, %dma_wait3A_46] : memref<79x128xi32, #tpu.memory_space<vmem>> -> memref<1x128xi32, #tpu.memory_space<vmem>>
      %dma_wait3A_48 = tpu.memref_squeeze %dma_wait3A_47 : memref<1x128xi32, #tpu.memory_space<vmem>> -> memref<128xi32, #tpu.memory_space<vmem>>
      %dma_wait3A_49 = arith.constant 0 : i32
      %dma_wait3A_50 = arith.constant 0 : i32
      %dma_wait3A_51 = tpu.memref_slice %arg10[%dma_wait3A_49, %dma_wait3A_50] : memref<10240x128xf32, #tpu.memory_space<vmem_shared>> -> memref<10240x128xf32, #tpu.memory_space<vmem_shared>>
      tpu.wait_indirect_dma semaphore(%arg11 : memref<!tpu.dma_semaphore, #tpu.memory_space<semaphore_mem>>) src(%arg9 : memref<128x128xf32, #tpu.memory_space<vmem>>) dst(%dma_wait3A_51 : memref<10240x128xf32, #tpu.memory_space<vmem_shared>>)
      %scan3A_52 = arith.constant 0 : i32
      scf.yield %scan3A_52 : i32
    }
    %scan3A_26 = arith.constant 78 : i32
    %dma_wait3A = arith.constant 0 : i32
    %dma_wait3A_27 = arith.constant 0 : i32
    %dma_wait3A_28 = arith.constant 0 : i32
    %dma_wait3A_29 = tpu.memref_slice %arg9[%dma_wait3A_27, %dma_wait3A_28] : memref<128x128xf32, #tpu.memory_space<vmem>> -> memref<16x128xf32, #tpu.memory_space<vmem>>
    %dma_wait3A_30 = arith.constant 0 : i32
    %dma_wait3A_31 = tpu.memref_slice %arg8[%dma_wait3A, %dma_wait3A_30] : memref<1x16xi32, #tpu.memory_space<vmem>> -> memref<1x16xi32, #tpu.memory_space<vmem>>
    %dma_wait3A_32 = tpu.memref_squeeze %dma_wait3A_31 : memref<1x16xi32, #tpu.memory_space<vmem>> -> memref<16xi32, #tpu.memory_space<vmem>>
    %dma_wait3A_33 = arith.constant 0 : i32
    %dma_wait3A_34 = arith.constant 0 : i32
    %dma_wait3A_35 = tpu.memref_slice %arg10[%dma_wait3A_33, %dma_wait3A_34] : memref<10240x128xf32, #tpu.memory_space<vmem_shared>> -> memref<10240x128xf32, #tpu.memory_space<vmem_shared>>
    tpu.wait_indirect_dma semaphore(%arg11 : memref<!tpu.dma_semaphore, #tpu.memory_space<semaphore_mem>>) src(%dma_wait3A_29 : memref<16x128xf32, #tpu.memory_space<vmem>>) dst(%dma_wait3A_35 : memref<10240x128xf32, #tpu.memory_space<vmem_shared>>)
    %barrier3A_36 = arith.constant 0 : index
    tpu.barrier barrier_id(%barrier3A_36)
    %mul3A_37 = arith.constant 640 : i32
    %mul3A_38 = arith.muli %arg1, %mul3A_37 : i32
    %mul3A_39 = arith.constant 10240 : i32
    %mul3A_40 = arith.muli %arg0, %mul3A_39 : i32
    %mul3A_41 = arith.constant 640 : i32
    %mul3A_42 = arith.muli %arg1, %mul3A_41 : i32
    %add3A_43 = arith.addi %mul3A_40, %mul3A_42 : i32
    "tpu.region"() ({
      %run_scoped3A = tpu.sem_alloc : memref<!tpu.dma_semaphore, #tpu.memory_space<semaphore_mem>>
      %dma_start3A_44 = arith.constant 0 : i32
      %dma_start3A_45 = tpu.memref_slice %arg6[%add3A_43, %dma_start3A_44] : memref<20480x128xf32, #tpu.memory_space<hbm>> -> memref<640x128xf32, #tpu.memory_space<hbm>>
      %dma_start3A_46 = arith.constant 0 : i32
      %dma_start3A_47 = tpu.memref_slice %arg10[%mul3A_38, %dma_start3A_46] : memref<10240x128xf32, #tpu.memory_space<vmem_shared>> -> memref<640x128xf32, #tpu.memory_space<vmem_shared>>
      tpu.enqueue_dma source(%dma_start3A_47 : memref<640x128xf32, #tpu.memory_space<vmem_shared>>) target(%dma_start3A_45 : memref<640x128xf32, #tpu.memory_space<hbm>>) target_semaphore(%run_scoped3A : memref<!tpu.dma_semaphore, #tpu.memory_space<semaphore_mem>>)
      %dma_wait3A_48 = arith.constant 0 : i32
      %dma_wait3A_49 = tpu.memref_slice %arg6[%add3A_43, %dma_wait3A_48] : memref<20480x128xf32, #tpu.memory_space<hbm>> -> memref<640x128xf32, #tpu.memory_space<hbm>>
      %dma_wait3A_50 = arith.constant 0 : i32
      %dma_wait3A_51 = tpu.memref_slice %arg10[%mul3A_38, %dma_wait3A_50] : memref<10240x128xf32, #tpu.memory_space<vmem_shared>> -> memref<640x128xf32, #tpu.memory_space<vmem_shared>>
      tpu.wait_dma2 semaphore(%run_scoped3A : memref<!tpu.dma_semaphore, #tpu.memory_space<semaphore_mem>>) src(%dma_wait3A_51 : memref<640x128xf32, #tpu.memory_space<vmem_shared>>) dst(%dma_wait3A_49 : memref<640x128xf32, #tpu.memory_space<hbm>>)
      tpu.yield
    }) : () -> ()
    return
  }
}

#map = affine_map<(d0, d1) -> (0)>
#map1 = affine_map<(d0, d1) -> (0, 0, 0)>
#map2 = affine_map<(d0, d1) -> (0, 0)>
module attributes {stable_mosaic.version = 14 : i64} {
  func.func @_agg_body(%arg0: i32, %arg1: i32, %arg2: memref<323584xi32, #tpu.memory_space<hbm>>, %arg3: memref<32x79x128xi32, #tpu.memory_space<hbm>>, %arg4: memref<32x1x16xi32, #tpu.memory_space<hbm>>, %arg5: memref<10240x128xf32, #tpu.memory_space<hbm>>, %arg6: memref<10240x128xf32, #tpu.memory_space<hbm>>, %arg7: memref<20480x128xf32, #tpu.memory_space<hbm>>, %arg8: memref<5120xi32, #tpu.memory_space<vmem>>, %arg9: memref<79x128xi32, #tpu.memory_space<vmem>>, %arg10: memref<1x16xi32, #tpu.memory_space<vmem>>, %arg11: memref<128x128xf32, #tpu.memory_space<vmem>>, %arg12: memref<128x128xf32, #tpu.memory_space<vmem>>, %arg13: memref<10240x128xf32, #tpu.memory_space<vmem_shared>>, %arg14: memref<!tpu.dma_semaphore, #tpu.memory_space<semaphore_mem>>, %arg15: memref<!tpu.dma_semaphore, #tpu.memory_space<semaphore_mem>>) attributes {dimension_semantics = [#tpu.dimension_semantics<core_parallel>, #tpu.dimension_semantics<subcore_parallel>], iteration_bounds = array<i64: 2, 16>, scalar_prefetch = 0 : i64, scratch_operands = 8 : i64, tpu.core_type = #tpu.core_type<sc_vector_subcore>, window_params = [{transform_indices = #map}, {transform_indices = #map1}, {transform_indices = #map1}, {transform_indices = #map2}, {transform_indices = #map2}, {transform_indices = #map2}]} {
    %mul3A = arith.constant 16 : i32
    %mul3A_0 = arith.muli %arg0, %mul3A : i32
    %add3A = arith.addi %mul3A_0, %arg1 : i32
    "tpu.region"() ({
      %run_scoped3A_60 = tpu.sem_alloc : memref<!tpu.dma_semaphore, #tpu.memory_space<semaphore_mem>>
      %dma_start3A_61 = arith.constant 0 : i32
      %dma_start3A_62 = arith.constant 0 : i32
      %dma_start3A_63 = tpu.memref_slice %arg3[%add3A, %dma_start3A_61, %dma_start3A_62] : memref<32x79x128xi32, #tpu.memory_space<hbm>> -> memref<1x79x128xi32, #tpu.memory_space<hbm>>
      %dma_start3A_64 = tpu.memref_squeeze %dma_start3A_63 : memref<1x79x128xi32, #tpu.memory_space<hbm>> -> memref<79x128xi32, #tpu.memory_space<hbm>>
      %dma_start3A_65 = arith.constant 0 : i32
      %dma_start3A_66 = arith.constant 0 : i32
      %dma_start3A_67 = tpu.memref_slice %arg3[%add3A, %dma_start3A_65, %dma_start3A_66] : memref<32x79x128xi32, #tpu.memory_space<hbm>> -> memref<1x79x128xi32, #tpu.memory_space<hbm>>
      %dma_start3A_68 = tpu.memref_squeeze %dma_start3A_67 : memref<1x79x128xi32, #tpu.memory_space<hbm>> -> memref<79x128xi32, #tpu.memory_space<hbm>>
      tpu.enqueue_dma source(%dma_start3A_68 : memref<79x128xi32, #tpu.memory_space<hbm>>) target(%arg9 : memref<79x128xi32, #tpu.memory_space<vmem>>) target_semaphore(%run_scoped3A_60 : memref<!tpu.dma_semaphore, #tpu.memory_space<semaphore_mem>>)
      %dma_wait3A_69 = arith.constant 0 : i32
      %dma_wait3A_70 = arith.constant 0 : i32
      %dma_wait3A_71 = tpu.memref_slice %arg3[%add3A, %dma_wait3A_69, %dma_wait3A_70] : memref<32x79x128xi32, #tpu.memory_space<hbm>> -> memref<1x79x128xi32, #tpu.memory_space<hbm>>
      %dma_wait3A_72 = tpu.memref_squeeze %dma_wait3A_71 : memref<1x79x128xi32, #tpu.memory_space<hbm>> -> memref<79x128xi32, #tpu.memory_space<hbm>>
      %dma_wait3A_73 = arith.constant 0 : i32
      %dma_wait3A_74 = arith.constant 0 : i32
      %dma_wait3A_75 = tpu.memref_slice %arg3[%add3A, %dma_wait3A_73, %dma_wait3A_74] : memref<32x79x128xi32, #tpu.memory_space<hbm>> -> memref<1x79x128xi32, #tpu.memory_space<hbm>>
      %dma_wait3A_76 = tpu.memref_squeeze %dma_wait3A_75 : memref<1x79x128xi32, #tpu.memory_space<hbm>> -> memref<79x128xi32, #tpu.memory_space<hbm>>
      tpu.wait_dma2 semaphore(%run_scoped3A_60 : memref<!tpu.dma_semaphore, #tpu.memory_space<semaphore_mem>>) src(%dma_wait3A_76 : memref<79x128xi32, #tpu.memory_space<hbm>>) dst(%arg9 : memref<79x128xi32, #tpu.memory_space<vmem>>)
      tpu.yield
    }) : () -> ()
    "tpu.region"() ({
      %run_scoped3A_60 = tpu.sem_alloc : memref<!tpu.dma_semaphore, #tpu.memory_space<semaphore_mem>>
      %dma_start3A_61 = arith.constant 0 : i32
      %dma_start3A_62 = arith.constant 0 : i32
      %dma_start3A_63 = tpu.memref_slice %arg4[%add3A, %dma_start3A_61, %dma_start3A_62] : memref<32x1x16xi32, #tpu.memory_space<hbm>> -> memref<1x1x16xi32, #tpu.memory_space<hbm>>
      %dma_start3A_64 = tpu.memref_squeeze %dma_start3A_63 : memref<1x1x16xi32, #tpu.memory_space<hbm>> -> memref<1x16xi32, #tpu.memory_space<hbm>>
      %dma_start3A_65 = arith.constant 0 : i32
      %dma_start3A_66 = arith.constant 0 : i32
      %dma_start3A_67 = tpu.memref_slice %arg4[%add3A, %dma_start3A_65, %dma_start3A_66] : memref<32x1x16xi32, #tpu.memory_space<hbm>> -> memref<1x1x16xi32, #tpu.memory_space<hbm>>
      %dma_start3A_68 = tpu.memref_squeeze %dma_start3A_67 : memref<1x1x16xi32, #tpu.memory_space<hbm>> -> memref<1x16xi32, #tpu.memory_space<hbm>>
      tpu.enqueue_dma source(%dma_start3A_68 : memref<1x16xi32, #tpu.memory_space<hbm>>) target(%arg10 : memref<1x16xi32, #tpu.memory_space<vmem>>) target_semaphore(%run_scoped3A_60 : memref<!tpu.dma_semaphore, #tpu.memory_space<semaphore_mem>>)
      %dma_wait3A_69 = arith.constant 0 : i32
      %dma_wait3A_70 = arith.constant 0 : i32
      %dma_wait3A_71 = tpu.memref_slice %arg4[%add3A, %dma_wait3A_69, %dma_wait3A_70] : memref<32x1x16xi32, #tpu.memory_space<hbm>> -> memref<1x1x16xi32, #tpu.memory_space<hbm>>
      %dma_wait3A_72 = tpu.memref_squeeze %dma_wait3A_71 : memref<1x1x16xi32, #tpu.memory_space<hbm>> -> memref<1x16xi32, #tpu.memory_space<hbm>>
      %dma_wait3A_73 = arith.constant 0 : i32
      %dma_wait3A_74 = arith.constant 0 : i32
      %dma_wait3A_75 = tpu.memref_slice %arg4[%add3A, %dma_wait3A_73, %dma_wait3A_74] : memref<32x1x16xi32, #tpu.memory_space<hbm>> -> memref<1x1x16xi32, #tpu.memory_space<hbm>>
      %dma_wait3A_76 = tpu.memref_squeeze %dma_wait3A_75 : memref<1x1x16xi32, #tpu.memory_space<hbm>> -> memref<1x16xi32, #tpu.memory_space<hbm>>
      tpu.wait_dma2 semaphore(%run_scoped3A_60 : memref<!tpu.dma_semaphore, #tpu.memory_space<semaphore_mem>>) src(%dma_wait3A_76 : memref<1x16xi32, #tpu.memory_space<hbm>>) dst(%arg10 : memref<1x16xi32, #tpu.memory_space<vmem>>)
      tpu.yield
    }) : () -> ()
    %mul3A_1 = arith.constant 640 : i32
    %mul3A_2 = arith.muli %arg1, %mul3A_1 : i32
    %mul3A_3 = arith.constant 640 : i32
    %mul3A_4 = arith.muli %arg1, %mul3A_3 : i32
    "tpu.region"() ({
      %run_scoped3A_60 = tpu.sem_alloc : memref<!tpu.dma_semaphore, #tpu.memory_space<semaphore_mem>>
      %dma_start3A_61 = arith.constant 0 : i32
      %dma_start3A_62 = tpu.memref_slice %arg13[%mul3A_4, %dma_start3A_61] : memref<10240x128xf32, #tpu.memory_space<vmem_shared>> -> memref<640x128xf32, #tpu.memory_space<vmem_shared>>
      %dma_start3A_63 = arith.constant 0 : i32
      %dma_start3A_64 = tpu.memref_slice %arg6[%mul3A_2, %dma_start3A_63] : memref<10240x128xf32, #tpu.memory_space<hbm>> -> memref<640x128xf32, #tpu.memory_space<hbm>>
      tpu.enqueue_dma source(%dma_start3A_64 : memref<640x128xf32, #tpu.memory_space<hbm>>) target(%dma_start3A_62 : memref<640x128xf32, #tpu.memory_space<vmem_shared>>) target_semaphore(%run_scoped3A_60 : memref<!tpu.dma_semaphore, #tpu.memory_space<semaphore_mem>>)
      %dma_wait3A_65 = arith.constant 0 : i32
      %dma_wait3A_66 = tpu.memref_slice %arg13[%mul3A_4, %dma_wait3A_65] : memref<10240x128xf32, #tpu.memory_space<vmem_shared>> -> memref<640x128xf32, #tpu.memory_space<vmem_shared>>
      %dma_wait3A_67 = arith.constant 0 : i32
      %dma_wait3A_68 = tpu.memref_slice %arg6[%mul3A_2, %dma_wait3A_67] : memref<10240x128xf32, #tpu.memory_space<hbm>> -> memref<640x128xf32, #tpu.memory_space<hbm>>
      tpu.wait_dma2 semaphore(%run_scoped3A_60 : memref<!tpu.dma_semaphore, #tpu.memory_space<semaphore_mem>>) src(%dma_wait3A_68 : memref<640x128xf32, #tpu.memory_space<hbm>>) dst(%dma_wait3A_66 : memref<640x128xf32, #tpu.memory_space<vmem_shared>>)
      tpu.yield
    }) : () -> ()
    %barrier3A = arith.constant 0 : index
    tpu.barrier barrier_id(%barrier3A)
    %mul3A_5 = arith.constant 10112 : i32
    %mul3A_6 = arith.muli %add3A, %mul3A_5 : i32
    "tpu.region"() ({
      %run_scoped3A_60 = tpu.sem_alloc : memref<!tpu.dma_semaphore, #tpu.memory_space<semaphore_mem>>
      %dma_start3A_61 = tpu.memref_slice %arg2[%mul3A_6] : memref<323584xi32, #tpu.memory_space<hbm>> -> memref<5120xi32, #tpu.memory_space<hbm>>
      %dma_start3A_62 = tpu.memref_slice %arg2[%mul3A_6] : memref<323584xi32, #tpu.memory_space<hbm>> -> memref<5120xi32, #tpu.memory_space<hbm>>
      tpu.enqueue_dma source(%dma_start3A_62 : memref<5120xi32, #tpu.memory_space<hbm>>) target(%arg8 : memref<5120xi32, #tpu.memory_space<vmem>>) target_semaphore(%run_scoped3A_60 : memref<!tpu.dma_semaphore, #tpu.memory_space<semaphore_mem>>)
      %dma_wait3A_63 = tpu.memref_slice %arg2[%mul3A_6] : memref<323584xi32, #tpu.memory_space<hbm>> -> memref<5120xi32, #tpu.memory_space<hbm>>
      %dma_wait3A_64 = tpu.memref_slice %arg2[%mul3A_6] : memref<323584xi32, #tpu.memory_space<hbm>> -> memref<5120xi32, #tpu.memory_space<hbm>>
      tpu.wait_dma2 semaphore(%run_scoped3A_60 : memref<!tpu.dma_semaphore, #tpu.memory_space<semaphore_mem>>) src(%dma_wait3A_64 : memref<5120xi32, #tpu.memory_space<hbm>>) dst(%arg8 : memref<5120xi32, #tpu.memory_space<vmem>>)
      tpu.yield
    }) : () -> ()
    %dma_start3A = arith.constant 0 : i32
    %dma_start3A_7 = tpu.memref_slice %arg8[%dma_start3A] : memref<5120xi32, #tpu.memory_space<vmem>> -> memref<128xi32, #tpu.memory_space<vmem>>
    %dma_start3A_8 = arith.constant 0 : i32
    %dma_start3A_9 = arith.constant 0 : i32
    %dma_start3A_10 = tpu.memref_slice %arg5[%dma_start3A_8, %dma_start3A_9] : memref<10240x128xf32, #tpu.memory_space<hbm>> -> memref<10240x128xf32, #tpu.memory_space<hbm>>
    tpu.enqueue_indirect_dma source(%dma_start3A_10 : memref<10240x128xf32, #tpu.memory_space<hbm>>) target(%arg11 : memref<128x128xf32, #tpu.memory_space<vmem>>) offsets(%dma_start3A_7 : memref<128xi32, #tpu.memory_space<vmem>>) semaphore(%arg14 : memref<!tpu.dma_semaphore, #tpu.memory_space<semaphore_mem>>)
    %scan3A = arith.constant 0 : i32
    %scan3A_11 = arith.constant 0 : i32
    %scan3A_12 = arith.constant 20 : i32
    %scan3A_13 = arith.addi %scan3A_11, %scan3A_12 : i32
    %scan3A_14 = arith.constant 1 : i32
    %scan3A_15 = scf.for %scan3A_60 = %scan3A_11 to %scan3A_13 step %scan3A_14 iter_args(%scan3A_61 = %scan3A) -> (i32)  : i32 {
      %mul3A_62 = arith.constant 2 : i32
      %mul3A_63 = arith.muli %mul3A_62, %scan3A_60 : i32
      %add3A_64 = arith.constant 1 : i32
      %add3A_65 = arith.addi %mul3A_63, %add3A_64 : i32
      %mul3A_66 = arith.constant 128 : i32
      %mul3A_67 = arith.muli %add3A_65, %mul3A_66 : i32
      %dma_start3A_68 = tpu.memref_slice %arg8[%mul3A_67] : memref<5120xi32, #tpu.memory_space<vmem>> -> memref<128xi32, #tpu.memory_space<vmem>>
      %dma_start3A_69 = arith.constant 0 : i32
      %dma_start3A_70 = arith.constant 0 : i32
      %dma_start3A_71 = tpu.memref_slice %arg5[%dma_start3A_69, %dma_start3A_70] : memref<10240x128xf32, #tpu.memory_space<hbm>> -> memref<10240x128xf32, #tpu.memory_space<hbm>>
      tpu.enqueue_indirect_dma source(%dma_start3A_71 : memref<10240x128xf32, #tpu.memory_space<hbm>>) target(%arg12 : memref<128x128xf32, #tpu.memory_space<vmem>>) offsets(%dma_start3A_68 : memref<128xi32, #tpu.memory_space<vmem>>) semaphore(%arg15 : memref<!tpu.dma_semaphore, #tpu.memory_space<semaphore_mem>>)
      %dma_wait3A_72 = arith.constant 0 : i32
      %dma_wait3A_73 = tpu.memref_slice %arg8[%dma_wait3A_72] : memref<5120xi32, #tpu.memory_space<vmem>> -> memref<128xi32, #tpu.memory_space<vmem>>
      %dma_wait3A_74 = arith.constant 0 : i32
      %dma_wait3A_75 = arith.constant 0 : i32
      %dma_wait3A_76 = tpu.memref_slice %arg5[%dma_wait3A_74, %dma_wait3A_75] : memref<10240x128xf32, #tpu.memory_space<hbm>> -> memref<10240x128xf32, #tpu.memory_space<hbm>>
      tpu.wait_indirect_dma semaphore(%arg14 : memref<!tpu.dma_semaphore, #tpu.memory_space<semaphore_mem>>) src(%dma_wait3A_76 : memref<10240x128xf32, #tpu.memory_space<hbm>>) dst(%arg11 : memref<128x128xf32, #tpu.memory_space<vmem>>)
      %mul3A_77 = arith.constant 2 : i32
      %mul3A_78 = arith.muli %mul3A_77, %scan3A_60 : i32
      %add3A_79 = arith.constant 0 : i32
      %add3A_80 = arith.addi %add3A_79, %mul3A_78 : i32
      "tpu.region"() ({
        %run_scoped3A_95 = tpu.sem_alloc : memref<!tpu.dma_semaphore, #tpu.memory_space<semaphore_mem>>
        %dma_start3A_96 = arith.constant 0 : i32
        %dma_start3A_97 = tpu.memref_slice %arg9[%add3A_80, %dma_start3A_96] : memref<79x128xi32, #tpu.memory_space<vmem>> -> memref<1x128xi32, #tpu.memory_space<vmem>>
        %dma_start3A_98 = tpu.memref_squeeze %dma_start3A_97 : memref<1x128xi32, #tpu.memory_space<vmem>> -> memref<128xi32, #tpu.memory_space<vmem>>
        %dma_start3A_99 = arith.constant 0 : i32
        %dma_start3A_100 = arith.constant 0 : i32
        %dma_start3A_101 = tpu.memref_slice %arg13[%dma_start3A_99, %dma_start3A_100] : memref<10240x128xf32, #tpu.memory_space<vmem_shared>> -> memref<10240x128xf32, #tpu.memory_space<vmem_shared>>
        tpu.enqueue_indirect_dma source(%arg11 : memref<128x128xf32, #tpu.memory_space<vmem>>) target(%dma_start3A_101 : memref<10240x128xf32, #tpu.memory_space<vmem_shared>>) offsets(%dma_start3A_98 : memref<128xi32, #tpu.memory_space<vmem>>) semaphore(%run_scoped3A_95 : memref<!tpu.dma_semaphore, #tpu.memory_space<semaphore_mem>>) {add = true}
        %dma_wait3A_102 = arith.constant 0 : i32
        %dma_wait3A_103 = tpu.memref_slice %arg9[%add3A_80, %dma_wait3A_102] : memref<79x128xi32, #tpu.memory_space<vmem>> -> memref<1x128xi32, #tpu.memory_space<vmem>>
        %dma_wait3A_104 = tpu.memref_squeeze %dma_wait3A_103 : memref<1x128xi32, #tpu.memory_space<vmem>> -> memref<128xi32, #tpu.memory_space<vmem>>
        %dma_wait3A_105 = arith.constant 0 : i32
        %dma_wait3A_106 = arith.constant 0 : i32
        %dma_wait3A_107 = tpu.memref_slice %arg13[%dma_wait3A_105, %dma_wait3A_106] : memref<10240x128xf32, #tpu.memory_space<vmem_shared>> -> memref<10240x128xf32, #tpu.memory_space<vmem_shared>>
        tpu.wait_indirect_dma semaphore(%run_scoped3A_95 : memref<!tpu.dma_semaphore, #tpu.memory_space<semaphore_mem>>) src(%arg11 : memref<128x128xf32, #tpu.memory_space<vmem>>) dst(%dma_wait3A_107 : memref<10240x128xf32, #tpu.memory_space<vmem_shared>>)
        tpu.yield
      }) : () -> ()
      %lt3A = arith.constant 19 : i32
      %lt3A_81 = arith.cmpi slt, %scan3A_60, %lt3A : i32
      %convert_element_type3A = arith.extui %lt3A_81 : i1 to i32
      %cond3A = arith.constant 0 : i32
      %cond3A_82 = arith.cmpi ne, %convert_element_type3A, %cond3A : i32
      scf.if %cond3A_82 {
        %mul3A_95 = arith.constant 2 : i32
        %mul3A_96 = arith.muli %mul3A_95, %scan3A_60 : i32
        %add3A_97 = arith.constant 2 : i32
        %add3A_98 = arith.addi %mul3A_96, %add3A_97 : i32
        %mul3A_99 = arith.constant 128 : i32
        %mul3A_100 = arith.muli %add3A_98, %mul3A_99 : i32
        %dma_start3A_101 = tpu.memref_slice %arg8[%mul3A_100] : memref<5120xi32, #tpu.memory_space<vmem>> -> memref<128xi32, #tpu.memory_space<vmem>>
        %dma_start3A_102 = arith.constant 0 : i32
        %dma_start3A_103 = arith.constant 0 : i32
        %dma_start3A_104 = tpu.memref_slice %arg5[%dma_start3A_102, %dma_start3A_103] : memref<10240x128xf32, #tpu.memory_space<hbm>> -> memref<10240x128xf32, #tpu.memory_space<hbm>>
        tpu.enqueue_indirect_dma source(%dma_start3A_104 : memref<10240x128xf32, #tpu.memory_space<hbm>>) target(%arg11 : memref<128x128xf32, #tpu.memory_space<vmem>>) offsets(%dma_start3A_101 : memref<128xi32, #tpu.memory_space<vmem>>) semaphore(%arg14 : memref<!tpu.dma_semaphore, #tpu.memory_space<semaphore_mem>>)
      } else {
      }
      %dma_wait3A_83 = arith.constant 0 : i32
      %dma_wait3A_84 = tpu.memref_slice %arg8[%dma_wait3A_83] : memref<5120xi32, #tpu.memory_space<vmem>> -> memref<128xi32, #tpu.memory_space<vmem>>
      %dma_wait3A_85 = arith.constant 0 : i32
      %dma_wait3A_86 = arith.constant 0 : i32
      %dma_wait3A_87 = tpu.memref_slice %arg5[%dma_wait3A_85, %dma_wait3A_86] : memref<10240x128xf32, #tpu.memory_space<hbm>> -> memref<10240x128xf32, #tpu.memory_space<hbm>>
      tpu.wait_indirect_dma semaphore(%arg15 : memref<!tpu.dma_semaphore, #tpu.memory_space<semaphore_mem>>) src(%dma_wait3A_87 : memref<10240x128xf32, #tpu.memory_space<hbm>>) dst(%arg12 : memref<128x128xf32, #tpu.memory_space<vmem>>)
      %mul3A_88 = arith.constant 2 : i32
      %mul3A_89 = arith.muli %mul3A_88, %scan3A_60 : i32
      %add3A_90 = arith.constant 0 : i32
      %add3A_91 = arith.addi %add3A_90, %mul3A_89 : i32
      %add3A_92 = arith.constant 1 : i32
      %add3A_93 = arith.addi %add3A_91, %add3A_92 : i32
      "tpu.region"() ({
        %run_scoped3A_95 = tpu.sem_alloc : memref<!tpu.dma_semaphore, #tpu.memory_space<semaphore_mem>>
        %dma_start3A_96 = arith.constant 0 : i32
        %dma_start3A_97 = tpu.memref_slice %arg9[%add3A_93, %dma_start3A_96] : memref<79x128xi32, #tpu.memory_space<vmem>> -> memref<1x128xi32, #tpu.memory_space<vmem>>
        %dma_start3A_98 = tpu.memref_squeeze %dma_start3A_97 : memref<1x128xi32, #tpu.memory_space<vmem>> -> memref<128xi32, #tpu.memory_space<vmem>>
        %dma_start3A_99 = arith.constant 0 : i32
        %dma_start3A_100 = arith.constant 0 : i32
        %dma_start3A_101 = tpu.memref_slice %arg13[%dma_start3A_99, %dma_start3A_100] : memref<10240x128xf32, #tpu.memory_space<vmem_shared>> -> memref<10240x128xf32, #tpu.memory_space<vmem_shared>>
        tpu.enqueue_indirect_dma source(%arg12 : memref<128x128xf32, #tpu.memory_space<vmem>>) target(%dma_start3A_101 : memref<10240x128xf32, #tpu.memory_space<vmem_shared>>) offsets(%dma_start3A_98 : memref<128xi32, #tpu.memory_space<vmem>>) semaphore(%run_scoped3A_95 : memref<!tpu.dma_semaphore, #tpu.memory_space<semaphore_mem>>) {add = true}
        %dma_wait3A_102 = arith.constant 0 : i32
        %dma_wait3A_103 = tpu.memref_slice %arg9[%add3A_93, %dma_wait3A_102] : memref<79x128xi32, #tpu.memory_space<vmem>> -> memref<1x128xi32, #tpu.memory_space<vmem>>
        %dma_wait3A_104 = tpu.memref_squeeze %dma_wait3A_103 : memref<1x128xi32, #tpu.memory_space<vmem>> -> memref<128xi32, #tpu.memory_space<vmem>>
        %dma_wait3A_105 = arith.constant 0 : i32
        %dma_wait3A_106 = arith.constant 0 : i32
        %dma_wait3A_107 = tpu.memref_slice %arg13[%dma_wait3A_105, %dma_wait3A_106] : memref<10240x128xf32, #tpu.memory_space<vmem_shared>> -> memref<10240x128xf32, #tpu.memory_space<vmem_shared>>
        tpu.wait_indirect_dma semaphore(%run_scoped3A_95 : memref<!tpu.dma_semaphore, #tpu.memory_space<semaphore_mem>>) src(%arg12 : memref<128x128xf32, #tpu.memory_space<vmem>>) dst(%dma_wait3A_107 : memref<10240x128xf32, #tpu.memory_space<vmem_shared>>)
        tpu.yield
      }) : () -> ()
      %scan3A_94 = arith.constant 0 : i32
      scf.yield %scan3A_94 : i32
    }
    %scan3A_16 = arith.constant 20 : i32
    %mul3A_17 = arith.constant 10112 : i32
    %mul3A_18 = arith.muli %add3A, %mul3A_17 : i32
    %add3A_19 = arith.constant 5120 : i32
    %add3A_20 = arith.addi %mul3A_18, %add3A_19 : i32
    "tpu.region"() ({
      %run_scoped3A_60 = tpu.sem_alloc : memref<!tpu.dma_semaphore, #tpu.memory_space<semaphore_mem>>
      %dma_start3A_61 = arith.constant 0 : i32
      %dma_start3A_62 = tpu.memref_slice %arg8[%dma_start3A_61] : memref<5120xi32, #tpu.memory_space<vmem>> -> memref<4864xi32, #tpu.memory_space<vmem>>
      %dma_start3A_63 = tpu.memref_slice %arg2[%add3A_20] : memref<323584xi32, #tpu.memory_space<hbm>> -> memref<4864xi32, #tpu.memory_space<hbm>>
      %dma_start3A_64 = arith.constant 0 : i32
      %dma_start3A_65 = tpu.memref_slice %arg8[%dma_start3A_64] : memref<5120xi32, #tpu.memory_space<vmem>> -> memref<4864xi32, #tpu.memory_space<vmem>>
      %dma_start3A_66 = tpu.memref_slice %arg2[%add3A_20] : memref<323584xi32, #tpu.memory_space<hbm>> -> memref<4864xi32, #tpu.memory_space<hbm>>
      tpu.enqueue_dma source(%dma_start3A_66 : memref<4864xi32, #tpu.memory_space<hbm>>) target(%dma_start3A_65 : memref<4864xi32, #tpu.memory_space<vmem>>) target_semaphore(%run_scoped3A_60 : memref<!tpu.dma_semaphore, #tpu.memory_space<semaphore_mem>>)
      %dma_wait3A_67 = arith.constant 0 : i32
      %dma_wait3A_68 = tpu.memref_slice %arg8[%dma_wait3A_67] : memref<5120xi32, #tpu.memory_space<vmem>> -> memref<4864xi32, #tpu.memory_space<vmem>>
      %dma_wait3A_69 = tpu.memref_slice %arg2[%add3A_20] : memref<323584xi32, #tpu.memory_space<hbm>> -> memref<4864xi32, #tpu.memory_space<hbm>>
      %dma_wait3A_70 = arith.constant 0 : i32
      %dma_wait3A_71 = tpu.memref_slice %arg8[%dma_wait3A_70] : memref<5120xi32, #tpu.memory_space<vmem>> -> memref<4864xi32, #tpu.memory_space<vmem>>
      %dma_wait3A_72 = tpu.memref_slice %arg2[%add3A_20] : memref<323584xi32, #tpu.memory_space<hbm>> -> memref<4864xi32, #tpu.memory_space<hbm>>
      tpu.wait_dma2 semaphore(%run_scoped3A_60 : memref<!tpu.dma_semaphore, #tpu.memory_space<semaphore_mem>>) src(%dma_wait3A_72 : memref<4864xi32, #tpu.memory_space<hbm>>) dst(%dma_wait3A_71 : memref<4864xi32, #tpu.memory_space<vmem>>)
      tpu.yield
    }) : () -> ()
    %dma_start3A_21 = arith.constant 0 : i32
    %dma_start3A_22 = tpu.memref_slice %arg8[%dma_start3A_21] : memref<5120xi32, #tpu.memory_space<vmem>> -> memref<128xi32, #tpu.memory_space<vmem>>
    %dma_start3A_23 = arith.constant 0 : i32
    %dma_start3A_24 = arith.constant 0 : i32
    %dma_start3A_25 = tpu.memref_slice %arg5[%dma_start3A_23, %dma_start3A_24] : memref<10240x128xf32, #tpu.memory_space<hbm>> -> memref<10240x128xf32, #tpu.memory_space<hbm>>
    tpu.enqueue_indirect_dma source(%dma_start3A_25 : memref<10240x128xf32, #tpu.memory_space<hbm>>) target(%arg11 : memref<128x128xf32, #tpu.memory_space<vmem>>) offsets(%dma_start3A_22 : memref<128xi32, #tpu.memory_space<vmem>>) semaphore(%arg14 : memref<!tpu.dma_semaphore, #tpu.memory_space<semaphore_mem>>)
    %scan3A_26 = arith.constant 0 : i32
    %scan3A_27 = arith.constant 0 : i32
    %scan3A_28 = arith.constant 19 : i32
    %scan3A_29 = arith.addi %scan3A_27, %scan3A_28 : i32
    %scan3A_30 = arith.constant 1 : i32
    %scan3A_31 = scf.for %scan3A_60 = %scan3A_27 to %scan3A_29 step %scan3A_30 iter_args(%scan3A_61 = %scan3A_26) -> (i32)  : i32 {
      %mul3A_62 = arith.constant 2 : i32
      %mul3A_63 = arith.muli %mul3A_62, %scan3A_60 : i32
      %add3A_64 = arith.constant 1 : i32
      %add3A_65 = arith.addi %mul3A_63, %add3A_64 : i32
      %mul3A_66 = arith.constant 128 : i32
      %mul3A_67 = arith.muli %add3A_65, %mul3A_66 : i32
      %dma_start3A_68 = tpu.memref_slice %arg8[%mul3A_67] : memref<5120xi32, #tpu.memory_space<vmem>> -> memref<128xi32, #tpu.memory_space<vmem>>
      %dma_start3A_69 = arith.constant 0 : i32
      %dma_start3A_70 = arith.constant 0 : i32
      %dma_start3A_71 = tpu.memref_slice %arg5[%dma_start3A_69, %dma_start3A_70] : memref<10240x128xf32, #tpu.memory_space<hbm>> -> memref<10240x128xf32, #tpu.memory_space<hbm>>
      tpu.enqueue_indirect_dma source(%dma_start3A_71 : memref<10240x128xf32, #tpu.memory_space<hbm>>) target(%arg12 : memref<128x128xf32, #tpu.memory_space<vmem>>) offsets(%dma_start3A_68 : memref<128xi32, #tpu.memory_space<vmem>>) semaphore(%arg15 : memref<!tpu.dma_semaphore, #tpu.memory_space<semaphore_mem>>)
      %dma_wait3A_72 = arith.constant 0 : i32
      %dma_wait3A_73 = tpu.memref_slice %arg8[%dma_wait3A_72] : memref<5120xi32, #tpu.memory_space<vmem>> -> memref<128xi32, #tpu.memory_space<vmem>>
      %dma_wait3A_74 = arith.constant 0 : i32
      %dma_wait3A_75 = arith.constant 0 : i32
      %dma_wait3A_76 = tpu.memref_slice %arg5[%dma_wait3A_74, %dma_wait3A_75] : memref<10240x128xf32, #tpu.memory_space<hbm>> -> memref<10240x128xf32, #tpu.memory_space<hbm>>
      tpu.wait_indirect_dma semaphore(%arg14 : memref<!tpu.dma_semaphore, #tpu.memory_space<semaphore_mem>>) src(%dma_wait3A_76 : memref<10240x128xf32, #tpu.memory_space<hbm>>) dst(%arg11 : memref<128x128xf32, #tpu.memory_space<vmem>>)
      %mul3A_77 = arith.constant 2 : i32
      %mul3A_78 = arith.muli %mul3A_77, %scan3A_60 : i32
      %add3A_79 = arith.constant 40 : i32
      %add3A_80 = arith.addi %add3A_79, %mul3A_78 : i32
      "tpu.region"() ({
        %run_scoped3A_95 = tpu.sem_alloc : memref<!tpu.dma_semaphore, #tpu.memory_space<semaphore_mem>>
        %dma_start3A_96 = arith.constant 0 : i32
        %dma_start3A_97 = tpu.memref_slice %arg9[%add3A_80, %dma_start3A_96] : memref<79x128xi32, #tpu.memory_space<vmem>> -> memref<1x128xi32, #tpu.memory_space<vmem>>
        %dma_start3A_98 = tpu.memref_squeeze %dma_start3A_97 : memref<1x128xi32, #tpu.memory_space<vmem>> -> memref<128xi32, #tpu.memory_space<vmem>>
        %dma_start3A_99 = arith.constant 0 : i32
        %dma_start3A_100 = arith.constant 0 : i32
        %dma_start3A_101 = tpu.memref_slice %arg13[%dma_start3A_99, %dma_start3A_100] : memref<10240x128xf32, #tpu.memory_space<vmem_shared>> -> memref<10240x128xf32, #tpu.memory_space<vmem_shared>>
        tpu.enqueue_indirect_dma source(%arg11 : memref<128x128xf32, #tpu.memory_space<vmem>>) target(%dma_start3A_101 : memref<10240x128xf32, #tpu.memory_space<vmem_shared>>) offsets(%dma_start3A_98 : memref<128xi32, #tpu.memory_space<vmem>>) semaphore(%run_scoped3A_95 : memref<!tpu.dma_semaphore, #tpu.memory_space<semaphore_mem>>) {add = true}
        %dma_wait3A_102 = arith.constant 0 : i32
        %dma_wait3A_103 = tpu.memref_slice %arg9[%add3A_80, %dma_wait3A_102] : memref<79x128xi32, #tpu.memory_space<vmem>> -> memref<1x128xi32, #tpu.memory_space<vmem>>
        %dma_wait3A_104 = tpu.memref_squeeze %dma_wait3A_103 : memref<1x128xi32, #tpu.memory_space<vmem>> -> memref<128xi32, #tpu.memory_space<vmem>>
        %dma_wait3A_105 = arith.constant 0 : i32
        %dma_wait3A_106 = arith.constant 0 : i32
        %dma_wait3A_107 = tpu.memref_slice %arg13[%dma_wait3A_105, %dma_wait3A_106] : memref<10240x128xf32, #tpu.memory_space<vmem_shared>> -> memref<10240x128xf32, #tpu.memory_space<vmem_shared>>
        tpu.wait_indirect_dma semaphore(%run_scoped3A_95 : memref<!tpu.dma_semaphore, #tpu.memory_space<semaphore_mem>>) src(%arg11 : memref<128x128xf32, #tpu.memory_space<vmem>>) dst(%dma_wait3A_107 : memref<10240x128xf32, #tpu.memory_space<vmem_shared>>)
        tpu.yield
      }) : () -> ()
      %lt3A = arith.constant 18 : i32
      %lt3A_81 = arith.cmpi slt, %scan3A_60, %lt3A : i32
      %convert_element_type3A = arith.extui %lt3A_81 : i1 to i32
      %cond3A = arith.constant 0 : i32
      %cond3A_82 = arith.cmpi ne, %convert_element_type3A, %cond3A : i32
      scf.if %cond3A_82 {
        %mul3A_95 = arith.constant 2 : i32
        %mul3A_96 = arith.muli %mul3A_95, %scan3A_60 : i32
        %add3A_97 = arith.constant 2 : i32
        %add3A_98 = arith.addi %mul3A_96, %add3A_97 : i32
        %mul3A_99 = arith.constant 128 : i32
        %mul3A_100 = arith.muli %add3A_98, %mul3A_99 : i32
        %dma_start3A_101 = tpu.memref_slice %arg8[%mul3A_100] : memref<5120xi32, #tpu.memory_space<vmem>> -> memref<128xi32, #tpu.memory_space<vmem>>
        %dma_start3A_102 = arith.constant 0 : i32
        %dma_start3A_103 = arith.constant 0 : i32
        %dma_start3A_104 = tpu.memref_slice %arg5[%dma_start3A_102, %dma_start3A_103] : memref<10240x128xf32, #tpu.memory_space<hbm>> -> memref<10240x128xf32, #tpu.memory_space<hbm>>
        tpu.enqueue_indirect_dma source(%dma_start3A_104 : memref<10240x128xf32, #tpu.memory_space<hbm>>) target(%arg11 : memref<128x128xf32, #tpu.memory_space<vmem>>) offsets(%dma_start3A_101 : memref<128xi32, #tpu.memory_space<vmem>>) semaphore(%arg14 : memref<!tpu.dma_semaphore, #tpu.memory_space<semaphore_mem>>)
      } else {
      }
      %dma_wait3A_83 = arith.constant 0 : i32
      %dma_wait3A_84 = tpu.memref_slice %arg8[%dma_wait3A_83] : memref<5120xi32, #tpu.memory_space<vmem>> -> memref<128xi32, #tpu.memory_space<vmem>>
      %dma_wait3A_85 = arith.constant 0 : i32
      %dma_wait3A_86 = arith.constant 0 : i32
      %dma_wait3A_87 = tpu.memref_slice %arg5[%dma_wait3A_85, %dma_wait3A_86] : memref<10240x128xf32, #tpu.memory_space<hbm>> -> memref<10240x128xf32, #tpu.memory_space<hbm>>
      tpu.wait_indirect_dma semaphore(%arg15 : memref<!tpu.dma_semaphore, #tpu.memory_space<semaphore_mem>>) src(%dma_wait3A_87 : memref<10240x128xf32, #tpu.memory_space<hbm>>) dst(%arg12 : memref<128x128xf32, #tpu.memory_space<vmem>>)
      %mul3A_88 = arith.constant 2 : i32
      %mul3A_89 = arith.muli %mul3A_88, %scan3A_60 : i32
      %add3A_90 = arith.constant 40 : i32
      %add3A_91 = arith.addi %add3A_90, %mul3A_89 : i32
      %add3A_92 = arith.constant 1 : i32
      %add3A_93 = arith.addi %add3A_91, %add3A_92 : i32
      "tpu.region"() ({
        %run_scoped3A_95 = tpu.sem_alloc : memref<!tpu.dma_semaphore, #tpu.memory_space<semaphore_mem>>
        %dma_start3A_96 = arith.constant 0 : i32
        %dma_start3A_97 = tpu.memref_slice %arg9[%add3A_93, %dma_start3A_96] : memref<79x128xi32, #tpu.memory_space<vmem>> -> memref<1x128xi32, #tpu.memory_space<vmem>>
        %dma_start3A_98 = tpu.memref_squeeze %dma_start3A_97 : memref<1x128xi32, #tpu.memory_space<vmem>> -> memref<128xi32, #tpu.memory_space<vmem>>
        %dma_start3A_99 = arith.constant 0 : i32
        %dma_start3A_100 = arith.constant 0 : i32
        %dma_start3A_101 = tpu.memref_slice %arg13[%dma_start3A_99, %dma_start3A_100] : memref<10240x128xf32, #tpu.memory_space<vmem_shared>> -> memref<10240x128xf32, #tpu.memory_space<vmem_shared>>
        tpu.enqueue_indirect_dma source(%arg12 : memref<128x128xf32, #tpu.memory_space<vmem>>) target(%dma_start3A_101 : memref<10240x128xf32, #tpu.memory_space<vmem_shared>>) offsets(%dma_start3A_98 : memref<128xi32, #tpu.memory_space<vmem>>) semaphore(%run_scoped3A_95 : memref<!tpu.dma_semaphore, #tpu.memory_space<semaphore_mem>>) {add = true}
        %dma_wait3A_102 = arith.constant 0 : i32
        %dma_wait3A_103 = tpu.memref_slice %arg9[%add3A_93, %dma_wait3A_102] : memref<79x128xi32, #tpu.memory_space<vmem>> -> memref<1x128xi32, #tpu.memory_space<vmem>>
        %dma_wait3A_104 = tpu.memref_squeeze %dma_wait3A_103 : memref<1x128xi32, #tpu.memory_space<vmem>> -> memref<128xi32, #tpu.memory_space<vmem>>
        %dma_wait3A_105 = arith.constant 0 : i32
        %dma_wait3A_106 = arith.constant 0 : i32
        %dma_wait3A_107 = tpu.memref_slice %arg13[%dma_wait3A_105, %dma_wait3A_106] : memref<10240x128xf32, #tpu.memory_space<vmem_shared>> -> memref<10240x128xf32, #tpu.memory_space<vmem_shared>>
        tpu.wait_indirect_dma semaphore(%run_scoped3A_95 : memref<!tpu.dma_semaphore, #tpu.memory_space<semaphore_mem>>) src(%arg12 : memref<128x128xf32, #tpu.memory_space<vmem>>) dst(%dma_wait3A_107 : memref<10240x128xf32, #tpu.memory_space<vmem_shared>>)
        tpu.yield
      }) : () -> ()
      %scan3A_94 = arith.constant 0 : i32
      scf.yield %scan3A_94 : i32
    }
    %scan3A_32 = arith.constant 19 : i32
    %mul3A_33 = arith.constant 10112 : i32
    %mul3A_34 = arith.muli %add3A, %mul3A_33 : i32
    %add3A_35 = arith.constant 9984 : i32
    %add3A_36 = arith.addi %mul3A_34, %add3A_35 : i32
    "tpu.region"() ({
      %run_scoped3A_60 = tpu.sem_alloc : memref<!tpu.dma_semaphore, #tpu.memory_space<semaphore_mem>>
      %dma_start3A_61 = arith.constant 0 : i32
      %dma_start3A_62 = tpu.memref_slice %arg8[%dma_start3A_61] : memref<5120xi32, #tpu.memory_space<vmem>> -> memref<16xi32, #tpu.memory_space<vmem>>
      %dma_start3A_63 = tpu.memref_slice %arg2[%add3A_36] : memref<323584xi32, #tpu.memory_space<hbm>> -> memref<16xi32, #tpu.memory_space<hbm>>
      %dma_start3A_64 = arith.constant 0 : i32
      %dma_start3A_65 = tpu.memref_slice %arg8[%dma_start3A_64] : memref<5120xi32, #tpu.memory_space<vmem>> -> memref<16xi32, #tpu.memory_space<vmem>>
      %dma_start3A_66 = tpu.memref_slice %arg2[%add3A_36] : memref<323584xi32, #tpu.memory_space<hbm>> -> memref<16xi32, #tpu.memory_space<hbm>>
      tpu.enqueue_dma source(%dma_start3A_66 : memref<16xi32, #tpu.memory_space<hbm>>) target(%dma_start3A_65 : memref<16xi32, #tpu.memory_space<vmem>>) target_semaphore(%run_scoped3A_60 : memref<!tpu.dma_semaphore, #tpu.memory_space<semaphore_mem>>)
      %dma_wait3A_67 = arith.constant 0 : i32
      %dma_wait3A_68 = tpu.memref_slice %arg8[%dma_wait3A_67] : memref<5120xi32, #tpu.memory_space<vmem>> -> memref<16xi32, #tpu.memory_space<vmem>>
      %dma_wait3A_69 = tpu.memref_slice %arg2[%add3A_36] : memref<323584xi32, #tpu.memory_space<hbm>> -> memref<16xi32, #tpu.memory_space<hbm>>
      %dma_wait3A_70 = arith.constant 0 : i32
      %dma_wait3A_71 = tpu.memref_slice %arg8[%dma_wait3A_70] : memref<5120xi32, #tpu.memory_space<vmem>> -> memref<16xi32, #tpu.memory_space<vmem>>
      %dma_wait3A_72 = tpu.memref_slice %arg2[%add3A_36] : memref<323584xi32, #tpu.memory_space<hbm>> -> memref<16xi32, #tpu.memory_space<hbm>>
      tpu.wait_dma2 semaphore(%run_scoped3A_60 : memref<!tpu.dma_semaphore, #tpu.memory_space<semaphore_mem>>) src(%dma_wait3A_72 : memref<16xi32, #tpu.memory_space<hbm>>) dst(%dma_wait3A_71 : memref<16xi32, #tpu.memory_space<vmem>>)
      tpu.yield
    }) : () -> ()
    %dma_start3A_37 = arith.constant 0 : i32
    %dma_start3A_38 = arith.constant 0 : i32
    %dma_start3A_39 = tpu.memref_slice %arg11[%dma_start3A_37, %dma_start3A_38] : memref<128x128xf32, #tpu.memory_space<vmem>> -> memref<16x128xf32, #tpu.memory_space<vmem>>
    %dma_start3A_40 = arith.constant 0 : i32
    %dma_start3A_41 = tpu.memref_slice %arg8[%dma_start3A_40] : memref<5120xi32, #tpu.memory_space<vmem>> -> memref<16xi32, #tpu.memory_space<vmem>>
    %dma_start3A_42 = arith.constant 0 : i32
    %dma_start3A_43 = arith.constant 0 : i32
    %dma_start3A_44 = tpu.memref_slice %arg5[%dma_start3A_42, %dma_start3A_43] : memref<10240x128xf32, #tpu.memory_space<hbm>> -> memref<10240x128xf32, #tpu.memory_space<hbm>>
    tpu.enqueue_indirect_dma source(%dma_start3A_44 : memref<10240x128xf32, #tpu.memory_space<hbm>>) target(%dma_start3A_39 : memref<16x128xf32, #tpu.memory_space<vmem>>) offsets(%dma_start3A_41 : memref<16xi32, #tpu.memory_space<vmem>>) semaphore(%arg14 : memref<!tpu.dma_semaphore, #tpu.memory_space<semaphore_mem>>)
    %dma_wait3A = arith.constant 0 : i32
    %dma_wait3A_45 = arith.constant 0 : i32
    %dma_wait3A_46 = tpu.memref_slice %arg11[%dma_wait3A, %dma_wait3A_45] : memref<128x128xf32, #tpu.memory_space<vmem>> -> memref<16x128xf32, #tpu.memory_space<vmem>>
    %dma_wait3A_47 = arith.constant 0 : i32
    %dma_wait3A_48 = tpu.memref_slice %arg8[%dma_wait3A_47] : memref<5120xi32, #tpu.memory_space<vmem>> -> memref<16xi32, #tpu.memory_space<vmem>>
    %dma_wait3A_49 = arith.constant 0 : i32
    %dma_wait3A_50 = arith.constant 0 : i32
    %dma_wait3A_51 = tpu.memref_slice %arg5[%dma_wait3A_49, %dma_wait3A_50] : memref<10240x128xf32, #tpu.memory_space<hbm>> -> memref<10240x128xf32, #tpu.memory_space<hbm>>
    tpu.wait_indirect_dma semaphore(%arg14 : memref<!tpu.dma_semaphore, #tpu.memory_space<semaphore_mem>>) src(%dma_wait3A_51 : memref<10240x128xf32, #tpu.memory_space<hbm>>) dst(%dma_wait3A_46 : memref<16x128xf32, #tpu.memory_space<vmem>>)
    %run_scoped3A = arith.constant 0 : i32
    "tpu.region"() ({
      %run_scoped3A_60 = tpu.sem_alloc : memref<!tpu.dma_semaphore, #tpu.memory_space<semaphore_mem>>
      %dma_start3A_61 = arith.constant 0 : i32
      %dma_start3A_62 = arith.constant 0 : i32
      %dma_start3A_63 = tpu.memref_slice %arg11[%dma_start3A_61, %dma_start3A_62] : memref<128x128xf32, #tpu.memory_space<vmem>> -> memref<16x128xf32, #tpu.memory_space<vmem>>
      %dma_start3A_64 = arith.constant 0 : i32
      %dma_start3A_65 = tpu.memref_slice %arg10[%run_scoped3A, %dma_start3A_64] : memref<1x16xi32, #tpu.memory_space<vmem>> -> memref<1x16xi32, #tpu.memory_space<vmem>>
      %dma_start3A_66 = tpu.memref_squeeze %dma_start3A_65 : memref<1x16xi32, #tpu.memory_space<vmem>> -> memref<16xi32, #tpu.memory_space<vmem>>
      %dma_start3A_67 = arith.constant 0 : i32
      %dma_start3A_68 = arith.constant 0 : i32
      %dma_start3A_69 = tpu.memref_slice %arg13[%dma_start3A_67, %dma_start3A_68] : memref<10240x128xf32, #tpu.memory_space<vmem_shared>> -> memref<10240x128xf32, #tpu.memory_space<vmem_shared>>
      tpu.enqueue_indirect_dma source(%dma_start3A_63 : memref<16x128xf32, #tpu.memory_space<vmem>>) target(%dma_start3A_69 : memref<10240x128xf32, #tpu.memory_space<vmem_shared>>) offsets(%dma_start3A_66 : memref<16xi32, #tpu.memory_space<vmem>>) semaphore(%run_scoped3A_60 : memref<!tpu.dma_semaphore, #tpu.memory_space<semaphore_mem>>) {add = true}
      %dma_wait3A_70 = arith.constant 0 : i32
      %dma_wait3A_71 = arith.constant 0 : i32
      %dma_wait3A_72 = tpu.memref_slice %arg11[%dma_wait3A_70, %dma_wait3A_71] : memref<128x128xf32, #tpu.memory_space<vmem>> -> memref<16x128xf32, #tpu.memory_space<vmem>>
      %dma_wait3A_73 = arith.constant 0 : i32
      %dma_wait3A_74 = tpu.memref_slice %arg10[%run_scoped3A, %dma_wait3A_73] : memref<1x16xi32, #tpu.memory_space<vmem>> -> memref<1x16xi32, #tpu.memory_space<vmem>>
      %dma_wait3A_75 = tpu.memref_squeeze %dma_wait3A_74 : memref<1x16xi32, #tpu.memory_space<vmem>> -> memref<16xi32, #tpu.memory_space<vmem>>
      %dma_wait3A_76 = arith.constant 0 : i32
      %dma_wait3A_77 = arith.constant 0 : i32
      %dma_wait3A_78 = tpu.memref_slice %arg13[%dma_wait3A_76, %dma_wait3A_77] : memref<10240x128xf32, #tpu.memory_space<vmem_shared>> -> memref<10240x128xf32, #tpu.memory_space<vmem_shared>>
      tpu.wait_indirect_dma semaphore(%run_scoped3A_60 : memref<!tpu.dma_semaphore, #tpu.memory_space<semaphore_mem>>) src(%dma_wait3A_72 : memref<16x128xf32, #tpu.memory_space<vmem>>) dst(%dma_wait3A_78 : memref<10240x128xf32, #tpu.memory_space<vmem_shared>>)
      tpu.yield
    }) : () -> ()
    %barrier3A_52 = arith.constant 0 : index
    tpu.barrier barrier_id(%barrier3A_52)
    %mul3A_53 = arith.constant 640 : i32
    %mul3A_54 = arith.muli %arg1, %mul3A_53 : i32
    %mul3A_55 = arith.constant 10240 : i32
    %mul3A_56 = arith.muli %arg0, %mul3A_55 : i32
    %mul3A_57 = arith.constant 640 : i32
    %mul3A_58 = arith.muli %arg1, %mul3A_57 : i32
    %add3A_59 = arith.addi %mul3A_56, %mul3A_58 : i32
    "tpu.region"() ({
      %run_scoped3A_60 = tpu.sem_alloc : memref<!tpu.dma_semaphore, #tpu.memory_space<semaphore_mem>>
      %dma_start3A_61 = arith.constant 0 : i32
      %dma_start3A_62 = tpu.memref_slice %arg7[%add3A_59, %dma_start3A_61] : memref<20480x128xf32, #tpu.memory_space<hbm>> -> memref<640x128xf32, #tpu.memory_space<hbm>>
      %dma_start3A_63 = arith.constant 0 : i32
      %dma_start3A_64 = tpu.memref_slice %arg13[%mul3A_54, %dma_start3A_63] : memref<10240x128xf32, #tpu.memory_space<vmem_shared>> -> memref<640x128xf32, #tpu.memory_space<vmem_shared>>
      tpu.enqueue_dma source(%dma_start3A_64 : memref<640x128xf32, #tpu.memory_space<vmem_shared>>) target(%dma_start3A_62 : memref<640x128xf32, #tpu.memory_space<hbm>>) target_semaphore(%run_scoped3A_60 : memref<!tpu.dma_semaphore, #tpu.memory_space<semaphore_mem>>)
      %dma_wait3A_65 = arith.constant 0 : i32
      %dma_wait3A_66 = tpu.memref_slice %arg7[%add3A_59, %dma_wait3A_65] : memref<20480x128xf32, #tpu.memory_space<hbm>> -> memref<640x128xf32, #tpu.memory_space<hbm>>
      %dma_wait3A_67 = arith.constant 0 : i32
      %dma_wait3A_68 = tpu.memref_slice %arg13[%mul3A_54, %dma_wait3A_67] : memref<10240x128xf32, #tpu.memory_space<vmem_shared>> -> memref<640x128xf32, #tpu.memory_space<vmem_shared>>
      tpu.wait_dma2 semaphore(%run_scoped3A_60 : memref<!tpu.dma_semaphore, #tpu.memory_space<semaphore_mem>>) src(%dma_wait3A_68 : memref<640x128xf32, #tpu.memory_space<vmem_shared>>) dst(%dma_wait3A_66 : memref<640x128xf32, #tpu.memory_space<hbm>>)
      tpu.yield
    }) : () -> ()
    return
  }
}

#map = affine_map<(d0, d1) -> (0)>
#map1 = affine_map<(d0, d1) -> (0, 0, 0)>
#map2 = affine_map<(d0, d1) -> (0, 0)>
module attributes {stable_mosaic.version = 14 : i64} {
  func.func @_agg_body(%arg0: i32, %arg1: i32, %arg2: memref<323584xi32, #tpu.memory_space<hbm>>, %arg3: memref<32x79x128xi32, #tpu.memory_space<hbm>>, %arg4: memref<32x1x16xi32, #tpu.memory_space<hbm>>, %arg5: memref<10240x128xf32, #tpu.memory_space<hbm>>, %arg6: memref<10240x128xf32, #tpu.memory_space<hbm>>, %arg7: memref<20480x128xf32, #tpu.memory_space<hbm>>, %arg8: memref<5120xi32, #tpu.memory_space<vmem>>, %arg9: memref<79x128xi32, #tpu.memory_space<vmem>>, %arg10: memref<1x16xi32, #tpu.memory_space<vmem>>, %arg11: memref<128x128xf32, #tpu.memory_space<vmem>>, %arg12: memref<128x128xf32, #tpu.memory_space<vmem>>, %arg13: memref<10240x128xf32, #tpu.memory_space<vmem_shared>>, %arg14: memref<!tpu.dma_semaphore, #tpu.memory_space<semaphore_mem>>, %arg15: memref<!tpu.dma_semaphore, #tpu.memory_space<semaphore_mem>>) attributes {dimension_semantics = [#tpu.dimension_semantics<core_parallel>, #tpu.dimension_semantics<subcore_parallel>], iteration_bounds = array<i64: 2, 16>, scalar_prefetch = 0 : i64, scratch_operands = 8 : i64, tpu.core_type = #tpu.core_type<sc_vector_subcore>, window_params = [{transform_indices = #map}, {transform_indices = #map1}, {transform_indices = #map1}, {transform_indices = #map2}, {transform_indices = #map2}, {transform_indices = #map2}]} {
    %mul3A = arith.constant 16 : i32
    %mul3A_0 = arith.muli %arg0, %mul3A : i32
    %add3A = arith.addi %mul3A_0, %arg1 : i32
    "tpu.region"() ({
      %run_scoped3A_60 = tpu.sem_alloc : memref<!tpu.dma_semaphore, #tpu.memory_space<semaphore_mem>>
      %dma_start3A_61 = arith.constant 0 : i32
      %dma_start3A_62 = arith.constant 0 : i32
      %dma_start3A_63 = tpu.memref_slice %arg3[%add3A, %dma_start3A_61, %dma_start3A_62] : memref<32x79x128xi32, #tpu.memory_space<hbm>> -> memref<1x79x128xi32, #tpu.memory_space<hbm>>
      %dma_start3A_64 = tpu.memref_squeeze %dma_start3A_63 : memref<1x79x128xi32, #tpu.memory_space<hbm>> -> memref<79x128xi32, #tpu.memory_space<hbm>>
      %dma_start3A_65 = arith.constant 0 : i32
      %dma_start3A_66 = arith.constant 0 : i32
      %dma_start3A_67 = tpu.memref_slice %arg3[%add3A, %dma_start3A_65, %dma_start3A_66] : memref<32x79x128xi32, #tpu.memory_space<hbm>> -> memref<1x79x128xi32, #tpu.memory_space<hbm>>
      %dma_start3A_68 = tpu.memref_squeeze %dma_start3A_67 : memref<1x79x128xi32, #tpu.memory_space<hbm>> -> memref<79x128xi32, #tpu.memory_space<hbm>>
      tpu.enqueue_dma source(%dma_start3A_68 : memref<79x128xi32, #tpu.memory_space<hbm>>) target(%arg9 : memref<79x128xi32, #tpu.memory_space<vmem>>) target_semaphore(%run_scoped3A_60 : memref<!tpu.dma_semaphore, #tpu.memory_space<semaphore_mem>>)
      %dma_wait3A_69 = arith.constant 0 : i32
      %dma_wait3A_70 = arith.constant 0 : i32
      %dma_wait3A_71 = tpu.memref_slice %arg3[%add3A, %dma_wait3A_69, %dma_wait3A_70] : memref<32x79x128xi32, #tpu.memory_space<hbm>> -> memref<1x79x128xi32, #tpu.memory_space<hbm>>
      %dma_wait3A_72 = tpu.memref_squeeze %dma_wait3A_71 : memref<1x79x128xi32, #tpu.memory_space<hbm>> -> memref<79x128xi32, #tpu.memory_space<hbm>>
      %dma_wait3A_73 = arith.constant 0 : i32
      %dma_wait3A_74 = arith.constant 0 : i32
      %dma_wait3A_75 = tpu.memref_slice %arg3[%add3A, %dma_wait3A_73, %dma_wait3A_74] : memref<32x79x128xi32, #tpu.memory_space<hbm>> -> memref<1x79x128xi32, #tpu.memory_space<hbm>>
      %dma_wait3A_76 = tpu.memref_squeeze %dma_wait3A_75 : memref<1x79x128xi32, #tpu.memory_space<hbm>> -> memref<79x128xi32, #tpu.memory_space<hbm>>
      tpu.wait_dma2 semaphore(%run_scoped3A_60 : memref<!tpu.dma_semaphore, #tpu.memory_space<semaphore_mem>>) src(%dma_wait3A_76 : memref<79x128xi32, #tpu.memory_space<hbm>>) dst(%arg9 : memref<79x128xi32, #tpu.memory_space<vmem>>)
      tpu.yield
    }) : () -> ()
    "tpu.region"() ({
      %run_scoped3A_60 = tpu.sem_alloc : memref<!tpu.dma_semaphore, #tpu.memory_space<semaphore_mem>>
      %dma_start3A_61 = arith.constant 0 : i32
      %dma_start3A_62 = arith.constant 0 : i32
      %dma_start3A_63 = tpu.memref_slice %arg4[%add3A, %dma_start3A_61, %dma_start3A_62] : memref<32x1x16xi32, #tpu.memory_space<hbm>> -> memref<1x1x16xi32, #tpu.memory_space<hbm>>
      %dma_start3A_64 = tpu.memref_squeeze %dma_start3A_63 : memref<1x1x16xi32, #tpu.memory_space<hbm>> -> memref<1x16xi32, #tpu.memory_space<hbm>>
      %dma_start3A_65 = arith.constant 0 : i32
      %dma_start3A_66 = arith.constant 0 : i32
      %dma_start3A_67 = tpu.memref_slice %arg4[%add3A, %dma_start3A_65, %dma_start3A_66] : memref<32x1x16xi32, #tpu.memory_space<hbm>> -> memref<1x1x16xi32, #tpu.memory_space<hbm>>
      %dma_start3A_68 = tpu.memref_squeeze %dma_start3A_67 : memref<1x1x16xi32, #tpu.memory_space<hbm>> -> memref<1x16xi32, #tpu.memory_space<hbm>>
      tpu.enqueue_dma source(%dma_start3A_68 : memref<1x16xi32, #tpu.memory_space<hbm>>) target(%arg10 : memref<1x16xi32, #tpu.memory_space<vmem>>) target_semaphore(%run_scoped3A_60 : memref<!tpu.dma_semaphore, #tpu.memory_space<semaphore_mem>>)
      %dma_wait3A_69 = arith.constant 0 : i32
      %dma_wait3A_70 = arith.constant 0 : i32
      %dma_wait3A_71 = tpu.memref_slice %arg4[%add3A, %dma_wait3A_69, %dma_wait3A_70] : memref<32x1x16xi32, #tpu.memory_space<hbm>> -> memref<1x1x16xi32, #tpu.memory_space<hbm>>
      %dma_wait3A_72 = tpu.memref_squeeze %dma_wait3A_71 : memref<1x1x16xi32, #tpu.memory_space<hbm>> -> memref<1x16xi32, #tpu.memory_space<hbm>>
      %dma_wait3A_73 = arith.constant 0 : i32
      %dma_wait3A_74 = arith.constant 0 : i32
      %dma_wait3A_75 = tpu.memref_slice %arg4[%add3A, %dma_wait3A_73, %dma_wait3A_74] : memref<32x1x16xi32, #tpu.memory_space<hbm>> -> memref<1x1x16xi32, #tpu.memory_space<hbm>>
      %dma_wait3A_76 = tpu.memref_squeeze %dma_wait3A_75 : memref<1x1x16xi32, #tpu.memory_space<hbm>> -> memref<1x16xi32, #tpu.memory_space<hbm>>
      tpu.wait_dma2 semaphore(%run_scoped3A_60 : memref<!tpu.dma_semaphore, #tpu.memory_space<semaphore_mem>>) src(%dma_wait3A_76 : memref<1x16xi32, #tpu.memory_space<hbm>>) dst(%arg10 : memref<1x16xi32, #tpu.memory_space<vmem>>)
      tpu.yield
    }) : () -> ()
    %mul3A_1 = arith.constant 640 : i32
    %mul3A_2 = arith.muli %arg1, %mul3A_1 : i32
    %mul3A_3 = arith.constant 640 : i32
    %mul3A_4 = arith.muli %arg1, %mul3A_3 : i32
    "tpu.region"() ({
      %run_scoped3A_60 = tpu.sem_alloc : memref<!tpu.dma_semaphore, #tpu.memory_space<semaphore_mem>>
      %dma_start3A_61 = arith.constant 0 : i32
      %dma_start3A_62 = tpu.memref_slice %arg13[%mul3A_4, %dma_start3A_61] : memref<10240x128xf32, #tpu.memory_space<vmem_shared>> -> memref<640x128xf32, #tpu.memory_space<vmem_shared>>
      %dma_start3A_63 = arith.constant 0 : i32
      %dma_start3A_64 = tpu.memref_slice %arg6[%mul3A_2, %dma_start3A_63] : memref<10240x128xf32, #tpu.memory_space<hbm>> -> memref<640x128xf32, #tpu.memory_space<hbm>>
      tpu.enqueue_dma source(%dma_start3A_64 : memref<640x128xf32, #tpu.memory_space<hbm>>) target(%dma_start3A_62 : memref<640x128xf32, #tpu.memory_space<vmem_shared>>) target_semaphore(%run_scoped3A_60 : memref<!tpu.dma_semaphore, #tpu.memory_space<semaphore_mem>>)
      %dma_wait3A_65 = arith.constant 0 : i32
      %dma_wait3A_66 = tpu.memref_slice %arg13[%mul3A_4, %dma_wait3A_65] : memref<10240x128xf32, #tpu.memory_space<vmem_shared>> -> memref<640x128xf32, #tpu.memory_space<vmem_shared>>
      %dma_wait3A_67 = arith.constant 0 : i32
      %dma_wait3A_68 = tpu.memref_slice %arg6[%mul3A_2, %dma_wait3A_67] : memref<10240x128xf32, #tpu.memory_space<hbm>> -> memref<640x128xf32, #tpu.memory_space<hbm>>
      tpu.wait_dma2 semaphore(%run_scoped3A_60 : memref<!tpu.dma_semaphore, #tpu.memory_space<semaphore_mem>>) src(%dma_wait3A_68 : memref<640x128xf32, #tpu.memory_space<hbm>>) dst(%dma_wait3A_66 : memref<640x128xf32, #tpu.memory_space<vmem_shared>>)
      tpu.yield
    }) : () -> ()
    %barrier3A = arith.constant 0 : index
    tpu.barrier barrier_id(%barrier3A)
    %mul3A_5 = arith.constant 10112 : i32
    %mul3A_6 = arith.muli %add3A, %mul3A_5 : i32
    "tpu.region"() ({
      %run_scoped3A_60 = tpu.sem_alloc : memref<!tpu.dma_semaphore, #tpu.memory_space<semaphore_mem>>
      %dma_start3A_61 = tpu.memref_slice %arg2[%mul3A_6] : memref<323584xi32, #tpu.memory_space<hbm>> -> memref<5120xi32, #tpu.memory_space<hbm>>
      %dma_start3A_62 = tpu.memref_slice %arg2[%mul3A_6] : memref<323584xi32, #tpu.memory_space<hbm>> -> memref<5120xi32, #tpu.memory_space<hbm>>
      tpu.enqueue_dma source(%dma_start3A_62 : memref<5120xi32, #tpu.memory_space<hbm>>) target(%arg8 : memref<5120xi32, #tpu.memory_space<vmem>>) target_semaphore(%run_scoped3A_60 : memref<!tpu.dma_semaphore, #tpu.memory_space<semaphore_mem>>)
      %dma_wait3A_63 = tpu.memref_slice %arg2[%mul3A_6] : memref<323584xi32, #tpu.memory_space<hbm>> -> memref<5120xi32, #tpu.memory_space<hbm>>
      %dma_wait3A_64 = tpu.memref_slice %arg2[%mul3A_6] : memref<323584xi32, #tpu.memory_space<hbm>> -> memref<5120xi32, #tpu.memory_space<hbm>>
      tpu.wait_dma2 semaphore(%run_scoped3A_60 : memref<!tpu.dma_semaphore, #tpu.memory_space<semaphore_mem>>) src(%dma_wait3A_64 : memref<5120xi32, #tpu.memory_space<hbm>>) dst(%arg8 : memref<5120xi32, #tpu.memory_space<vmem>>)
      tpu.yield
    }) : () -> ()
    %dma_start3A = arith.constant 0 : i32
    %dma_start3A_7 = tpu.memref_slice %arg8[%dma_start3A] : memref<5120xi32, #tpu.memory_space<vmem>> -> memref<128xi32, #tpu.memory_space<vmem>>
    %dma_start3A_8 = arith.constant 0 : i32
    %dma_start3A_9 = arith.constant 0 : i32
    %dma_start3A_10 = tpu.memref_slice %arg5[%dma_start3A_8, %dma_start3A_9] : memref<10240x128xf32, #tpu.memory_space<hbm>> -> memref<10240x128xf32, #tpu.memory_space<hbm>>
    tpu.enqueue_indirect_dma source(%dma_start3A_10 : memref<10240x128xf32, #tpu.memory_space<hbm>>) target(%arg11 : memref<128x128xf32, #tpu.memory_space<vmem>>) offsets(%dma_start3A_7 : memref<128xi32, #tpu.memory_space<vmem>>) semaphore(%arg14 : memref<!tpu.dma_semaphore, #tpu.memory_space<semaphore_mem>>)
    %scan3A = arith.constant 0 : i32
    %scan3A_11 = arith.constant 0 : i32
    %scan3A_12 = arith.constant 20 : i32
    %scan3A_13 = arith.addi %scan3A_11, %scan3A_12 : i32
    %scan3A_14 = arith.constant 1 : i32
    %scan3A_15 = scf.for %scan3A_60 = %scan3A_11 to %scan3A_13 step %scan3A_14 iter_args(%scan3A_61 = %scan3A) -> (i32)  : i32 {
      %mul3A_62 = arith.constant 2 : i32
      %mul3A_63 = arith.muli %mul3A_62, %scan3A_60 : i32
      %add3A_64 = arith.constant 1 : i32
      %add3A_65 = arith.addi %mul3A_63, %add3A_64 : i32
      %mul3A_66 = arith.constant 128 : i32
      %mul3A_67 = arith.muli %add3A_65, %mul3A_66 : i32
      %dma_start3A_68 = tpu.memref_slice %arg8[%mul3A_67] : memref<5120xi32, #tpu.memory_space<vmem>> -> memref<128xi32, #tpu.memory_space<vmem>>
      %dma_start3A_69 = arith.constant 0 : i32
      %dma_start3A_70 = arith.constant 0 : i32
      %dma_start3A_71 = tpu.memref_slice %arg5[%dma_start3A_69, %dma_start3A_70] : memref<10240x128xf32, #tpu.memory_space<hbm>> -> memref<10240x128xf32, #tpu.memory_space<hbm>>
      tpu.enqueue_indirect_dma source(%dma_start3A_71 : memref<10240x128xf32, #tpu.memory_space<hbm>>) target(%arg12 : memref<128x128xf32, #tpu.memory_space<vmem>>) offsets(%dma_start3A_68 : memref<128xi32, #tpu.memory_space<vmem>>) semaphore(%arg15 : memref<!tpu.dma_semaphore, #tpu.memory_space<semaphore_mem>>)
      %dma_wait3A_72 = arith.constant 0 : i32
      %dma_wait3A_73 = tpu.memref_slice %arg8[%dma_wait3A_72] : memref<5120xi32, #tpu.memory_space<vmem>> -> memref<128xi32, #tpu.memory_space<vmem>>
      %dma_wait3A_74 = arith.constant 0 : i32
      %dma_wait3A_75 = arith.constant 0 : i32
      %dma_wait3A_76 = tpu.memref_slice %arg5[%dma_wait3A_74, %dma_wait3A_75] : memref<10240x128xf32, #tpu.memory_space<hbm>> -> memref<10240x128xf32, #tpu.memory_space<hbm>>
      tpu.wait_indirect_dma semaphore(%arg14 : memref<!tpu.dma_semaphore, #tpu.memory_space<semaphore_mem>>) src(%dma_wait3A_76 : memref<10240x128xf32, #tpu.memory_space<hbm>>) dst(%arg11 : memref<128x128xf32, #tpu.memory_space<vmem>>)
      %mul3A_77 = arith.constant 2 : i32
      %mul3A_78 = arith.muli %mul3A_77, %scan3A_60 : i32
      %add3A_79 = arith.constant 0 : i32
      %add3A_80 = arith.addi %add3A_79, %mul3A_78 : i32
      "tpu.region"() ({
        %run_scoped3A_95 = tpu.sem_alloc : memref<!tpu.dma_semaphore, #tpu.memory_space<semaphore_mem>>
        %dma_start3A_96 = arith.constant 0 : i32
        %dma_start3A_97 = tpu.memref_slice %arg9[%add3A_80, %dma_start3A_96] : memref<79x128xi32, #tpu.memory_space<vmem>> -> memref<1x128xi32, #tpu.memory_space<vmem>>
        %dma_start3A_98 = tpu.memref_squeeze %dma_start3A_97 : memref<1x128xi32, #tpu.memory_space<vmem>> -> memref<128xi32, #tpu.memory_space<vmem>>
        %dma_start3A_99 = arith.constant 0 : i32
        %dma_start3A_100 = arith.constant 0 : i32
        %dma_start3A_101 = tpu.memref_slice %arg13[%dma_start3A_99, %dma_start3A_100] : memref<10240x128xf32, #tpu.memory_space<vmem_shared>> -> memref<10240x128xf32, #tpu.memory_space<vmem_shared>>
        tpu.enqueue_indirect_dma source(%arg11 : memref<128x128xf32, #tpu.memory_space<vmem>>) target(%dma_start3A_101 : memref<10240x128xf32, #tpu.memory_space<vmem_shared>>) offsets(%dma_start3A_98 : memref<128xi32, #tpu.memory_space<vmem>>) semaphore(%run_scoped3A_95 : memref<!tpu.dma_semaphore, #tpu.memory_space<semaphore_mem>>) {add = true}
        %dma_wait3A_102 = arith.constant 0 : i32
        %dma_wait3A_103 = tpu.memref_slice %arg9[%add3A_80, %dma_wait3A_102] : memref<79x128xi32, #tpu.memory_space<vmem>> -> memref<1x128xi32, #tpu.memory_space<vmem>>
        %dma_wait3A_104 = tpu.memref_squeeze %dma_wait3A_103 : memref<1x128xi32, #tpu.memory_space<vmem>> -> memref<128xi32, #tpu.memory_space<vmem>>
        %dma_wait3A_105 = arith.constant 0 : i32
        %dma_wait3A_106 = arith.constant 0 : i32
        %dma_wait3A_107 = tpu.memref_slice %arg13[%dma_wait3A_105, %dma_wait3A_106] : memref<10240x128xf32, #tpu.memory_space<vmem_shared>> -> memref<10240x128xf32, #tpu.memory_space<vmem_shared>>
        tpu.wait_indirect_dma semaphore(%run_scoped3A_95 : memref<!tpu.dma_semaphore, #tpu.memory_space<semaphore_mem>>) src(%arg11 : memref<128x128xf32, #tpu.memory_space<vmem>>) dst(%dma_wait3A_107 : memref<10240x128xf32, #tpu.memory_space<vmem_shared>>)
        tpu.yield
      }) : () -> ()
      %lt3A = arith.constant 19 : i32
      %lt3A_81 = arith.cmpi slt, %scan3A_60, %lt3A : i32
      %convert_element_type3A = arith.extui %lt3A_81 : i1 to i32
      %cond3A = arith.constant 0 : i32
      %cond3A_82 = arith.cmpi ne, %convert_element_type3A, %cond3A : i32
      scf.if %cond3A_82 {
        %mul3A_95 = arith.constant 2 : i32
        %mul3A_96 = arith.muli %mul3A_95, %scan3A_60 : i32
        %add3A_97 = arith.constant 2 : i32
        %add3A_98 = arith.addi %mul3A_96, %add3A_97 : i32
        %mul3A_99 = arith.constant 128 : i32
        %mul3A_100 = arith.muli %add3A_98, %mul3A_99 : i32
        %dma_start3A_101 = tpu.memref_slice %arg8[%mul3A_100] : memref<5120xi32, #tpu.memory_space<vmem>> -> memref<128xi32, #tpu.memory_space<vmem>>
        %dma_start3A_102 = arith.constant 0 : i32
        %dma_start3A_103 = arith.constant 0 : i32
        %dma_start3A_104 = tpu.memref_slice %arg5[%dma_start3A_102, %dma_start3A_103] : memref<10240x128xf32, #tpu.memory_space<hbm>> -> memref<10240x128xf32, #tpu.memory_space<hbm>>
        tpu.enqueue_indirect_dma source(%dma_start3A_104 : memref<10240x128xf32, #tpu.memory_space<hbm>>) target(%arg11 : memref<128x128xf32, #tpu.memory_space<vmem>>) offsets(%dma_start3A_101 : memref<128xi32, #tpu.memory_space<vmem>>) semaphore(%arg14 : memref<!tpu.dma_semaphore, #tpu.memory_space<semaphore_mem>>)
      } else {
      }
      %dma_wait3A_83 = arith.constant 0 : i32
      %dma_wait3A_84 = tpu.memref_slice %arg8[%dma_wait3A_83] : memref<5120xi32, #tpu.memory_space<vmem>> -> memref<128xi32, #tpu.memory_space<vmem>>
      %dma_wait3A_85 = arith.constant 0 : i32
      %dma_wait3A_86 = arith.constant 0 : i32
      %dma_wait3A_87 = tpu.memref_slice %arg5[%dma_wait3A_85, %dma_wait3A_86] : memref<10240x128xf32, #tpu.memory_space<hbm>> -> memref<10240x128xf32, #tpu.memory_space<hbm>>
      tpu.wait_indirect_dma semaphore(%arg15 : memref<!tpu.dma_semaphore, #tpu.memory_space<semaphore_mem>>) src(%dma_wait3A_87 : memref<10240x128xf32, #tpu.memory_space<hbm>>) dst(%arg12 : memref<128x128xf32, #tpu.memory_space<vmem>>)
      %mul3A_88 = arith.constant 2 : i32
      %mul3A_89 = arith.muli %mul3A_88, %scan3A_60 : i32
      %add3A_90 = arith.constant 0 : i32
      %add3A_91 = arith.addi %add3A_90, %mul3A_89 : i32
      %add3A_92 = arith.constant 1 : i32
      %add3A_93 = arith.addi %add3A_91, %add3A_92 : i32
      "tpu.region"() ({
        %run_scoped3A_95 = tpu.sem_alloc : memref<!tpu.dma_semaphore, #tpu.memory_space<semaphore_mem>>
        %dma_start3A_96 = arith.constant 0 : i32
        %dma_start3A_97 = tpu.memref_slice %arg9[%add3A_93, %dma_start3A_96] : memref<79x128xi32, #tpu.memory_space<vmem>> -> memref<1x128xi32, #tpu.memory_space<vmem>>
        %dma_start3A_98 = tpu.memref_squeeze %dma_start3A_97 : memref<1x128xi32, #tpu.memory_space<vmem>> -> memref<128xi32, #tpu.memory_space<vmem>>
        %dma_start3A_99 = arith.constant 0 : i32
        %dma_start3A_100 = arith.constant 0 : i32
        %dma_start3A_101 = tpu.memref_slice %arg13[%dma_start3A_99, %dma_start3A_100] : memref<10240x128xf32, #tpu.memory_space<vmem_shared>> -> memref<10240x128xf32, #tpu.memory_space<vmem_shared>>
        tpu.enqueue_indirect_dma source(%arg12 : memref<128x128xf32, #tpu.memory_space<vmem>>) target(%dma_start3A_101 : memref<10240x128xf32, #tpu.memory_space<vmem_shared>>) offsets(%dma_start3A_98 : memref<128xi32, #tpu.memory_space<vmem>>) semaphore(%run_scoped3A_95 : memref<!tpu.dma_semaphore, #tpu.memory_space<semaphore_mem>>) {add = true}
        %dma_wait3A_102 = arith.constant 0 : i32
        %dma_wait3A_103 = tpu.memref_slice %arg9[%add3A_93, %dma_wait3A_102] : memref<79x128xi32, #tpu.memory_space<vmem>> -> memref<1x128xi32, #tpu.memory_space<vmem>>
        %dma_wait3A_104 = tpu.memref_squeeze %dma_wait3A_103 : memref<1x128xi32, #tpu.memory_space<vmem>> -> memref<128xi32, #tpu.memory_space<vmem>>
        %dma_wait3A_105 = arith.constant 0 : i32
        %dma_wait3A_106 = arith.constant 0 : i32
        %dma_wait3A_107 = tpu.memref_slice %arg13[%dma_wait3A_105, %dma_wait3A_106] : memref<10240x128xf32, #tpu.memory_space<vmem_shared>> -> memref<10240x128xf32, #tpu.memory_space<vmem_shared>>
        tpu.wait_indirect_dma semaphore(%run_scoped3A_95 : memref<!tpu.dma_semaphore, #tpu.memory_space<semaphore_mem>>) src(%arg12 : memref<128x128xf32, #tpu.memory_space<vmem>>) dst(%dma_wait3A_107 : memref<10240x128xf32, #tpu.memory_space<vmem_shared>>)
        tpu.yield
      }) : () -> ()
      %scan3A_94 = arith.constant 0 : i32
      scf.yield %scan3A_94 : i32
    }
    %scan3A_16 = arith.constant 20 : i32
    %mul3A_17 = arith.constant 10112 : i32
    %mul3A_18 = arith.muli %add3A, %mul3A_17 : i32
    %add3A_19 = arith.constant 5120 : i32
    %add3A_20 = arith.addi %mul3A_18, %add3A_19 : i32
    "tpu.region"() ({
      %run_scoped3A_60 = tpu.sem_alloc : memref<!tpu.dma_semaphore, #tpu.memory_space<semaphore_mem>>
      %dma_start3A_61 = arith.constant 0 : i32
      %dma_start3A_62 = tpu.memref_slice %arg8[%dma_start3A_61] : memref<5120xi32, #tpu.memory_space<vmem>> -> memref<4864xi32, #tpu.memory_space<vmem>>
      %dma_start3A_63 = tpu.memref_slice %arg2[%add3A_20] : memref<323584xi32, #tpu.memory_space<hbm>> -> memref<4864xi32, #tpu.memory_space<hbm>>
      %dma_start3A_64 = arith.constant 0 : i32
      %dma_start3A_65 = tpu.memref_slice %arg8[%dma_start3A_64] : memref<5120xi32, #tpu.memory_space<vmem>> -> memref<4864xi32, #tpu.memory_space<vmem>>
      %dma_start3A_66 = tpu.memref_slice %arg2[%add3A_20] : memref<323584xi32, #tpu.memory_space<hbm>> -> memref<4864xi32, #tpu.memory_space<hbm>>
      tpu.enqueue_dma source(%dma_start3A_66 : memref<4864xi32, #tpu.memory_space<hbm>>) target(%dma_start3A_65 : memref<4864xi32, #tpu.memory_space<vmem>>) target_semaphore(%run_scoped3A_60 : memref<!tpu.dma_semaphore, #tpu.memory_space<semaphore_mem>>)
      %dma_wait3A_67 = arith.constant 0 : i32
      %dma_wait3A_68 = tpu.memref_slice %arg8[%dma_wait3A_67] : memref<5120xi32, #tpu.memory_space<vmem>> -> memref<4864xi32, #tpu.memory_space<vmem>>
      %dma_wait3A_69 = tpu.memref_slice %arg2[%add3A_20] : memref<323584xi32, #tpu.memory_space<hbm>> -> memref<4864xi32, #tpu.memory_space<hbm>>
      %dma_wait3A_70 = arith.constant 0 : i32
      %dma_wait3A_71 = tpu.memref_slice %arg8[%dma_wait3A_70] : memref<5120xi32, #tpu.memory_space<vmem>> -> memref<4864xi32, #tpu.memory_space<vmem>>
      %dma_wait3A_72 = tpu.memref_slice %arg2[%add3A_20] : memref<323584xi32, #tpu.memory_space<hbm>> -> memref<4864xi32, #tpu.memory_space<hbm>>
      tpu.wait_dma2 semaphore(%run_scoped3A_60 : memref<!tpu.dma_semaphore, #tpu.memory_space<semaphore_mem>>) src(%dma_wait3A_72 : memref<4864xi32, #tpu.memory_space<hbm>>) dst(%dma_wait3A_71 : memref<4864xi32, #tpu.memory_space<vmem>>)
      tpu.yield
    }) : () -> ()
    %dma_start3A_21 = arith.constant 0 : i32
    %dma_start3A_22 = tpu.memref_slice %arg8[%dma_start3A_21] : memref<5120xi32, #tpu.memory_space<vmem>> -> memref<128xi32, #tpu.memory_space<vmem>>
    %dma_start3A_23 = arith.constant 0 : i32
    %dma_start3A_24 = arith.constant 0 : i32
    %dma_start3A_25 = tpu.memref_slice %arg5[%dma_start3A_23, %dma_start3A_24] : memref<10240x128xf32, #tpu.memory_space<hbm>> -> memref<10240x128xf32, #tpu.memory_space<hbm>>
    tpu.enqueue_indirect_dma source(%dma_start3A_25 : memref<10240x128xf32, #tpu.memory_space<hbm>>) target(%arg11 : memref<128x128xf32, #tpu.memory_space<vmem>>) offsets(%dma_start3A_22 : memref<128xi32, #tpu.memory_space<vmem>>) semaphore(%arg14 : memref<!tpu.dma_semaphore, #tpu.memory_space<semaphore_mem>>)
    %scan3A_26 = arith.constant 0 : i32
    %scan3A_27 = arith.constant 0 : i32
    %scan3A_28 = arith.constant 19 : i32
    %scan3A_29 = arith.addi %scan3A_27, %scan3A_28 : i32
    %scan3A_30 = arith.constant 1 : i32
    %scan3A_31 = scf.for %scan3A_60 = %scan3A_27 to %scan3A_29 step %scan3A_30 iter_args(%scan3A_61 = %scan3A_26) -> (i32)  : i32 {
      %mul3A_62 = arith.constant 2 : i32
      %mul3A_63 = arith.muli %mul3A_62, %scan3A_60 : i32
      %add3A_64 = arith.constant 1 : i32
      %add3A_65 = arith.addi %mul3A_63, %add3A_64 : i32
      %mul3A_66 = arith.constant 128 : i32
      %mul3A_67 = arith.muli %add3A_65, %mul3A_66 : i32
      %dma_start3A_68 = tpu.memref_slice %arg8[%mul3A_67] : memref<5120xi32, #tpu.memory_space<vmem>> -> memref<128xi32, #tpu.memory_space<vmem>>
      %dma_start3A_69 = arith.constant 0 : i32
      %dma_start3A_70 = arith.constant 0 : i32
      %dma_start3A_71 = tpu.memref_slice %arg5[%dma_start3A_69, %dma_start3A_70] : memref<10240x128xf32, #tpu.memory_space<hbm>> -> memref<10240x128xf32, #tpu.memory_space<hbm>>
      tpu.enqueue_indirect_dma source(%dma_start3A_71 : memref<10240x128xf32, #tpu.memory_space<hbm>>) target(%arg12 : memref<128x128xf32, #tpu.memory_space<vmem>>) offsets(%dma_start3A_68 : memref<128xi32, #tpu.memory_space<vmem>>) semaphore(%arg15 : memref<!tpu.dma_semaphore, #tpu.memory_space<semaphore_mem>>)
      %dma_wait3A_72 = arith.constant 0 : i32
      %dma_wait3A_73 = tpu.memref_slice %arg8[%dma_wait3A_72] : memref<5120xi32, #tpu.memory_space<vmem>> -> memref<128xi32, #tpu.memory_space<vmem>>
      %dma_wait3A_74 = arith.constant 0 : i32
      %dma_wait3A_75 = arith.constant 0 : i32
      %dma_wait3A_76 = tpu.memref_slice %arg5[%dma_wait3A_74, %dma_wait3A_75] : memref<10240x128xf32, #tpu.memory_space<hbm>> -> memref<10240x128xf32, #tpu.memory_space<hbm>>
      tpu.wait_indirect_dma semaphore(%arg14 : memref<!tpu.dma_semaphore, #tpu.memory_space<semaphore_mem>>) src(%dma_wait3A_76 : memref<10240x128xf32, #tpu.memory_space<hbm>>) dst(%arg11 : memref<128x128xf32, #tpu.memory_space<vmem>>)
      %mul3A_77 = arith.constant 2 : i32
      %mul3A_78 = arith.muli %mul3A_77, %scan3A_60 : i32
      %add3A_79 = arith.constant 40 : i32
      %add3A_80 = arith.addi %add3A_79, %mul3A_78 : i32
      "tpu.region"() ({
        %run_scoped3A_95 = tpu.sem_alloc : memref<!tpu.dma_semaphore, #tpu.memory_space<semaphore_mem>>
        %dma_start3A_96 = arith.constant 0 : i32
        %dma_start3A_97 = tpu.memref_slice %arg9[%add3A_80, %dma_start3A_96] : memref<79x128xi32, #tpu.memory_space<vmem>> -> memref<1x128xi32, #tpu.memory_space<vmem>>
        %dma_start3A_98 = tpu.memref_squeeze %dma_start3A_97 : memref<1x128xi32, #tpu.memory_space<vmem>> -> memref<128xi32, #tpu.memory_space<vmem>>
        %dma_start3A_99 = arith.constant 0 : i32
        %dma_start3A_100 = arith.constant 0 : i32
        %dma_start3A_101 = tpu.memref_slice %arg13[%dma_start3A_99, %dma_start3A_100] : memref<10240x128xf32, #tpu.memory_space<vmem_shared>> -> memref<10240x128xf32, #tpu.memory_space<vmem_shared>>
        tpu.enqueue_indirect_dma source(%arg11 : memref<128x128xf32, #tpu.memory_space<vmem>>) target(%dma_start3A_101 : memref<10240x128xf32, #tpu.memory_space<vmem_shared>>) offsets(%dma_start3A_98 : memref<128xi32, #tpu.memory_space<vmem>>) semaphore(%run_scoped3A_95 : memref<!tpu.dma_semaphore, #tpu.memory_space<semaphore_mem>>) {add = true}
        %dma_wait3A_102 = arith.constant 0 : i32
        %dma_wait3A_103 = tpu.memref_slice %arg9[%add3A_80, %dma_wait3A_102] : memref<79x128xi32, #tpu.memory_space<vmem>> -> memref<1x128xi32, #tpu.memory_space<vmem>>
        %dma_wait3A_104 = tpu.memref_squeeze %dma_wait3A_103 : memref<1x128xi32, #tpu.memory_space<vmem>> -> memref<128xi32, #tpu.memory_space<vmem>>
        %dma_wait3A_105 = arith.constant 0 : i32
        %dma_wait3A_106 = arith.constant 0 : i32
        %dma_wait3A_107 = tpu.memref_slice %arg13[%dma_wait3A_105, %dma_wait3A_106] : memref<10240x128xf32, #tpu.memory_space<vmem_shared>> -> memref<10240x128xf32, #tpu.memory_space<vmem_shared>>
        tpu.wait_indirect_dma semaphore(%run_scoped3A_95 : memref<!tpu.dma_semaphore, #tpu.memory_space<semaphore_mem>>) src(%arg11 : memref<128x128xf32, #tpu.memory_space<vmem>>) dst(%dma_wait3A_107 : memref<10240x128xf32, #tpu.memory_space<vmem_shared>>)
        tpu.yield
      }) : () -> ()
      %lt3A = arith.constant 18 : i32
      %lt3A_81 = arith.cmpi slt, %scan3A_60, %lt3A : i32
      %convert_element_type3A = arith.extui %lt3A_81 : i1 to i32
      %cond3A = arith.constant 0 : i32
      %cond3A_82 = arith.cmpi ne, %convert_element_type3A, %cond3A : i32
      scf.if %cond3A_82 {
        %mul3A_95 = arith.constant 2 : i32
        %mul3A_96 = arith.muli %mul3A_95, %scan3A_60 : i32
        %add3A_97 = arith.constant 2 : i32
        %add3A_98 = arith.addi %mul3A_96, %add3A_97 : i32
        %mul3A_99 = arith.constant 128 : i32
        %mul3A_100 = arith.muli %add3A_98, %mul3A_99 : i32
        %dma_start3A_101 = tpu.memref_slice %arg8[%mul3A_100] : memref<5120xi32, #tpu.memory_space<vmem>> -> memref<128xi32, #tpu.memory_space<vmem>>
        %dma_start3A_102 = arith.constant 0 : i32
        %dma_start3A_103 = arith.constant 0 : i32
        %dma_start3A_104 = tpu.memref_slice %arg5[%dma_start3A_102, %dma_start3A_103] : memref<10240x128xf32, #tpu.memory_space<hbm>> -> memref<10240x128xf32, #tpu.memory_space<hbm>>
        tpu.enqueue_indirect_dma source(%dma_start3A_104 : memref<10240x128xf32, #tpu.memory_space<hbm>>) target(%arg11 : memref<128x128xf32, #tpu.memory_space<vmem>>) offsets(%dma_start3A_101 : memref<128xi32, #tpu.memory_space<vmem>>) semaphore(%arg14 : memref<!tpu.dma_semaphore, #tpu.memory_space<semaphore_mem>>)
      } else {
      }
      %dma_wait3A_83 = arith.constant 0 : i32
      %dma_wait3A_84 = tpu.memref_slice %arg8[%dma_wait3A_83] : memref<5120xi32, #tpu.memory_space<vmem>> -> memref<128xi32, #tpu.memory_space<vmem>>
      %dma_wait3A_85 = arith.constant 0 : i32
      %dma_wait3A_86 = arith.constant 0 : i32
      %dma_wait3A_87 = tpu.memref_slice %arg5[%dma_wait3A_85, %dma_wait3A_86] : memref<10240x128xf32, #tpu.memory_space<hbm>> -> memref<10240x128xf32, #tpu.memory_space<hbm>>
      tpu.wait_indirect_dma semaphore(%arg15 : memref<!tpu.dma_semaphore, #tpu.memory_space<semaphore_mem>>) src(%dma_wait3A_87 : memref<10240x128xf32, #tpu.memory_space<hbm>>) dst(%arg12 : memref<128x128xf32, #tpu.memory_space<vmem>>)
      %mul3A_88 = arith.constant 2 : i32
      %mul3A_89 = arith.muli %mul3A_88, %scan3A_60 : i32
      %add3A_90 = arith.constant 40 : i32
      %add3A_91 = arith.addi %add3A_90, %mul3A_89 : i32
      %add3A_92 = arith.constant 1 : i32
      %add3A_93 = arith.addi %add3A_91, %add3A_92 : i32
      "tpu.region"() ({
        %run_scoped3A_95 = tpu.sem_alloc : memref<!tpu.dma_semaphore, #tpu.memory_space<semaphore_mem>>
        %dma_start3A_96 = arith.constant 0 : i32
        %dma_start3A_97 = tpu.memref_slice %arg9[%add3A_93, %dma_start3A_96] : memref<79x128xi32, #tpu.memory_space<vmem>> -> memref<1x128xi32, #tpu.memory_space<vmem>>
        %dma_start3A_98 = tpu.memref_squeeze %dma_start3A_97 : memref<1x128xi32, #tpu.memory_space<vmem>> -> memref<128xi32, #tpu.memory_space<vmem>>
        %dma_start3A_99 = arith.constant 0 : i32
        %dma_start3A_100 = arith.constant 0 : i32
        %dma_start3A_101 = tpu.memref_slice %arg13[%dma_start3A_99, %dma_start3A_100] : memref<10240x128xf32, #tpu.memory_space<vmem_shared>> -> memref<10240x128xf32, #tpu.memory_space<vmem_shared>>
        tpu.enqueue_indirect_dma source(%arg12 : memref<128x128xf32, #tpu.memory_space<vmem>>) target(%dma_start3A_101 : memref<10240x128xf32, #tpu.memory_space<vmem_shared>>) offsets(%dma_start3A_98 : memref<128xi32, #tpu.memory_space<vmem>>) semaphore(%run_scoped3A_95 : memref<!tpu.dma_semaphore, #tpu.memory_space<semaphore_mem>>) {add = true}
        %dma_wait3A_102 = arith.constant 0 : i32
        %dma_wait3A_103 = tpu.memref_slice %arg9[%add3A_93, %dma_wait3A_102] : memref<79x128xi32, #tpu.memory_space<vmem>> -> memref<1x128xi32, #tpu.memory_space<vmem>>
        %dma_wait3A_104 = tpu.memref_squeeze %dma_wait3A_103 : memref<1x128xi32, #tpu.memory_space<vmem>> -> memref<128xi32, #tpu.memory_space<vmem>>
        %dma_wait3A_105 = arith.constant 0 : i32
        %dma_wait3A_106 = arith.constant 0 : i32
        %dma_wait3A_107 = tpu.memref_slice %arg13[%dma_wait3A_105, %dma_wait3A_106] : memref<10240x128xf32, #tpu.memory_space<vmem_shared>> -> memref<10240x128xf32, #tpu.memory_space<vmem_shared>>
        tpu.wait_indirect_dma semaphore(%run_scoped3A_95 : memref<!tpu.dma_semaphore, #tpu.memory_space<semaphore_mem>>) src(%arg12 : memref<128x128xf32, #tpu.memory_space<vmem>>) dst(%dma_wait3A_107 : memref<10240x128xf32, #tpu.memory_space<vmem_shared>>)
        tpu.yield
      }) : () -> ()
      %scan3A_94 = arith.constant 0 : i32
      scf.yield %scan3A_94 : i32
    }
    %scan3A_32 = arith.constant 19 : i32
    %mul3A_33 = arith.constant 10112 : i32
    %mul3A_34 = arith.muli %add3A, %mul3A_33 : i32
    %add3A_35 = arith.constant 9984 : i32
    %add3A_36 = arith.addi %mul3A_34, %add3A_35 : i32
    "tpu.region"() ({
      %run_scoped3A_60 = tpu.sem_alloc : memref<!tpu.dma_semaphore, #tpu.memory_space<semaphore_mem>>
      %dma_start3A_61 = arith.constant 0 : i32
      %dma_start3A_62 = tpu.memref_slice %arg8[%dma_start3A_61] : memref<5120xi32, #tpu.memory_space<vmem>> -> memref<16xi32, #tpu.memory_space<vmem>>
      %dma_start3A_63 = tpu.memref_slice %arg2[%add3A_36] : memref<323584xi32, #tpu.memory_space<hbm>> -> memref<16xi32, #tpu.memory_space<hbm>>
      %dma_start3A_64 = arith.constant 0 : i32
      %dma_start3A_65 = tpu.memref_slice %arg8[%dma_start3A_64] : memref<5120xi32, #tpu.memory_space<vmem>> -> memref<16xi32, #tpu.memory_space<vmem>>
      %dma_start3A_66 = tpu.memref_slice %arg2[%add3A_36] : memref<323584xi32, #tpu.memory_space<hbm>> -> memref<16xi32, #tpu.memory_space<hbm>>
      tpu.enqueue_dma source(%dma_start3A_66 : memref<16xi32, #tpu.memory_space<hbm>>) target(%dma_start3A_65 : memref<16xi32, #tpu.memory_space<vmem>>) target_semaphore(%run_scoped3A_60 : memref<!tpu.dma_semaphore, #tpu.memory_space<semaphore_mem>>)
      %dma_wait3A_67 = arith.constant 0 : i32
      %dma_wait3A_68 = tpu.memref_slice %arg8[%dma_wait3A_67] : memref<5120xi32, #tpu.memory_space<vmem>> -> memref<16xi32, #tpu.memory_space<vmem>>
      %dma_wait3A_69 = tpu.memref_slice %arg2[%add3A_36] : memref<323584xi32, #tpu.memory_space<hbm>> -> memref<16xi32, #tpu.memory_space<hbm>>
      %dma_wait3A_70 = arith.constant 0 : i32
      %dma_wait3A_71 = tpu.memref_slice %arg8[%dma_wait3A_70] : memref<5120xi32, #tpu.memory_space<vmem>> -> memref<16xi32, #tpu.memory_space<vmem>>
      %dma_wait3A_72 = tpu.memref_slice %arg2[%add3A_36] : memref<323584xi32, #tpu.memory_space<hbm>> -> memref<16xi32, #tpu.memory_space<hbm>>
      tpu.wait_dma2 semaphore(%run_scoped3A_60 : memref<!tpu.dma_semaphore, #tpu.memory_space<semaphore_mem>>) src(%dma_wait3A_72 : memref<16xi32, #tpu.memory_space<hbm>>) dst(%dma_wait3A_71 : memref<16xi32, #tpu.memory_space<vmem>>)
      tpu.yield
    }) : () -> ()
    %dma_start3A_37 = arith.constant 0 : i32
    %dma_start3A_38 = arith.constant 0 : i32
    %dma_start3A_39 = tpu.memref_slice %arg11[%dma_start3A_37, %dma_start3A_38] : memref<128x128xf32, #tpu.memory_space<vmem>> -> memref<16x128xf32, #tpu.memory_space<vmem>>
    %dma_start3A_40 = arith.constant 0 : i32
    %dma_start3A_41 = tpu.memref_slice %arg8[%dma_start3A_40] : memref<5120xi32, #tpu.memory_space<vmem>> -> memref<16xi32, #tpu.memory_space<vmem>>
    %dma_start3A_42 = arith.constant 0 : i32
    %dma_start3A_43 = arith.constant 0 : i32
    %dma_start3A_44 = tpu.memref_slice %arg5[%dma_start3A_42, %dma_start3A_43] : memref<10240x128xf32, #tpu.memory_space<hbm>> -> memref<10240x128xf32, #tpu.memory_space<hbm>>
    tpu.enqueue_indirect_dma source(%dma_start3A_44 : memref<10240x128xf32, #tpu.memory_space<hbm>>) target(%dma_start3A_39 : memref<16x128xf32, #tpu.memory_space<vmem>>) offsets(%dma_start3A_41 : memref<16xi32, #tpu.memory_space<vmem>>) semaphore(%arg14 : memref<!tpu.dma_semaphore, #tpu.memory_space<semaphore_mem>>)
    %dma_wait3A = arith.constant 0 : i32
    %dma_wait3A_45 = arith.constant 0 : i32
    %dma_wait3A_46 = tpu.memref_slice %arg11[%dma_wait3A, %dma_wait3A_45] : memref<128x128xf32, #tpu.memory_space<vmem>> -> memref<16x128xf32, #tpu.memory_space<vmem>>
    %dma_wait3A_47 = arith.constant 0 : i32
    %dma_wait3A_48 = tpu.memref_slice %arg8[%dma_wait3A_47] : memref<5120xi32, #tpu.memory_space<vmem>> -> memref<16xi32, #tpu.memory_space<vmem>>
    %dma_wait3A_49 = arith.constant 0 : i32
    %dma_wait3A_50 = arith.constant 0 : i32
    %dma_wait3A_51 = tpu.memref_slice %arg5[%dma_wait3A_49, %dma_wait3A_50] : memref<10240x128xf32, #tpu.memory_space<hbm>> -> memref<10240x128xf32, #tpu.memory_space<hbm>>
    tpu.wait_indirect_dma semaphore(%arg14 : memref<!tpu.dma_semaphore, #tpu.memory_space<semaphore_mem>>) src(%dma_wait3A_51 : memref<10240x128xf32, #tpu.memory_space<hbm>>) dst(%dma_wait3A_46 : memref<16x128xf32, #tpu.memory_space<vmem>>)
    %run_scoped3A = arith.constant 0 : i32
    "tpu.region"() ({
      %run_scoped3A_60 = tpu.sem_alloc : memref<!tpu.dma_semaphore, #tpu.memory_space<semaphore_mem>>
      %dma_start3A_61 = arith.constant 0 : i32
      %dma_start3A_62 = arith.constant 0 : i32
      %dma_start3A_63 = tpu.memref_slice %arg11[%dma_start3A_61, %dma_start3A_62] : memref<128x128xf32, #tpu.memory_space<vmem>> -> memref<16x128xf32, #tpu.memory_space<vmem>>
      %dma_start3A_64 = arith.constant 0 : i32
      %dma_start3A_65 = tpu.memref_slice %arg10[%run_scoped3A, %dma_start3A_64] : memref<1x16xi32, #tpu.memory_space<vmem>> -> memref<1x16xi32, #tpu.memory_space<vmem>>
      %dma_start3A_66 = tpu.memref_squeeze %dma_start3A_65 : memref<1x16xi32, #tpu.memory_space<vmem>> -> memref<16xi32, #tpu.memory_space<vmem>>
      %dma_start3A_67 = arith.constant 0 : i32
      %dma_start3A_68 = arith.constant 0 : i32
      %dma_start3A_69 = tpu.memref_slice %arg13[%dma_start3A_67, %dma_start3A_68] : memref<10240x128xf32, #tpu.memory_space<vmem_shared>> -> memref<10240x128xf32, #tpu.memory_space<vmem_shared>>
      tpu.enqueue_indirect_dma source(%dma_start3A_63 : memref<16x128xf32, #tpu.memory_space<vmem>>) target(%dma_start3A_69 : memref<10240x128xf32, #tpu.memory_space<vmem_shared>>) offsets(%dma_start3A_66 : memref<16xi32, #tpu.memory_space<vmem>>) semaphore(%run_scoped3A_60 : memref<!tpu.dma_semaphore, #tpu.memory_space<semaphore_mem>>) {add = true}
      %dma_wait3A_70 = arith.constant 0 : i32
      %dma_wait3A_71 = arith.constant 0 : i32
      %dma_wait3A_72 = tpu.memref_slice %arg11[%dma_wait3A_70, %dma_wait3A_71] : memref<128x128xf32, #tpu.memory_space<vmem>> -> memref<16x128xf32, #tpu.memory_space<vmem>>
      %dma_wait3A_73 = arith.constant 0 : i32
      %dma_wait3A_74 = tpu.memref_slice %arg10[%run_scoped3A, %dma_wait3A_73] : memref<1x16xi32, #tpu.memory_space<vmem>> -> memref<1x16xi32, #tpu.memory_space<vmem>>
      %dma_wait3A_75 = tpu.memref_squeeze %dma_wait3A_74 : memref<1x16xi32, #tpu.memory_space<vmem>> -> memref<16xi32, #tpu.memory_space<vmem>>
      %dma_wait3A_76 = arith.constant 0 : i32
      %dma_wait3A_77 = arith.constant 0 : i32
      %dma_wait3A_78 = tpu.memref_slice %arg13[%dma_wait3A_76, %dma_wait3A_77] : memref<10240x128xf32, #tpu.memory_space<vmem_shared>> -> memref<10240x128xf32, #tpu.memory_space<vmem_shared>>
      tpu.wait_indirect_dma semaphore(%run_scoped3A_60 : memref<!tpu.dma_semaphore, #tpu.memory_space<semaphore_mem>>) src(%dma_wait3A_72 : memref<16x128xf32, #tpu.memory_space<vmem>>) dst(%dma_wait3A_78 : memref<10240x128xf32, #tpu.memory_space<vmem_shared>>)
      tpu.yield
    }) : () -> ()
    %barrier3A_52 = arith.constant 0 : index
    tpu.barrier barrier_id(%barrier3A_52)
    %mul3A_53 = arith.constant 640 : i32
    %mul3A_54 = arith.muli %arg1, %mul3A_53 : i32
    %mul3A_55 = arith.constant 10240 : i32
    %mul3A_56 = arith.muli %arg0, %mul3A_55 : i32
    %mul3A_57 = arith.constant 640 : i32
    %mul3A_58 = arith.muli %arg1, %mul3A_57 : i32
    %add3A_59 = arith.addi %mul3A_56, %mul3A_58 : i32
    "tpu.region"() ({
      %run_scoped3A_60 = tpu.sem_alloc : memref<!tpu.dma_semaphore, #tpu.memory_space<semaphore_mem>>
      %dma_start3A_61 = arith.constant 0 : i32
      %dma_start3A_62 = tpu.memref_slice %arg7[%add3A_59, %dma_start3A_61] : memref<20480x128xf32, #tpu.memory_space<hbm>> -> memref<640x128xf32, #tpu.memory_space<hbm>>
      %dma_start3A_63 = arith.constant 0 : i32
      %dma_start3A_64 = tpu.memref_slice %arg13[%mul3A_54, %dma_start3A_63] : memref<10240x128xf32, #tpu.memory_space<vmem_shared>> -> memref<640x128xf32, #tpu.memory_space<vmem_shared>>
      tpu.enqueue_dma source(%dma_start3A_64 : memref<640x128xf32, #tpu.memory_space<vmem_shared>>) target(%dma_start3A_62 : memref<640x128xf32, #tpu.memory_space<hbm>>) target_semaphore(%run_scoped3A_60 : memref<!tpu.dma_semaphore, #tpu.memory_space<semaphore_mem>>)
      %dma_wait3A_65 = arith.constant 0 : i32
      %dma_wait3A_66 = tpu.memref_slice %arg7[%add3A_59, %dma_wait3A_65] : memref<20480x128xf32, #tpu.memory_space<hbm>> -> memref<640x128xf32, #tpu.memory_space<hbm>>
      %dma_wait3A_67 = arith.constant 0 : i32
      %dma_wait3A_68 = tpu.memref_slice %arg13[%mul3A_54, %dma_wait3A_67] : memref<10240x128xf32, #tpu.memory_space<vmem_shared>> -> memref<640x128xf32, #tpu.memory_space<vmem_shared>>
      tpu.wait_dma2 semaphore(%run_scoped3A_60 : memref<!tpu.dma_semaphore, #tpu.memory_space<semaphore_mem>>) src(%dma_wait3A_68 : memref<640x128xf32, #tpu.memory_space<vmem_shared>>) dst(%dma_wait3A_66 : memref<640x128xf32, #tpu.memory_space<hbm>>)
      tpu.yield
    }) : () -> ()
    return
  }
}

#map = affine_map<(d0, d1) -> (0)>
#map1 = affine_map<(d0, d1) -> (0, 0, 0)>
#map2 = affine_map<(d0, d1) -> (0, 0)>
module attributes {stable_mosaic.version = 14 : i64} {
  func.func @_agg_body(%arg0: i32, %arg1: i32, %arg2: memref<323584xi32, #tpu.memory_space<hbm>>, %arg3: memref<32x79x128xi32, #tpu.memory_space<hbm>>, %arg4: memref<32x1x16xi32, #tpu.memory_space<hbm>>, %arg5: memref<10240x128xf32, #tpu.memory_space<hbm>>, %arg6: memref<10240x128xf32, #tpu.memory_space<hbm>>, %arg7: memref<20480x128xf32, #tpu.memory_space<hbm>>, %arg8: memref<5120xi32, #tpu.memory_space<vmem>>, %arg9: memref<79x128xi32, #tpu.memory_space<vmem>>, %arg10: memref<1x16xi32, #tpu.memory_space<vmem>>, %arg11: memref<128x128xf32, #tpu.memory_space<vmem>>, %arg12: memref<128x128xf32, #tpu.memory_space<vmem>>, %arg13: memref<10240x128xf32, #tpu.memory_space<vmem_shared>>, %arg14: memref<!tpu.dma_semaphore, #tpu.memory_space<semaphore_mem>>, %arg15: memref<!tpu.dma_semaphore, #tpu.memory_space<semaphore_mem>>) attributes {dimension_semantics = [#tpu.dimension_semantics<core_parallel>, #tpu.dimension_semantics<subcore_parallel>], iteration_bounds = array<i64: 2, 16>, scalar_prefetch = 0 : i64, scratch_operands = 8 : i64, tpu.core_type = #tpu.core_type<sc_vector_subcore>, window_params = [{transform_indices = #map}, {transform_indices = #map1}, {transform_indices = #map1}, {transform_indices = #map2}, {transform_indices = #map2}, {transform_indices = #map2}]} {
    %mul3A = arith.constant 16 : i32
    %mul3A_0 = arith.muli %arg0, %mul3A : i32
    %add3A = arith.addi %mul3A_0, %arg1 : i32
    "tpu.region"() ({
      %run_scoped3A_60 = tpu.sem_alloc : memref<!tpu.dma_semaphore, #tpu.memory_space<semaphore_mem>>
      %dma_start3A_61 = arith.constant 0 : i32
      %dma_start3A_62 = arith.constant 0 : i32
      %dma_start3A_63 = tpu.memref_slice %arg3[%add3A, %dma_start3A_61, %dma_start3A_62] : memref<32x79x128xi32, #tpu.memory_space<hbm>> -> memref<1x79x128xi32, #tpu.memory_space<hbm>>
      %dma_start3A_64 = tpu.memref_squeeze %dma_start3A_63 : memref<1x79x128xi32, #tpu.memory_space<hbm>> -> memref<79x128xi32, #tpu.memory_space<hbm>>
      %dma_start3A_65 = arith.constant 0 : i32
      %dma_start3A_66 = arith.constant 0 : i32
      %dma_start3A_67 = tpu.memref_slice %arg3[%add3A, %dma_start3A_65, %dma_start3A_66] : memref<32x79x128xi32, #tpu.memory_space<hbm>> -> memref<1x79x128xi32, #tpu.memory_space<hbm>>
      %dma_start3A_68 = tpu.memref_squeeze %dma_start3A_67 : memref<1x79x128xi32, #tpu.memory_space<hbm>> -> memref<79x128xi32, #tpu.memory_space<hbm>>
      tpu.enqueue_dma source(%dma_start3A_68 : memref<79x128xi32, #tpu.memory_space<hbm>>) target(%arg9 : memref<79x128xi32, #tpu.memory_space<vmem>>) target_semaphore(%run_scoped3A_60 : memref<!tpu.dma_semaphore, #tpu.memory_space<semaphore_mem>>)
      %dma_wait3A_69 = arith.constant 0 : i32
      %dma_wait3A_70 = arith.constant 0 : i32
      %dma_wait3A_71 = tpu.memref_slice %arg3[%add3A, %dma_wait3A_69, %dma_wait3A_70] : memref<32x79x128xi32, #tpu.memory_space<hbm>> -> memref<1x79x128xi32, #tpu.memory_space<hbm>>
      %dma_wait3A_72 = tpu.memref_squeeze %dma_wait3A_71 : memref<1x79x128xi32, #tpu.memory_space<hbm>> -> memref<79x128xi32, #tpu.memory_space<hbm>>
      %dma_wait3A_73 = arith.constant 0 : i32
      %dma_wait3A_74 = arith.constant 0 : i32
      %dma_wait3A_75 = tpu.memref_slice %arg3[%add3A, %dma_wait3A_73, %dma_wait3A_74] : memref<32x79x128xi32, #tpu.memory_space<hbm>> -> memref<1x79x128xi32, #tpu.memory_space<hbm>>
      %dma_wait3A_76 = tpu.memref_squeeze %dma_wait3A_75 : memref<1x79x128xi32, #tpu.memory_space<hbm>> -> memref<79x128xi32, #tpu.memory_space<hbm>>
      tpu.wait_dma2 semaphore(%run_scoped3A_60 : memref<!tpu.dma_semaphore, #tpu.memory_space<semaphore_mem>>) src(%dma_wait3A_76 : memref<79x128xi32, #tpu.memory_space<hbm>>) dst(%arg9 : memref<79x128xi32, #tpu.memory_space<vmem>>)
      tpu.yield
    }) : () -> ()
    "tpu.region"() ({
      %run_scoped3A_60 = tpu.sem_alloc : memref<!tpu.dma_semaphore, #tpu.memory_space<semaphore_mem>>
      %dma_start3A_61 = arith.constant 0 : i32
      %dma_start3A_62 = arith.constant 0 : i32
      %dma_start3A_63 = tpu.memref_slice %arg4[%add3A, %dma_start3A_61, %dma_start3A_62] : memref<32x1x16xi32, #tpu.memory_space<hbm>> -> memref<1x1x16xi32, #tpu.memory_space<hbm>>
      %dma_start3A_64 = tpu.memref_squeeze %dma_start3A_63 : memref<1x1x16xi32, #tpu.memory_space<hbm>> -> memref<1x16xi32, #tpu.memory_space<hbm>>
      %dma_start3A_65 = arith.constant 0 : i32
      %dma_start3A_66 = arith.constant 0 : i32
      %dma_start3A_67 = tpu.memref_slice %arg4[%add3A, %dma_start3A_65, %dma_start3A_66] : memref<32x1x16xi32, #tpu.memory_space<hbm>> -> memref<1x1x16xi32, #tpu.memory_space<hbm>>
      %dma_start3A_68 = tpu.memref_squeeze %dma_start3A_67 : memref<1x1x16xi32, #tpu.memory_space<hbm>> -> memref<1x16xi32, #tpu.memory_space<hbm>>
      tpu.enqueue_dma source(%dma_start3A_68 : memref<1x16xi32, #tpu.memory_space<hbm>>) target(%arg10 : memref<1x16xi32, #tpu.memory_space<vmem>>) target_semaphore(%run_scoped3A_60 : memref<!tpu.dma_semaphore, #tpu.memory_space<semaphore_mem>>)
      %dma_wait3A_69 = arith.constant 0 : i32
      %dma_wait3A_70 = arith.constant 0 : i32
      %dma_wait3A_71 = tpu.memref_slice %arg4[%add3A, %dma_wait3A_69, %dma_wait3A_70] : memref<32x1x16xi32, #tpu.memory_space<hbm>> -> memref<1x1x16xi32, #tpu.memory_space<hbm>>
      %dma_wait3A_72 = tpu.memref_squeeze %dma_wait3A_71 : memref<1x1x16xi32, #tpu.memory_space<hbm>> -> memref<1x16xi32, #tpu.memory_space<hbm>>
      %dma_wait3A_73 = arith.constant 0 : i32
      %dma_wait3A_74 = arith.constant 0 : i32
      %dma_wait3A_75 = tpu.memref_slice %arg4[%add3A, %dma_wait3A_73, %dma_wait3A_74] : memref<32x1x16xi32, #tpu.memory_space<hbm>> -> memref<1x1x16xi32, #tpu.memory_space<hbm>>
      %dma_wait3A_76 = tpu.memref_squeeze %dma_wait3A_75 : memref<1x1x16xi32, #tpu.memory_space<hbm>> -> memref<1x16xi32, #tpu.memory_space<hbm>>
      tpu.wait_dma2 semaphore(%run_scoped3A_60 : memref<!tpu.dma_semaphore, #tpu.memory_space<semaphore_mem>>) src(%dma_wait3A_76 : memref<1x16xi32, #tpu.memory_space<hbm>>) dst(%arg10 : memref<1x16xi32, #tpu.memory_space<vmem>>)
      tpu.yield
    }) : () -> ()
    %mul3A_1 = arith.constant 640 : i32
    %mul3A_2 = arith.muli %arg1, %mul3A_1 : i32
    %mul3A_3 = arith.constant 640 : i32
    %mul3A_4 = arith.muli %arg1, %mul3A_3 : i32
    "tpu.region"() ({
      %run_scoped3A_60 = tpu.sem_alloc : memref<!tpu.dma_semaphore, #tpu.memory_space<semaphore_mem>>
      %dma_start3A_61 = arith.constant 0 : i32
      %dma_start3A_62 = tpu.memref_slice %arg13[%mul3A_4, %dma_start3A_61] : memref<10240x128xf32, #tpu.memory_space<vmem_shared>> -> memref<640x128xf32, #tpu.memory_space<vmem_shared>>
      %dma_start3A_63 = arith.constant 0 : i32
      %dma_start3A_64 = tpu.memref_slice %arg6[%mul3A_2, %dma_start3A_63] : memref<10240x128xf32, #tpu.memory_space<hbm>> -> memref<640x128xf32, #tpu.memory_space<hbm>>
      tpu.enqueue_dma source(%dma_start3A_64 : memref<640x128xf32, #tpu.memory_space<hbm>>) target(%dma_start3A_62 : memref<640x128xf32, #tpu.memory_space<vmem_shared>>) target_semaphore(%run_scoped3A_60 : memref<!tpu.dma_semaphore, #tpu.memory_space<semaphore_mem>>)
      %dma_wait3A_65 = arith.constant 0 : i32
      %dma_wait3A_66 = tpu.memref_slice %arg13[%mul3A_4, %dma_wait3A_65] : memref<10240x128xf32, #tpu.memory_space<vmem_shared>> -> memref<640x128xf32, #tpu.memory_space<vmem_shared>>
      %dma_wait3A_67 = arith.constant 0 : i32
      %dma_wait3A_68 = tpu.memref_slice %arg6[%mul3A_2, %dma_wait3A_67] : memref<10240x128xf32, #tpu.memory_space<hbm>> -> memref<640x128xf32, #tpu.memory_space<hbm>>
      tpu.wait_dma2 semaphore(%run_scoped3A_60 : memref<!tpu.dma_semaphore, #tpu.memory_space<semaphore_mem>>) src(%dma_wait3A_68 : memref<640x128xf32, #tpu.memory_space<hbm>>) dst(%dma_wait3A_66 : memref<640x128xf32, #tpu.memory_space<vmem_shared>>)
      tpu.yield
    }) : () -> ()
    %barrier3A = arith.constant 0 : index
    tpu.barrier barrier_id(%barrier3A)
    %mul3A_5 = arith.constant 10112 : i32
    %mul3A_6 = arith.muli %add3A, %mul3A_5 : i32
    "tpu.region"() ({
      %run_scoped3A_60 = tpu.sem_alloc : memref<!tpu.dma_semaphore, #tpu.memory_space<semaphore_mem>>
      %dma_start3A_61 = tpu.memref_slice %arg2[%mul3A_6] : memref<323584xi32, #tpu.memory_space<hbm>> -> memref<5120xi32, #tpu.memory_space<hbm>>
      %dma_start3A_62 = tpu.memref_slice %arg2[%mul3A_6] : memref<323584xi32, #tpu.memory_space<hbm>> -> memref<5120xi32, #tpu.memory_space<hbm>>
      tpu.enqueue_dma source(%dma_start3A_62 : memref<5120xi32, #tpu.memory_space<hbm>>) target(%arg8 : memref<5120xi32, #tpu.memory_space<vmem>>) target_semaphore(%run_scoped3A_60 : memref<!tpu.dma_semaphore, #tpu.memory_space<semaphore_mem>>)
      %dma_wait3A_63 = tpu.memref_slice %arg2[%mul3A_6] : memref<323584xi32, #tpu.memory_space<hbm>> -> memref<5120xi32, #tpu.memory_space<hbm>>
      %dma_wait3A_64 = tpu.memref_slice %arg2[%mul3A_6] : memref<323584xi32, #tpu.memory_space<hbm>> -> memref<5120xi32, #tpu.memory_space<hbm>>
      tpu.wait_dma2 semaphore(%run_scoped3A_60 : memref<!tpu.dma_semaphore, #tpu.memory_space<semaphore_mem>>) src(%dma_wait3A_64 : memref<5120xi32, #tpu.memory_space<hbm>>) dst(%arg8 : memref<5120xi32, #tpu.memory_space<vmem>>)
      tpu.yield
    }) : () -> ()
    %dma_start3A = arith.constant 0 : i32
    %dma_start3A_7 = tpu.memref_slice %arg8[%dma_start3A] : memref<5120xi32, #tpu.memory_space<vmem>> -> memref<128xi32, #tpu.memory_space<vmem>>
    %dma_start3A_8 = arith.constant 0 : i32
    %dma_start3A_9 = arith.constant 0 : i32
    %dma_start3A_10 = tpu.memref_slice %arg5[%dma_start3A_8, %dma_start3A_9] : memref<10240x128xf32, #tpu.memory_space<hbm>> -> memref<10240x128xf32, #tpu.memory_space<hbm>>
    tpu.enqueue_indirect_dma source(%dma_start3A_10 : memref<10240x128xf32, #tpu.memory_space<hbm>>) target(%arg11 : memref<128x128xf32, #tpu.memory_space<vmem>>) offsets(%dma_start3A_7 : memref<128xi32, #tpu.memory_space<vmem>>) semaphore(%arg14 : memref<!tpu.dma_semaphore, #tpu.memory_space<semaphore_mem>>)
    %scan3A = arith.constant 0 : i32
    %scan3A_11 = arith.constant 0 : i32
    %scan3A_12 = arith.constant 20 : i32
    %scan3A_13 = arith.addi %scan3A_11, %scan3A_12 : i32
    %scan3A_14 = arith.constant 1 : i32
    %scan3A_15 = scf.for %scan3A_60 = %scan3A_11 to %scan3A_13 step %scan3A_14 iter_args(%scan3A_61 = %scan3A) -> (i32)  : i32 {
      %mul3A_62 = arith.constant 2 : i32
      %mul3A_63 = arith.muli %mul3A_62, %scan3A_60 : i32
      %add3A_64 = arith.constant 1 : i32
      %add3A_65 = arith.addi %mul3A_63, %add3A_64 : i32
      %mul3A_66 = arith.constant 128 : i32
      %mul3A_67 = arith.muli %add3A_65, %mul3A_66 : i32
      %dma_start3A_68 = tpu.memref_slice %arg8[%mul3A_67] : memref<5120xi32, #tpu.memory_space<vmem>> -> memref<128xi32, #tpu.memory_space<vmem>>
      %dma_start3A_69 = arith.constant 0 : i32
      %dma_start3A_70 = arith.constant 0 : i32
      %dma_start3A_71 = tpu.memref_slice %arg5[%dma_start3A_69, %dma_start3A_70] : memref<10240x128xf32, #tpu.memory_space<hbm>> -> memref<10240x128xf32, #tpu.memory_space<hbm>>
      tpu.enqueue_indirect_dma source(%dma_start3A_71 : memref<10240x128xf32, #tpu.memory_space<hbm>>) target(%arg12 : memref<128x128xf32, #tpu.memory_space<vmem>>) offsets(%dma_start3A_68 : memref<128xi32, #tpu.memory_space<vmem>>) semaphore(%arg15 : memref<!tpu.dma_semaphore, #tpu.memory_space<semaphore_mem>>)
      %dma_wait3A_72 = arith.constant 0 : i32
      %dma_wait3A_73 = tpu.memref_slice %arg8[%dma_wait3A_72] : memref<5120xi32, #tpu.memory_space<vmem>> -> memref<128xi32, #tpu.memory_space<vmem>>
      %dma_wait3A_74 = arith.constant 0 : i32
      %dma_wait3A_75 = arith.constant 0 : i32
      %dma_wait3A_76 = tpu.memref_slice %arg5[%dma_wait3A_74, %dma_wait3A_75] : memref<10240x128xf32, #tpu.memory_space<hbm>> -> memref<10240x128xf32, #tpu.memory_space<hbm>>
      tpu.wait_indirect_dma semaphore(%arg14 : memref<!tpu.dma_semaphore, #tpu.memory_space<semaphore_mem>>) src(%dma_wait3A_76 : memref<10240x128xf32, #tpu.memory_space<hbm>>) dst(%arg11 : memref<128x128xf32, #tpu.memory_space<vmem>>)
      %mul3A_77 = arith.constant 2 : i32
      %mul3A_78 = arith.muli %mul3A_77, %scan3A_60 : i32
      %add3A_79 = arith.constant 0 : i32
      %add3A_80 = arith.addi %add3A_79, %mul3A_78 : i32
      "tpu.region"() ({
        %run_scoped3A_95 = tpu.sem_alloc : memref<!tpu.dma_semaphore, #tpu.memory_space<semaphore_mem>>
        %dma_start3A_96 = arith.constant 0 : i32
        %dma_start3A_97 = tpu.memref_slice %arg9[%add3A_80, %dma_start3A_96] : memref<79x128xi32, #tpu.memory_space<vmem>> -> memref<1x128xi32, #tpu.memory_space<vmem>>
        %dma_start3A_98 = tpu.memref_squeeze %dma_start3A_97 : memref<1x128xi32, #tpu.memory_space<vmem>> -> memref<128xi32, #tpu.memory_space<vmem>>
        %dma_start3A_99 = arith.constant 0 : i32
        %dma_start3A_100 = arith.constant 0 : i32
        %dma_start3A_101 = tpu.memref_slice %arg13[%dma_start3A_99, %dma_start3A_100] : memref<10240x128xf32, #tpu.memory_space<vmem_shared>> -> memref<10240x128xf32, #tpu.memory_space<vmem_shared>>
        tpu.enqueue_indirect_dma source(%arg11 : memref<128x128xf32, #tpu.memory_space<vmem>>) target(%dma_start3A_101 : memref<10240x128xf32, #tpu.memory_space<vmem_shared>>) offsets(%dma_start3A_98 : memref<128xi32, #tpu.memory_space<vmem>>) semaphore(%run_scoped3A_95 : memref<!tpu.dma_semaphore, #tpu.memory_space<semaphore_mem>>) {add = true}
        %dma_wait3A_102 = arith.constant 0 : i32
        %dma_wait3A_103 = tpu.memref_slice %arg9[%add3A_80, %dma_wait3A_102] : memref<79x128xi32, #tpu.memory_space<vmem>> -> memref<1x128xi32, #tpu.memory_space<vmem>>
        %dma_wait3A_104 = tpu.memref_squeeze %dma_wait3A_103 : memref<1x128xi32, #tpu.memory_space<vmem>> -> memref<128xi32, #tpu.memory_space<vmem>>
        %dma_wait3A_105 = arith.constant 0 : i32
        %dma_wait3A_106 = arith.constant 0 : i32
        %dma_wait3A_107 = tpu.memref_slice %arg13[%dma_wait3A_105, %dma_wait3A_106] : memref<10240x128xf32, #tpu.memory_space<vmem_shared>> -> memref<10240x128xf32, #tpu.memory_space<vmem_shared>>
        tpu.wait_indirect_dma semaphore(%run_scoped3A_95 : memref<!tpu.dma_semaphore, #tpu.memory_space<semaphore_mem>>) src(%arg11 : memref<128x128xf32, #tpu.memory_space<vmem>>) dst(%dma_wait3A_107 : memref<10240x128xf32, #tpu.memory_space<vmem_shared>>)
        tpu.yield
      }) : () -> ()
      %lt3A = arith.constant 19 : i32
      %lt3A_81 = arith.cmpi slt, %scan3A_60, %lt3A : i32
      %convert_element_type3A = arith.extui %lt3A_81 : i1 to i32
      %cond3A = arith.constant 0 : i32
      %cond3A_82 = arith.cmpi ne, %convert_element_type3A, %cond3A : i32
      scf.if %cond3A_82 {
        %mul3A_95 = arith.constant 2 : i32
        %mul3A_96 = arith.muli %mul3A_95, %scan3A_60 : i32
        %add3A_97 = arith.constant 2 : i32
        %add3A_98 = arith.addi %mul3A_96, %add3A_97 : i32
        %mul3A_99 = arith.constant 128 : i32
        %mul3A_100 = arith.muli %add3A_98, %mul3A_99 : i32
        %dma_start3A_101 = tpu.memref_slice %arg8[%mul3A_100] : memref<5120xi32, #tpu.memory_space<vmem>> -> memref<128xi32, #tpu.memory_space<vmem>>
        %dma_start3A_102 = arith.constant 0 : i32
        %dma_start3A_103 = arith.constant 0 : i32
        %dma_start3A_104 = tpu.memref_slice %arg5[%dma_start3A_102, %dma_start3A_103] : memref<10240x128xf32, #tpu.memory_space<hbm>> -> memref<10240x128xf32, #tpu.memory_space<hbm>>
        tpu.enqueue_indirect_dma source(%dma_start3A_104 : memref<10240x128xf32, #tpu.memory_space<hbm>>) target(%arg11 : memref<128x128xf32, #tpu.memory_space<vmem>>) offsets(%dma_start3A_101 : memref<128xi32, #tpu.memory_space<vmem>>) semaphore(%arg14 : memref<!tpu.dma_semaphore, #tpu.memory_space<semaphore_mem>>)
      } else {
      }
      %dma_wait3A_83 = arith.constant 0 : i32
      %dma_wait3A_84 = tpu.memref_slice %arg8[%dma_wait3A_83] : memref<5120xi32, #tpu.memory_space<vmem>> -> memref<128xi32, #tpu.memory_space<vmem>>
      %dma_wait3A_85 = arith.constant 0 : i32
      %dma_wait3A_86 = arith.constant 0 : i32
      %dma_wait3A_87 = tpu.memref_slice %arg5[%dma_wait3A_85, %dma_wait3A_86] : memref<10240x128xf32, #tpu.memory_space<hbm>> -> memref<10240x128xf32, #tpu.memory_space<hbm>>
      tpu.wait_indirect_dma semaphore(%arg15 : memref<!tpu.dma_semaphore, #tpu.memory_space<semaphore_mem>>) src(%dma_wait3A_87 : memref<10240x128xf32, #tpu.memory_space<hbm>>) dst(%arg12 : memref<128x128xf32, #tpu.memory_space<vmem>>)
      %mul3A_88 = arith.constant 2 : i32
      %mul3A_89 = arith.muli %mul3A_88, %scan3A_60 : i32
      %add3A_90 = arith.constant 0 : i32
      %add3A_91 = arith.addi %add3A_90, %mul3A_89 : i32
      %add3A_92 = arith.constant 1 : i32
      %add3A_93 = arith.addi %add3A_91, %add3A_92 : i32
      "tpu.region"() ({
        %run_scoped3A_95 = tpu.sem_alloc : memref<!tpu.dma_semaphore, #tpu.memory_space<semaphore_mem>>
        %dma_start3A_96 = arith.constant 0 : i32
        %dma_start3A_97 = tpu.memref_slice %arg9[%add3A_93, %dma_start3A_96] : memref<79x128xi32, #tpu.memory_space<vmem>> -> memref<1x128xi32, #tpu.memory_space<vmem>>
        %dma_start3A_98 = tpu.memref_squeeze %dma_start3A_97 : memref<1x128xi32, #tpu.memory_space<vmem>> -> memref<128xi32, #tpu.memory_space<vmem>>
        %dma_start3A_99 = arith.constant 0 : i32
        %dma_start3A_100 = arith.constant 0 : i32
        %dma_start3A_101 = tpu.memref_slice %arg13[%dma_start3A_99, %dma_start3A_100] : memref<10240x128xf32, #tpu.memory_space<vmem_shared>> -> memref<10240x128xf32, #tpu.memory_space<vmem_shared>>
        tpu.enqueue_indirect_dma source(%arg12 : memref<128x128xf32, #tpu.memory_space<vmem>>) target(%dma_start3A_101 : memref<10240x128xf32, #tpu.memory_space<vmem_shared>>) offsets(%dma_start3A_98 : memref<128xi32, #tpu.memory_space<vmem>>) semaphore(%run_scoped3A_95 : memref<!tpu.dma_semaphore, #tpu.memory_space<semaphore_mem>>) {add = true}
        %dma_wait3A_102 = arith.constant 0 : i32
        %dma_wait3A_103 = tpu.memref_slice %arg9[%add3A_93, %dma_wait3A_102] : memref<79x128xi32, #tpu.memory_space<vmem>> -> memref<1x128xi32, #tpu.memory_space<vmem>>
        %dma_wait3A_104 = tpu.memref_squeeze %dma_wait3A_103 : memref<1x128xi32, #tpu.memory_space<vmem>> -> memref<128xi32, #tpu.memory_space<vmem>>
        %dma_wait3A_105 = arith.constant 0 : i32
        %dma_wait3A_106 = arith.constant 0 : i32
        %dma_wait3A_107 = tpu.memref_slice %arg13[%dma_wait3A_105, %dma_wait3A_106] : memref<10240x128xf32, #tpu.memory_space<vmem_shared>> -> memref<10240x128xf32, #tpu.memory_space<vmem_shared>>
        tpu.wait_indirect_dma semaphore(%run_scoped3A_95 : memref<!tpu.dma_semaphore, #tpu.memory_space<semaphore_mem>>) src(%arg12 : memref<128x128xf32, #tpu.memory_space<vmem>>) dst(%dma_wait3A_107 : memref<10240x128xf32, #tpu.memory_space<vmem_shared>>)
        tpu.yield
      }) : () -> ()
      %scan3A_94 = arith.constant 0 : i32
      scf.yield %scan3A_94 : i32
    }
    %scan3A_16 = arith.constant 20 : i32
    %mul3A_17 = arith.constant 10112 : i32
    %mul3A_18 = arith.muli %add3A, %mul3A_17 : i32
    %add3A_19 = arith.constant 5120 : i32
    %add3A_20 = arith.addi %mul3A_18, %add3A_19 : i32
    "tpu.region"() ({
      %run_scoped3A_60 = tpu.sem_alloc : memref<!tpu.dma_semaphore, #tpu.memory_space<semaphore_mem>>
      %dma_start3A_61 = arith.constant 0 : i32
      %dma_start3A_62 = tpu.memref_slice %arg8[%dma_start3A_61] : memref<5120xi32, #tpu.memory_space<vmem>> -> memref<4864xi32, #tpu.memory_space<vmem>>
      %dma_start3A_63 = tpu.memref_slice %arg2[%add3A_20] : memref<323584xi32, #tpu.memory_space<hbm>> -> memref<4864xi32, #tpu.memory_space<hbm>>
      %dma_start3A_64 = arith.constant 0 : i32
      %dma_start3A_65 = tpu.memref_slice %arg8[%dma_start3A_64] : memref<5120xi32, #tpu.memory_space<vmem>> -> memref<4864xi32, #tpu.memory_space<vmem>>
      %dma_start3A_66 = tpu.memref_slice %arg2[%add3A_20] : memref<323584xi32, #tpu.memory_space<hbm>> -> memref<4864xi32, #tpu.memory_space<hbm>>
      tpu.enqueue_dma source(%dma_start3A_66 : memref<4864xi32, #tpu.memory_space<hbm>>) target(%dma_start3A_65 : memref<4864xi32, #tpu.memory_space<vmem>>) target_semaphore(%run_scoped3A_60 : memref<!tpu.dma_semaphore, #tpu.memory_space<semaphore_mem>>)
      %dma_wait3A_67 = arith.constant 0 : i32
      %dma_wait3A_68 = tpu.memref_slice %arg8[%dma_wait3A_67] : memref<5120xi32, #tpu.memory_space<vmem>> -> memref<4864xi32, #tpu.memory_space<vmem>>
      %dma_wait3A_69 = tpu.memref_slice %arg2[%add3A_20] : memref<323584xi32, #tpu.memory_space<hbm>> -> memref<4864xi32, #tpu.memory_space<hbm>>
      %dma_wait3A_70 = arith.constant 0 : i32
      %dma_wait3A_71 = tpu.memref_slice %arg8[%dma_wait3A_70] : memref<5120xi32, #tpu.memory_space<vmem>> -> memref<4864xi32, #tpu.memory_space<vmem>>
      %dma_wait3A_72 = tpu.memref_slice %arg2[%add3A_20] : memref<323584xi32, #tpu.memory_space<hbm>> -> memref<4864xi32, #tpu.memory_space<hbm>>
      tpu.wait_dma2 semaphore(%run_scoped3A_60 : memref<!tpu.dma_semaphore, #tpu.memory_space<semaphore_mem>>) src(%dma_wait3A_72 : memref<4864xi32, #tpu.memory_space<hbm>>) dst(%dma_wait3A_71 : memref<4864xi32, #tpu.memory_space<vmem>>)
      tpu.yield
    }) : () -> ()
    %dma_start3A_21 = arith.constant 0 : i32
    %dma_start3A_22 = tpu.memref_slice %arg8[%dma_start3A_21] : memref<5120xi32, #tpu.memory_space<vmem>> -> memref<128xi32, #tpu.memory_space<vmem>>
    %dma_start3A_23 = arith.constant 0 : i32
    %dma_start3A_24 = arith.constant 0 : i32
    %dma_start3A_25 = tpu.memref_slice %arg5[%dma_start3A_23, %dma_start3A_24] : memref<10240x128xf32, #tpu.memory_space<hbm>> -> memref<10240x128xf32, #tpu.memory_space<hbm>>
    tpu.enqueue_indirect_dma source(%dma_start3A_25 : memref<10240x128xf32, #tpu.memory_space<hbm>>) target(%arg11 : memref<128x128xf32, #tpu.memory_space<vmem>>) offsets(%dma_start3A_22 : memref<128xi32, #tpu.memory_space<vmem>>) semaphore(%arg14 : memref<!tpu.dma_semaphore, #tpu.memory_space<semaphore_mem>>)
    %scan3A_26 = arith.constant 0 : i32
    %scan3A_27 = arith.constant 0 : i32
    %scan3A_28 = arith.constant 19 : i32
    %scan3A_29 = arith.addi %scan3A_27, %scan3A_28 : i32
    %scan3A_30 = arith.constant 1 : i32
    %scan3A_31 = scf.for %scan3A_60 = %scan3A_27 to %scan3A_29 step %scan3A_30 iter_args(%scan3A_61 = %scan3A_26) -> (i32)  : i32 {
      %mul3A_62 = arith.constant 2 : i32
      %mul3A_63 = arith.muli %mul3A_62, %scan3A_60 : i32
      %add3A_64 = arith.constant 1 : i32
      %add3A_65 = arith.addi %mul3A_63, %add3A_64 : i32
      %mul3A_66 = arith.constant 128 : i32
      %mul3A_67 = arith.muli %add3A_65, %mul3A_66 : i32
      %dma_start3A_68 = tpu.memref_slice %arg8[%mul3A_67] : memref<5120xi32, #tpu.memory_space<vmem>> -> memref<128xi32, #tpu.memory_space<vmem>>
      %dma_start3A_69 = arith.constant 0 : i32
      %dma_start3A_70 = arith.constant 0 : i32
      %dma_start3A_71 = tpu.memref_slice %arg5[%dma_start3A_69, %dma_start3A_70] : memref<10240x128xf32, #tpu.memory_space<hbm>> -> memref<10240x128xf32, #tpu.memory_space<hbm>>
      tpu.enqueue_indirect_dma source(%dma_start3A_71 : memref<10240x128xf32, #tpu.memory_space<hbm>>) target(%arg12 : memref<128x128xf32, #tpu.memory_space<vmem>>) offsets(%dma_start3A_68 : memref<128xi32, #tpu.memory_space<vmem>>) semaphore(%arg15 : memref<!tpu.dma_semaphore, #tpu.memory_space<semaphore_mem>>)
      %dma_wait3A_72 = arith.constant 0 : i32
      %dma_wait3A_73 = tpu.memref_slice %arg8[%dma_wait3A_72] : memref<5120xi32, #tpu.memory_space<vmem>> -> memref<128xi32, #tpu.memory_space<vmem>>
      %dma_wait3A_74 = arith.constant 0 : i32
      %dma_wait3A_75 = arith.constant 0 : i32
      %dma_wait3A_76 = tpu.memref_slice %arg5[%dma_wait3A_74, %dma_wait3A_75] : memref<10240x128xf32, #tpu.memory_space<hbm>> -> memref<10240x128xf32, #tpu.memory_space<hbm>>
      tpu.wait_indirect_dma semaphore(%arg14 : memref<!tpu.dma_semaphore, #tpu.memory_space<semaphore_mem>>) src(%dma_wait3A_76 : memref<10240x128xf32, #tpu.memory_space<hbm>>) dst(%arg11 : memref<128x128xf32, #tpu.memory_space<vmem>>)
      %mul3A_77 = arith.constant 2 : i32
      %mul3A_78 = arith.muli %mul3A_77, %scan3A_60 : i32
      %add3A_79 = arith.constant 40 : i32
      %add3A_80 = arith.addi %add3A_79, %mul3A_78 : i32
      "tpu.region"() ({
        %run_scoped3A_95 = tpu.sem_alloc : memref<!tpu.dma_semaphore, #tpu.memory_space<semaphore_mem>>
        %dma_start3A_96 = arith.constant 0 : i32
        %dma_start3A_97 = tpu.memref_slice %arg9[%add3A_80, %dma_start3A_96] : memref<79x128xi32, #tpu.memory_space<vmem>> -> memref<1x128xi32, #tpu.memory_space<vmem>>
        %dma_start3A_98 = tpu.memref_squeeze %dma_start3A_97 : memref<1x128xi32, #tpu.memory_space<vmem>> -> memref<128xi32, #tpu.memory_space<vmem>>
        %dma_start3A_99 = arith.constant 0 : i32
        %dma_start3A_100 = arith.constant 0 : i32
        %dma_start3A_101 = tpu.memref_slice %arg13[%dma_start3A_99, %dma_start3A_100] : memref<10240x128xf32, #tpu.memory_space<vmem_shared>> -> memref<10240x128xf32, #tpu.memory_space<vmem_shared>>
        tpu.enqueue_indirect_dma source(%arg11 : memref<128x128xf32, #tpu.memory_space<vmem>>) target(%dma_start3A_101 : memref<10240x128xf32, #tpu.memory_space<vmem_shared>>) offsets(%dma_start3A_98 : memref<128xi32, #tpu.memory_space<vmem>>) semaphore(%run_scoped3A_95 : memref<!tpu.dma_semaphore, #tpu.memory_space<semaphore_mem>>) {add = true}
        %dma_wait3A_102 = arith.constant 0 : i32
        %dma_wait3A_103 = tpu.memref_slice %arg9[%add3A_80, %dma_wait3A_102] : memref<79x128xi32, #tpu.memory_space<vmem>> -> memref<1x128xi32, #tpu.memory_space<vmem>>
        %dma_wait3A_104 = tpu.memref_squeeze %dma_wait3A_103 : memref<1x128xi32, #tpu.memory_space<vmem>> -> memref<128xi32, #tpu.memory_space<vmem>>
        %dma_wait3A_105 = arith.constant 0 : i32
        %dma_wait3A_106 = arith.constant 0 : i32
        %dma_wait3A_107 = tpu.memref_slice %arg13[%dma_wait3A_105, %dma_wait3A_106] : memref<10240x128xf32, #tpu.memory_space<vmem_shared>> -> memref<10240x128xf32, #tpu.memory_space<vmem_shared>>
        tpu.wait_indirect_dma semaphore(%run_scoped3A_95 : memref<!tpu.dma_semaphore, #tpu.memory_space<semaphore_mem>>) src(%arg11 : memref<128x128xf32, #tpu.memory_space<vmem>>) dst(%dma_wait3A_107 : memref<10240x128xf32, #tpu.memory_space<vmem_shared>>)
        tpu.yield
      }) : () -> ()
      %lt3A = arith.constant 18 : i32
      %lt3A_81 = arith.cmpi slt, %scan3A_60, %lt3A : i32
      %convert_element_type3A = arith.extui %lt3A_81 : i1 to i32
      %cond3A = arith.constant 0 : i32
      %cond3A_82 = arith.cmpi ne, %convert_element_type3A, %cond3A : i32
      scf.if %cond3A_82 {
        %mul3A_95 = arith.constant 2 : i32
        %mul3A_96 = arith.muli %mul3A_95, %scan3A_60 : i32
        %add3A_97 = arith.constant 2 : i32
        %add3A_98 = arith.addi %mul3A_96, %add3A_97 : i32
        %mul3A_99 = arith.constant 128 : i32
        %mul3A_100 = arith.muli %add3A_98, %mul3A_99 : i32
        %dma_start3A_101 = tpu.memref_slice %arg8[%mul3A_100] : memref<5120xi32, #tpu.memory_space<vmem>> -> memref<128xi32, #tpu.memory_space<vmem>>
        %dma_start3A_102 = arith.constant 0 : i32
        %dma_start3A_103 = arith.constant 0 : i32
        %dma_start3A_104 = tpu.memref_slice %arg5[%dma_start3A_102, %dma_start3A_103] : memref<10240x128xf32, #tpu.memory_space<hbm>> -> memref<10240x128xf32, #tpu.memory_space<hbm>>
        tpu.enqueue_indirect_dma source(%dma_start3A_104 : memref<10240x128xf32, #tpu.memory_space<hbm>>) target(%arg11 : memref<128x128xf32, #tpu.memory_space<vmem>>) offsets(%dma_start3A_101 : memref<128xi32, #tpu.memory_space<vmem>>) semaphore(%arg14 : memref<!tpu.dma_semaphore, #tpu.memory_space<semaphore_mem>>)
      } else {
      }
      %dma_wait3A_83 = arith.constant 0 : i32
      %dma_wait3A_84 = tpu.memref_slice %arg8[%dma_wait3A_83] : memref<5120xi32, #tpu.memory_space<vmem>> -> memref<128xi32, #tpu.memory_space<vmem>>
      %dma_wait3A_85 = arith.constant 0 : i32
      %dma_wait3A_86 = arith.constant 0 : i32
      %dma_wait3A_87 = tpu.memref_slice %arg5[%dma_wait3A_85, %dma_wait3A_86] : memref<10240x128xf32, #tpu.memory_space<hbm>> -> memref<10240x128xf32, #tpu.memory_space<hbm>>
      tpu.wait_indirect_dma semaphore(%arg15 : memref<!tpu.dma_semaphore, #tpu.memory_space<semaphore_mem>>) src(%dma_wait3A_87 : memref<10240x128xf32, #tpu.memory_space<hbm>>) dst(%arg12 : memref<128x128xf32, #tpu.memory_space<vmem>>)
      %mul3A_88 = arith.constant 2 : i32
      %mul3A_89 = arith.muli %mul3A_88, %scan3A_60 : i32
      %add3A_90 = arith.constant 40 : i32
      %add3A_91 = arith.addi %add3A_90, %mul3A_89 : i32
      %add3A_92 = arith.constant 1 : i32
      %add3A_93 = arith.addi %add3A_91, %add3A_92 : i32
      "tpu.region"() ({
        %run_scoped3A_95 = tpu.sem_alloc : memref<!tpu.dma_semaphore, #tpu.memory_space<semaphore_mem>>
        %dma_start3A_96 = arith.constant 0 : i32
        %dma_start3A_97 = tpu.memref_slice %arg9[%add3A_93, %dma_start3A_96] : memref<79x128xi32, #tpu.memory_space<vmem>> -> memref<1x128xi32, #tpu.memory_space<vmem>>
        %dma_start3A_98 = tpu.memref_squeeze %dma_start3A_97 : memref<1x128xi32, #tpu.memory_space<vmem>> -> memref<128xi32, #tpu.memory_space<vmem>>
        %dma_start3A_99 = arith.constant 0 : i32
        %dma_start3A_100 = arith.constant 0 : i32
        %dma_start3A_101 = tpu.memref_slice %arg13[%dma_start3A_99, %dma_start3A_100] : memref<10240x128xf32, #tpu.memory_space<vmem_shared>> -> memref<10240x128xf32, #tpu.memory_space<vmem_shared>>
        tpu.enqueue_indirect_dma source(%arg12 : memref<128x128xf32, #tpu.memory_space<vmem>>) target(%dma_start3A_101 : memref<10240x128xf32, #tpu.memory_space<vmem_shared>>) offsets(%dma_start3A_98 : memref<128xi32, #tpu.memory_space<vmem>>) semaphore(%run_scoped3A_95 : memref<!tpu.dma_semaphore, #tpu.memory_space<semaphore_mem>>) {add = true}
        %dma_wait3A_102 = arith.constant 0 : i32
        %dma_wait3A_103 = tpu.memref_slice %arg9[%add3A_93, %dma_wait3A_102] : memref<79x128xi32, #tpu.memory_space<vmem>> -> memref<1x128xi32, #tpu.memory_space<vmem>>
        %dma_wait3A_104 = tpu.memref_squeeze %dma_wait3A_103 : memref<1x128xi32, #tpu.memory_space<vmem>> -> memref<128xi32, #tpu.memory_space<vmem>>
        %dma_wait3A_105 = arith.constant 0 : i32
        %dma_wait3A_106 = arith.constant 0 : i32
        %dma_wait3A_107 = tpu.memref_slice %arg13[%dma_wait3A_105, %dma_wait3A_106] : memref<10240x128xf32, #tpu.memory_space<vmem_shared>> -> memref<10240x128xf32, #tpu.memory_space<vmem_shared>>
        tpu.wait_indirect_dma semaphore(%run_scoped3A_95 : memref<!tpu.dma_semaphore, #tpu.memory_space<semaphore_mem>>) src(%arg12 : memref<128x128xf32, #tpu.memory_space<vmem>>) dst(%dma_wait3A_107 : memref<10240x128xf32, #tpu.memory_space<vmem_shared>>)
        tpu.yield
      }) : () -> ()
      %scan3A_94 = arith.constant 0 : i32
      scf.yield %scan3A_94 : i32
    }
    %scan3A_32 = arith.constant 19 : i32
    %mul3A_33 = arith.constant 10112 : i32
    %mul3A_34 = arith.muli %add3A, %mul3A_33 : i32
    %add3A_35 = arith.constant 9984 : i32
    %add3A_36 = arith.addi %mul3A_34, %add3A_35 : i32
    "tpu.region"() ({
      %run_scoped3A_60 = tpu.sem_alloc : memref<!tpu.dma_semaphore, #tpu.memory_space<semaphore_mem>>
      %dma_start3A_61 = arith.constant 0 : i32
      %dma_start3A_62 = tpu.memref_slice %arg8[%dma_start3A_61] : memref<5120xi32, #tpu.memory_space<vmem>> -> memref<16xi32, #tpu.memory_space<vmem>>
      %dma_start3A_63 = tpu.memref_slice %arg2[%add3A_36] : memref<323584xi32, #tpu.memory_space<hbm>> -> memref<16xi32, #tpu.memory_space<hbm>>
      %dma_start3A_64 = arith.constant 0 : i32
      %dma_start3A_65 = tpu.memref_slice %arg8[%dma_start3A_64] : memref<5120xi32, #tpu.memory_space<vmem>> -> memref<16xi32, #tpu.memory_space<vmem>>
      %dma_start3A_66 = tpu.memref_slice %arg2[%add3A_36] : memref<323584xi32, #tpu.memory_space<hbm>> -> memref<16xi32, #tpu.memory_space<hbm>>
      tpu.enqueue_dma source(%dma_start3A_66 : memref<16xi32, #tpu.memory_space<hbm>>) target(%dma_start3A_65 : memref<16xi32, #tpu.memory_space<vmem>>) target_semaphore(%run_scoped3A_60 : memref<!tpu.dma_semaphore, #tpu.memory_space<semaphore_mem>>)
      %dma_wait3A_67 = arith.constant 0 : i32
      %dma_wait3A_68 = tpu.memref_slice %arg8[%dma_wait3A_67] : memref<5120xi32, #tpu.memory_space<vmem>> -> memref<16xi32, #tpu.memory_space<vmem>>
      %dma_wait3A_69 = tpu.memref_slice %arg2[%add3A_36] : memref<323584xi32, #tpu.memory_space<hbm>> -> memref<16xi32, #tpu.memory_space<hbm>>
      %dma_wait3A_70 = arith.constant 0 : i32
      %dma_wait3A_71 = tpu.memref_slice %arg8[%dma_wait3A_70] : memref<5120xi32, #tpu.memory_space<vmem>> -> memref<16xi32, #tpu.memory_space<vmem>>
      %dma_wait3A_72 = tpu.memref_slice %arg2[%add3A_36] : memref<323584xi32, #tpu.memory_space<hbm>> -> memref<16xi32, #tpu.memory_space<hbm>>
      tpu.wait_dma2 semaphore(%run_scoped3A_60 : memref<!tpu.dma_semaphore, #tpu.memory_space<semaphore_mem>>) src(%dma_wait3A_72 : memref<16xi32, #tpu.memory_space<hbm>>) dst(%dma_wait3A_71 : memref<16xi32, #tpu.memory_space<vmem>>)
      tpu.yield
    }) : () -> ()
    %dma_start3A_37 = arith.constant 0 : i32
    %dma_start3A_38 = arith.constant 0 : i32
    %dma_start3A_39 = tpu.memref_slice %arg11[%dma_start3A_37, %dma_start3A_38] : memref<128x128xf32, #tpu.memory_space<vmem>> -> memref<16x128xf32, #tpu.memory_space<vmem>>
    %dma_start3A_40 = arith.constant 0 : i32
    %dma_start3A_41 = tpu.memref_slice %arg8[%dma_start3A_40] : memref<5120xi32, #tpu.memory_space<vmem>> -> memref<16xi32, #tpu.memory_space<vmem>>
    %dma_start3A_42 = arith.constant 0 : i32
    %dma_start3A_43 = arith.constant 0 : i32
    %dma_start3A_44 = tpu.memref_slice %arg5[%dma_start3A_42, %dma_start3A_43] : memref<10240x128xf32, #tpu.memory_space<hbm>> -> memref<10240x128xf32, #tpu.memory_space<hbm>>
    tpu.enqueue_indirect_dma source(%dma_start3A_44 : memref<10240x128xf32, #tpu.memory_space<hbm>>) target(%dma_start3A_39 : memref<16x128xf32, #tpu.memory_space<vmem>>) offsets(%dma_start3A_41 : memref<16xi32, #tpu.memory_space<vmem>>) semaphore(%arg14 : memref<!tpu.dma_semaphore, #tpu.memory_space<semaphore_mem>>)
    %dma_wait3A = arith.constant 0 : i32
    %dma_wait3A_45 = arith.constant 0 : i32
    %dma_wait3A_46 = tpu.memref_slice %arg11[%dma_wait3A, %dma_wait3A_45] : memref<128x128xf32, #tpu.memory_space<vmem>> -> memref<16x128xf32, #tpu.memory_space<vmem>>
    %dma_wait3A_47 = arith.constant 0 : i32
    %dma_wait3A_48 = tpu.memref_slice %arg8[%dma_wait3A_47] : memref<5120xi32, #tpu.memory_space<vmem>> -> memref<16xi32, #tpu.memory_space<vmem>>
    %dma_wait3A_49 = arith.constant 0 : i32
    %dma_wait3A_50 = arith.constant 0 : i32
    %dma_wait3A_51 = tpu.memref_slice %arg5[%dma_wait3A_49, %dma_wait3A_50] : memref<10240x128xf32, #tpu.memory_space<hbm>> -> memref<10240x128xf32, #tpu.memory_space<hbm>>
    tpu.wait_indirect_dma semaphore(%arg14 : memref<!tpu.dma_semaphore, #tpu.memory_space<semaphore_mem>>) src(%dma_wait3A_51 : memref<10240x128xf32, #tpu.memory_space<hbm>>) dst(%dma_wait3A_46 : memref<16x128xf32, #tpu.memory_space<vmem>>)
    %run_scoped3A = arith.constant 0 : i32
    "tpu.region"() ({
      %run_scoped3A_60 = tpu.sem_alloc : memref<!tpu.dma_semaphore, #tpu.memory_space<semaphore_mem>>
      %dma_start3A_61 = arith.constant 0 : i32
      %dma_start3A_62 = arith.constant 0 : i32
      %dma_start3A_63 = tpu.memref_slice %arg11[%dma_start3A_61, %dma_start3A_62] : memref<128x128xf32, #tpu.memory_space<vmem>> -> memref<16x128xf32, #tpu.memory_space<vmem>>
      %dma_start3A_64 = arith.constant 0 : i32
      %dma_start3A_65 = tpu.memref_slice %arg10[%run_scoped3A, %dma_start3A_64] : memref<1x16xi32, #tpu.memory_space<vmem>> -> memref<1x16xi32, #tpu.memory_space<vmem>>
      %dma_start3A_66 = tpu.memref_squeeze %dma_start3A_65 : memref<1x16xi32, #tpu.memory_space<vmem>> -> memref<16xi32, #tpu.memory_space<vmem>>
      %dma_start3A_67 = arith.constant 0 : i32
      %dma_start3A_68 = arith.constant 0 : i32
      %dma_start3A_69 = tpu.memref_slice %arg13[%dma_start3A_67, %dma_start3A_68] : memref<10240x128xf32, #tpu.memory_space<vmem_shared>> -> memref<10240x128xf32, #tpu.memory_space<vmem_shared>>
      tpu.enqueue_indirect_dma source(%dma_start3A_63 : memref<16x128xf32, #tpu.memory_space<vmem>>) target(%dma_start3A_69 : memref<10240x128xf32, #tpu.memory_space<vmem_shared>>) offsets(%dma_start3A_66 : memref<16xi32, #tpu.memory_space<vmem>>) semaphore(%run_scoped3A_60 : memref<!tpu.dma_semaphore, #tpu.memory_space<semaphore_mem>>) {add = true}
      %dma_wait3A_70 = arith.constant 0 : i32
      %dma_wait3A_71 = arith.constant 0 : i32
      %dma_wait3A_72 = tpu.memref_slice %arg11[%dma_wait3A_70, %dma_wait3A_71] : memref<128x128xf32, #tpu.memory_space<vmem>> -> memref<16x128xf32, #tpu.memory_space<vmem>>
      %dma_wait3A_73 = arith.constant 0 : i32
      %dma_wait3A_74 = tpu.memref_slice %arg10[%run_scoped3A, %dma_wait3A_73] : memref<1x16xi32, #tpu.memory_space<vmem>> -> memref<1x16xi32, #tpu.memory_space<vmem>>
      %dma_wait3A_75 = tpu.memref_squeeze %dma_wait3A_74 : memref<1x16xi32, #tpu.memory_space<vmem>> -> memref<16xi32, #tpu.memory_space<vmem>>
      %dma_wait3A_76 = arith.constant 0 : i32
      %dma_wait3A_77 = arith.constant 0 : i32
      %dma_wait3A_78 = tpu.memref_slice %arg13[%dma_wait3A_76, %dma_wait3A_77] : memref<10240x128xf32, #tpu.memory_space<vmem_shared>> -> memref<10240x128xf32, #tpu.memory_space<vmem_shared>>
      tpu.wait_indirect_dma semaphore(%run_scoped3A_60 : memref<!tpu.dma_semaphore, #tpu.memory_space<semaphore_mem>>) src(%dma_wait3A_72 : memref<16x128xf32, #tpu.memory_space<vmem>>) dst(%dma_wait3A_78 : memref<10240x128xf32, #tpu.memory_space<vmem_shared>>)
      tpu.yield
    }) : () -> ()
    %barrier3A_52 = arith.constant 0 : index
    tpu.barrier barrier_id(%barrier3A_52)
    %mul3A_53 = arith.constant 640 : i32
    %mul3A_54 = arith.muli %arg1, %mul3A_53 : i32
    %mul3A_55 = arith.constant 10240 : i32
    %mul3A_56 = arith.muli %arg0, %mul3A_55 : i32
    %mul3A_57 = arith.constant 640 : i32
    %mul3A_58 = arith.muli %arg1, %mul3A_57 : i32
    %add3A_59 = arith.addi %mul3A_56, %mul3A_58 : i32
    "tpu.region"() ({
      %run_scoped3A_60 = tpu.sem_alloc : memref<!tpu.dma_semaphore, #tpu.memory_space<semaphore_mem>>
      %dma_start3A_61 = arith.constant 0 : i32
      %dma_start3A_62 = tpu.memref_slice %arg7[%add3A_59, %dma_start3A_61] : memref<20480x128xf32, #tpu.memory_space<hbm>> -> memref<640x128xf32, #tpu.memory_space<hbm>>
      %dma_start3A_63 = arith.constant 0 : i32
      %dma_start3A_64 = tpu.memref_slice %arg13[%mul3A_54, %dma_start3A_63] : memref<10240x128xf32, #tpu.memory_space<vmem_shared>> -> memref<640x128xf32, #tpu.memory_space<vmem_shared>>
      tpu.enqueue_dma source(%dma_start3A_64 : memref<640x128xf32, #tpu.memory_space<vmem_shared>>) target(%dma_start3A_62 : memref<640x128xf32, #tpu.memory_space<hbm>>) target_semaphore(%run_scoped3A_60 : memref<!tpu.dma_semaphore, #tpu.memory_space<semaphore_mem>>)
      %dma_wait3A_65 = arith.constant 0 : i32
      %dma_wait3A_66 = tpu.memref_slice %arg7[%add3A_59, %dma_wait3A_65] : memref<20480x128xf32, #tpu.memory_space<hbm>> -> memref<640x128xf32, #tpu.memory_space<hbm>>
      %dma_wait3A_67 = arith.constant 0 : i32
      %dma_wait3A_68 = tpu.memref_slice %arg13[%mul3A_54, %dma_wait3A_67] : memref<10240x128xf32, #tpu.memory_space<vmem_shared>> -> memref<640x128xf32, #tpu.memory_space<vmem_shared>>
      tpu.wait_dma2 semaphore(%run_scoped3A_60 : memref<!tpu.dma_semaphore, #tpu.memory_space<semaphore_mem>>) src(%dma_wait3A_68 : memref<640x128xf32, #tpu.memory_space<vmem_shared>>) dst(%dma_wait3A_66 : memref<640x128xf32, #tpu.memory_space<hbm>>)
      tpu.yield
    }) : () -> ()
    return
  }
}

module attributes {stable_mosaic.version = 14 : i64} {
  func.func @_m0_body(%arg0: i32, %arg1: memref<2560x128xf32, #tpu.memory_space<vmem>>, %arg2: memref<128x128xf32, #tpu.memory_space<vmem>>, %arg3: memref<2560x128xf32, #tpu.memory_space<vmem>>) attributes {dimension_semantics = [#tpu.dimension_semantics<arbitrary>], iteration_bounds = array<i64: 4>, scalar_prefetch = 0 : i64, scratch_operands = 0 : i64, tpu.core_type = #tpu.core_type<tc>, window_params = [{transform_indices = @transform_0, window_bounds = array<i64: 2560, 128>}, {pipeline_mode = #tpu.pipeline_mode<synchronous>, transform_indices = @transform_1, window_bounds = array<i64: 128, 128>}, {transform_indices = @transform_2, window_bounds = array<i64: 2560, 128>}]} {
    %get3A = arith.constant 0 : index
    %get3A_0 = arith.constant 0 : index
    %get3A_1 = vector.load %arg1[%get3A, %get3A_0] : memref<2560x128xf32, #tpu.memory_space<vmem>>, vector<2560x128xf32>
    %get3A_2 = arith.constant 0 : index
    %get3A_3 = arith.constant 0 : index
    %get3A_4 = vector.load %arg2[%get3A_2, %get3A_3] : memref<128x128xf32, #tpu.memory_space<vmem>>, vector<128x128xf32>
    %dot_general3A = arith.constant dense<0.000000e+00> : vector<2560x128xf32>
    %dot_general3A_5 = tpu.matmul %get3A_1, %get3A_4, %dot_general3A {dimension_numbers = #tpu.dot_dimension_numbers<[1], [0], [0], [1], [0, 0, 1, 1], [], []>, transpose_lhs_hint = false} : vector<2560x128xf32>, vector<128x128xf32>, vector<2560x128xf32> -> vector<2560x128xf32>
    %swap3A = arith.constant 0 : index
    %swap3A_6 = arith.constant 0 : index
    %swap3A_7 = vector.load %arg3[%swap3A, %swap3A_6] : memref<2560x128xf32, #tpu.memory_space<vmem>>, vector<2560x128xf32>
    tpu.vector_store %arg3[%swap3A, %swap3A_6], %dot_general3A_5 {strides = array<i32>} : memref<2560x128xf32, #tpu.memory_space<vmem>>, vector<2560x128xf32>,
    return
  }
  func.func @transform_0(%arg0: i32) -> (i32, i32) {
    %c0_i32 = arith.constant 0 : i32
    %c0_i32_0 = arith.constant 0 : i32
    return %arg0, %c0_i32 : i32, i32
  }
  func.func @transform_1(%arg0: i32) -> (i32, i32) {
    %c0_i32 = arith.constant 0 : i32
    %c0_i32_0 = arith.constant 0 : i32
    %c0_i32_1 = arith.constant 0 : i32
    return %c0_i32, %c0_i32_0 : i32, i32
  }
  func.func @transform_2(%arg0: i32) -> (i32, i32) {
    %c0_i32 = arith.constant 0 : i32
    %c0_i32_0 = arith.constant 0 : i32
    return %arg0, %c0_i32 : i32, i32
  }
}

module attributes {stable_mosaic.version = 14 : i64} {
  func.func @_scale_body(%arg0: i32, %arg1: memref<2560x128xf32, #tpu.memory_space<vmem>>, %arg2: memref<2x2560x128xf32, #tpu.memory_space<vmem>>, %arg3: memref<2560x128xf32, #tpu.memory_space<vmem>>, %arg4: memref<2560x1xf32, #tpu.memory_space<vmem>>) attributes {dimension_semantics = [#tpu.dimension_semantics<arbitrary>], iteration_bounds = array<i64: 4>, scalar_prefetch = 0 : i64, scratch_operands = 0 : i64, tpu.core_type = #tpu.core_type<tc>, window_params = [{transform_indices = @transform_0, window_bounds = array<i64: 2560, 128>}, {transform_indices = @transform_1, window_bounds = array<i64: 2, 2560, 128>}, {transform_indices = @transform_2, window_bounds = array<i64: 2560, 128>}, {transform_indices = @transform_3, window_bounds = array<i64: 2560, 1>}]} {
    %get3A = arith.constant 0 : index
    %get3A_0 = arith.constant 0 : index
    %get3A_1 = arith.constant 0 : index
    %get3A_2 = vector.load %arg2[%get3A, %get3A_0, %get3A_1] : memref<2x2560x128xf32, #tpu.memory_space<vmem>>, vector<1x2560x1xf32>
    %get3A_3 = vector.shape_cast %get3A_2 : vector<1x2560x1xf32> to vector<2560xf32>
    %get3A_4 = arith.constant 1 : index
    %get3A_5 = arith.constant 0 : index
    %get3A_6 = arith.constant 0 : index
    %get3A_7 = vector.load %arg2[%get3A_4, %get3A_5, %get3A_6] : memref<2x2560x128xf32, #tpu.memory_space<vmem>>, vector<1x2560x1xf32>
    %get3A_8 = vector.shape_cast %get3A_7 : vector<1x2560x1xf32> to vector<2560xf32>
    %add3A = arith.addf %get3A_3, %get3A_8 : vector<2560xf32>
    %add3A_9 = arith.constant 1.000000e+00 : f32
    %add3A_10 = vector.broadcast %add3A_9 : f32 to vector<2560xf32>
    %add3A_11 = arith.addf %add3A, %add3A_10 : vector<2560xf32>
    %rsqrt3A = math.rsqrt %add3A_11 : vector<2560xf32>
    %broadcast_in_dim3A = vector.shape_cast %rsqrt3A : vector<2560xf32> to vector<2560x1xf32>
    %get3A_12 = arith.constant 0 : index
    %get3A_13 = arith.constant 0 : index
    %get3A_14 = vector.load %arg1[%get3A_12, %get3A_13] : memref<2560x128xf32, #tpu.memory_space<vmem>>, vector<2560x128xf32>
    %mul3A = vector.broadcast %broadcast_in_dim3A : vector<2560x1xf32> to vector<2560x128xf32>
    %mul3A_15 = arith.mulf %get3A_14, %mul3A : vector<2560x128xf32>
    %swap3A = arith.constant 0 : index
    %swap3A_16 = arith.constant 0 : index
    %swap3A_17 = vector.load %arg3[%swap3A, %swap3A_16] : memref<2560x128xf32, #tpu.memory_space<vmem>>, vector<2560x128xf32>
    tpu.vector_store %arg3[%swap3A, %swap3A_16], %mul3A_15 {strides = array<i32>} : memref<2560x128xf32, #tpu.memory_space<vmem>>, vector<2560x128xf32>,
    %swap3A_18 = arith.constant 0 : index
    %swap3A_19 = arith.constant 0 : index
    %swap3A_20 = vector.load %arg4[%swap3A_18, %swap3A_19] : memref<2560x1xf32, #tpu.memory_space<vmem>>, vector<2560x1xf32>
    tpu.vector_store %arg4[%swap3A_18, %swap3A_19], %broadcast_in_dim3A {strides = array<i32>} : memref<2560x1xf32, #tpu.memory_space<vmem>>, vector<2560x1xf32>,
    return
  }
  func.func @transform_0(%arg0: i32) -> (i32, i32) {
    %c0_i32 = arith.constant 0 : i32
    %c0_i32_0 = arith.constant 0 : i32
    return %arg0, %c0_i32 : i32, i32
  }
  func.func @transform_1(%arg0: i32) -> (i32, i32, i32) {
    %c0_i32 = arith.constant 0 : i32
    %c0_i32_0 = arith.constant 0 : i32
    %c0_i32_1 = arith.constant 0 : i32
    return %c0_i32, %arg0, %c0_i32_0 : i32, i32, i32
  }
  func.func @transform_2(%arg0: i32) -> (i32, i32) {
    %c0_i32 = arith.constant 0 : i32
    %c0_i32_0 = arith.constant 0 : i32
    return %arg0, %c0_i32 : i32, i32
  }
  func.func @transform_3(%arg0: i32) -> (i32, i32) {
    %c0_i32 = arith.constant 0 : i32
    %c0_i32_0 = arith.constant 0 : i32
    return %arg0, %c0_i32 : i32, i32
  }
}

module attributes {stable_mosaic.version = 14 : i64} {
  func.func @_mid_body(%arg0: i32, %arg1: memref<2x2560x128xf32, #tpu.memory_space<vmem>>, %arg2: memref<2560x128xf32, #tpu.memory_space<vmem>>, %arg3: memref<2560x1xf32, #tpu.memory_space<vmem>>, %arg4: memref<128xf32, #tpu.memory_space<vmem>>, %arg5: memref<2560x128xf32, #tpu.memory_space<vmem>>, %arg6: memref<128x128xf32, #tpu.memory_space<vmem>>, %arg7: memref<2560x128xf32, #tpu.memory_space<vmem>>, %arg8: memref<2560x128xf32, #tpu.memory_space<vmem>>, %arg9: memref<2560x128xf32, #tpu.memory_space<vmem>>) attributes {dimension_semantics = [#tpu.dimension_semantics<arbitrary>], iteration_bounds = array<i64: 4>, scalar_prefetch = 0 : i64, scratch_operands = 0 : i64, tpu.core_type = #tpu.core_type<tc>, window_params = [{transform_indices = @transform_0, window_bounds = array<i64: 2, 2560, 128>}, {transform_indices = @transform_1, window_bounds = array<i64: 2560, 128>}, {transform_indices = @transform_2, window_bounds = array<i64: 2560, 1>}, {pipeline_mode = #tpu.pipeline_mode<synchronous>, transform_indices = @transform_3, window_bounds = array<i64: 128>}, {transform_indices = @transform_4, window_bounds = array<i64: 2560, 128>}, {pipeline_mode = #tpu.pipeline_mode<synchronous>, transform_indices = @transform_5, window_bounds = array<i64: 128, 128>}, {transform_indices = @transform_6, window_bounds = array<i64: 2560, 128>}, {transform_indices = @transform_7, window_bounds = array<i64: 2560, 128>}, {transform_indices = @transform_8, window_bounds = array<i64: 2560, 128>}]} {
    %get3A = arith.constant 0 : index
    %get3A_0 = arith.constant 0 : index
    %get3A_1 = vector.load %arg3[%get3A, %get3A_0] : memref<2560x1xf32, #tpu.memory_space<vmem>>, vector<2560x1xf32>
    %get3A_2 = arith.constant 0 : index
    %get3A_3 = arith.constant 0 : index
    %get3A_4 = arith.constant 0 : index
    %get3A_5 = vector.load %arg1[%get3A_2, %get3A_3, %get3A_4] : memref<2x2560x128xf32, #tpu.memory_space<vmem>>, vector<1x2560x128xf32>
    %get3A_6 = vector.shape_cast %get3A_5 : vector<1x2560x128xf32> to vector<2560x128xf32>
    %get3A_7 = arith.constant 1 : index
    %get3A_8 = arith.constant 0 : index
    %get3A_9 = arith.constant 0 : index
    %get3A_10 = vector.load %arg1[%get3A_7, %get3A_8, %get3A_9] : memref<2x2560x128xf32, #tpu.memory_space<vmem>>, vector<1x2560x128xf32>
    %get3A_11 = vector.shape_cast %get3A_10 : vector<1x2560x128xf32> to vector<2560x128xf32>
    %add3A = arith.addf %get3A_6, %get3A_11 : vector<2560x128xf32>
    %mul3A = vector.broadcast %get3A_1 : vector<2560x1xf32> to vector<2560x128xf32>
    %mul3A_12 = arith.mulf %mul3A, %add3A : vector<2560x128xf32>
    %mul3A_13 = arith.mulf %get3A_1, %get3A_1 : vector<2560x1xf32>
    %get3A_14 = arith.constant 0 : index
    %get3A_15 = arith.constant 0 : index
    %get3A_16 = vector.load %arg2[%get3A_14, %get3A_15] : memref<2560x128xf32, #tpu.memory_space<vmem>>, vector<2560x128xf32>
    %mul3A_17 = vector.broadcast %mul3A_13 : vector<2560x1xf32> to vector<2560x128xf32>
    %mul3A_18 = arith.mulf %mul3A_17, %get3A_16 : vector<2560x128xf32>
    %add3A_19 = arith.addf %mul3A_12, %mul3A_18 : vector<2560x128xf32>
    %get3A_20 = arith.constant 0 : index
    %get3A_21 = vector.load %arg4[%get3A_20] : memref<128xf32, #tpu.memory_space<vmem>>, vector<128xf32>
    %broadcast_in_dim3A = vector.shape_cast %get3A_21 : vector<128xf32> to vector<1x128xf32>
    %add3A_22 = vector.broadcast %broadcast_in_dim3A : vector<1x128xf32> to vector<2560x128xf32>
    %add3A_23 = arith.addf %add3A_19, %add3A_22 : vector<2560x128xf32>
    %max3A = arith.constant 0.000000e+00 : f32
    %max3A_24 = vector.broadcast %max3A : f32 to vector<2560x128xf32>
    %max3A_25 = arith.maximumf %add3A_23, %max3A_24 : vector<2560x128xf32>
    %get3A_26 = arith.constant 0 : index
    %get3A_27 = arith.constant 0 : index
    %get3A_28 = vector.load %arg5[%get3A_26, %get3A_27] : memref<2560x128xf32, #tpu.memory_space<vmem>>, vector<2560x128xf32>
    %max3A_29 = arith.maximumf %get3A_28, %max3A_25 : vector<2560x128xf32>
    %swap3A = arith.constant 0 : index
    %swap3A_30 = arith.constant 0 : index
    %swap3A_31 = vector.load %arg9[%swap3A, %swap3A_30] : memref<2560x128xf32, #tpu.memory_space<vmem>>, vector<2560x128xf32>
    tpu.vector_store %arg9[%swap3A, %swap3A_30], %max3A_29 {strides = array<i32>} : memref<2560x128xf32, #tpu.memory_space<vmem>>, vector<2560x128xf32>,
    %get3A_32 = arith.constant 0 : index
    %get3A_33 = arith.constant 0 : index
    %get3A_34 = vector.load %arg6[%get3A_32, %get3A_33] : memref<128x128xf32, #tpu.memory_space<vmem>>, vector<128x128xf32>
    %dot_general3A = arith.constant dense<0.000000e+00> : vector<2560x128xf32>
    %dot_general3A_35 = tpu.matmul %max3A_25, %get3A_34, %dot_general3A {dimension_numbers = #tpu.dot_dimension_numbers<[1], [0], [0], [1], [0, 0, 1, 1], [], []>, transpose_lhs_hint = false} : vector<2560x128xf32>, vector<128x128xf32>, vector<2560x128xf32> -> vector<2560x128xf32>
    %swap3A_36 = arith.constant 0 : index
    %swap3A_37 = arith.constant 0 : index
    %swap3A_38 = vector.load %arg7[%swap3A_36, %swap3A_37] : memref<2560x128xf32, #tpu.memory_space<vmem>>, vector<2560x128xf32>
    tpu.vector_store %arg7[%swap3A_36, %swap3A_37], %dot_general3A_35 {strides = array<i32>} : memref<2560x128xf32, #tpu.memory_space<vmem>>, vector<2560x128xf32>,
    %mul3A_39 = vector.broadcast %get3A_1 : vector<2560x1xf32> to vector<2560x128xf32>
    %mul3A_40 = arith.mulf %dot_general3A_35, %mul3A_39 : vector<2560x128xf32>
    %swap3A_41 = arith.constant 0 : index
    %swap3A_42 = arith.constant 0 : index
    %swap3A_43 = vector.load %arg8[%swap3A_41, %swap3A_42] : memref<2560x128xf32, #tpu.memory_space<vmem>>, vector<2560x128xf32>
    tpu.vector_store %arg8[%swap3A_41, %swap3A_42], %mul3A_40 {strides = array<i32>} : memref<2560x128xf32, #tpu.memory_space<vmem>>, vector<2560x128xf32>,
    return
  }
  func.func @transform_0(%arg0: i32) -> (i32, i32, i32) {
    %c0_i32 = arith.constant 0 : i32
    %c0_i32_0 = arith.constant 0 : i32
    %c0_i32_1 = arith.constant 0 : i32
    return %c0_i32, %arg0, %c0_i32_0 : i32, i32, i32
  }
  func.func @transform_1(%arg0: i32) -> (i32, i32) {
    %c0_i32 = arith.constant 0 : i32
    %c0_i32_0 = arith.constant 0 : i32
    return %arg0, %c0_i32 : i32, i32
  }
  func.func @transform_2(%arg0: i32) -> (i32, i32) {
    %c0_i32 = arith.constant 0 : i32
    %c0_i32_0 = arith.constant 0 : i32
    return %arg0, %c0_i32 : i32, i32
  }
  func.func @transform_3(%arg0: i32) -> i32 {
    %c0_i32 = arith.constant 0 : i32
    %c0_i32_0 = arith.constant 0 : i32
    return %c0_i32 : i32
  }
  func.func @transform_4(%arg0: i32) -> (i32, i32) {
    %c0_i32 = arith.constant 0 : i32
    %c0_i32_0 = arith.constant 0 : i32
    return %arg0, %c0_i32 : i32, i32
  }
  func.func @transform_5(%arg0: i32) -> (i32, i32) {
    %c0_i32 = arith.constant 0 : i32
    %c0_i32_0 = arith.constant 0 : i32
    %c0_i32_1 = arith.constant 0 : i32
    return %c0_i32, %c0_i32_0 : i32, i32
  }
  func.func @transform_6(%arg0: i32) -> (i32, i32) {
    %c0_i32 = arith.constant 0 : i32
    %c0_i32_0 = arith.constant 0 : i32
    return %arg0, %c0_i32 : i32, i32
  }
  func.func @transform_7(%arg0: i32) -> (i32, i32) {
    %c0_i32 = arith.constant 0 : i32
    %c0_i32_0 = arith.constant 0 : i32
    return %arg0, %c0_i32 : i32, i32
  }
  func.func @transform_8(%arg0: i32) -> (i32, i32) {
    %c0_i32 = arith.constant 0 : i32
    %c0_i32_0 = arith.constant 0 : i32
    return %arg0, %c0_i32 : i32, i32
  }
}

module attributes {stable_mosaic.version = 14 : i64} {
  func.func @_post_body(%arg0: i32, %arg1: memref<2x2560x128xf32, #tpu.memory_space<vmem>>, %arg2: memref<2560x128xf32, #tpu.memory_space<vmem>>, %arg3: memref<2560x1xf32, #tpu.memory_space<vmem>>, %arg4: memref<128xf32, #tpu.memory_space<vmem>>, %arg5: memref<2560x128xf32, #tpu.memory_space<vmem>>, %arg6: memref<128x40xf32, #tpu.memory_space<vmem>>, %arg7: memref<40xf32, #tpu.memory_space<vmem>>, %arg8: memref<2560x40xf32, #tpu.memory_space<vmem>>) attributes {dimension_semantics = [#tpu.dimension_semantics<arbitrary>], iteration_bounds = array<i64: 4>, scalar_prefetch = 0 : i64, scratch_operands = 0 : i64, tpu.core_type = #tpu.core_type<tc>, window_params = [{transform_indices = @transform_0, window_bounds = array<i64: 2, 2560, 128>}, {transform_indices = @transform_1, window_bounds = array<i64: 2560, 128>}, {transform_indices = @transform_2, window_bounds = array<i64: 2560, 1>}, {pipeline_mode = #tpu.pipeline_mode<synchronous>, transform_indices = @transform_3, window_bounds = array<i64: 128>}, {transform_indices = @transform_4, window_bounds = array<i64: 2560, 128>}, {pipeline_mode = #tpu.pipeline_mode<synchronous>, transform_indices = @transform_5, window_bounds = array<i64: 128, 40>}, {pipeline_mode = #tpu.pipeline_mode<synchronous>, transform_indices = @transform_6, window_bounds = array<i64: 40>}, {transform_indices = @transform_7, window_bounds = array<i64: 2560, 40>}]} {
    %get3A = arith.constant 0 : index
    %get3A_0 = arith.constant 0 : index
    %get3A_1 = vector.load %arg3[%get3A, %get3A_0] : memref<2560x1xf32, #tpu.memory_space<vmem>>, vector<2560x1xf32>
    %get3A_2 = arith.constant 0 : index
    %get3A_3 = arith.constant 0 : index
    %get3A_4 = arith.constant 0 : index
    %get3A_5 = vector.load %arg1[%get3A_2, %get3A_3, %get3A_4] : memref<2x2560x128xf32, #tpu.memory_space<vmem>>, vector<1x2560x128xf32>
    %get3A_6 = vector.shape_cast %get3A_5 : vector<1x2560x128xf32> to vector<2560x128xf32>
    %get3A_7 = arith.constant 1 : index
    %get3A_8 = arith.constant 0 : index
    %get3A_9 = arith.constant 0 : index
    %get3A_10 = vector.load %arg1[%get3A_7, %get3A_8, %get3A_9] : memref<2x2560x128xf32, #tpu.memory_space<vmem>>, vector<1x2560x128xf32>
    %get3A_11 = vector.shape_cast %get3A_10 : vector<1x2560x128xf32> to vector<2560x128xf32>
    %add3A = arith.addf %get3A_6, %get3A_11 : vector<2560x128xf32>
    %mul3A = vector.broadcast %get3A_1 : vector<2560x1xf32> to vector<2560x128xf32>
    %mul3A_12 = arith.mulf %mul3A, %add3A : vector<2560x128xf32>
    %mul3A_13 = arith.mulf %get3A_1, %get3A_1 : vector<2560x1xf32>
    %get3A_14 = arith.constant 0 : index
    %get3A_15 = arith.constant 0 : index
    %get3A_16 = vector.load %arg2[%get3A_14, %get3A_15] : memref<2560x128xf32, #tpu.memory_space<vmem>>, vector<2560x128xf32>
    %mul3A_17 = vector.broadcast %mul3A_13 : vector<2560x1xf32> to vector<2560x128xf32>
    %mul3A_18 = arith.mulf %mul3A_17, %get3A_16 : vector<2560x128xf32>
    %add3A_19 = arith.addf %mul3A_12, %mul3A_18 : vector<2560x128xf32>
    %get3A_20 = arith.constant 0 : index
    %get3A_21 = vector.load %arg4[%get3A_20] : memref<128xf32, #tpu.memory_space<vmem>>, vector<128xf32>
    %broadcast_in_dim3A = vector.shape_cast %get3A_21 : vector<128xf32> to vector<1x128xf32>
    %add3A_22 = vector.broadcast %broadcast_in_dim3A : vector<1x128xf32> to vector<2560x128xf32>
    %add3A_23 = arith.addf %add3A_19, %add3A_22 : vector<2560x128xf32>
    %max3A = arith.constant 0.000000e+00 : f32
    %max3A_24 = vector.broadcast %max3A : f32 to vector<2560x128xf32>
    %max3A_25 = arith.maximumf %add3A_23, %max3A_24 : vector<2560x128xf32>
    %get3A_26 = arith.constant 0 : index
    %get3A_27 = arith.constant 0 : index
    %get3A_28 = vector.load %arg5[%get3A_26, %get3A_27] : memref<2560x128xf32, #tpu.memory_space<vmem>>, vector<2560x128xf32>
    %max3A_29 = arith.maximumf %get3A_28, %max3A_25 : vector<2560x128xf32>
    %get3A_30 = arith.constant 0 : index
    %get3A_31 = arith.constant 0 : index
    %get3A_32 = vector.load %arg6[%get3A_30, %get3A_31] : memref<128x40xf32, #tpu.memory_space<vmem>>, vector<128x40xf32>
    %dot_general3A = arith.constant dense<0.000000e+00> : vector<2560x40xf32>
    %dot_general3A_33 = tpu.matmul %max3A_29, %get3A_32, %dot_general3A {dimension_numbers = #tpu.dot_dimension_numbers<[1], [0], [0], [1], [0, 0, 1, 1], [], []>, transpose_lhs_hint = false} : vector<2560x128xf32>, vector<128x40xf32>, vector<2560x40xf32> -> vector<2560x40xf32>
    %get3A_34 = arith.constant 0 : index
    %get3A_35 = vector.load %arg7[%get3A_34] : memref<40xf32, #tpu.memory_space<vmem>>, vector<40xf32>
    %broadcast_in_dim3A_36 = vector.shape_cast %get3A_35 : vector<40xf32> to vector<1x40xf32>
    %add3A_37 = vector.broadcast %broadcast_in_dim3A_36 : vector<1x40xf32> to vector<2560x40xf32>
    %add3A_38 = arith.addf %dot_general3A_33, %add3A_37 : vector<2560x40xf32>
    %swap3A = arith.constant 0 : index
    %swap3A_39 = arith.constant 0 : index
    %swap3A_40 = vector.load %arg8[%swap3A, %swap3A_39] : memref<2560x40xf32, #tpu.memory_space<vmem>>, vector<2560x40xf32>
    tpu.vector_store %arg8[%swap3A, %swap3A_39], %add3A_38 {strides = array<i32>} : memref<2560x40xf32, #tpu.memory_space<vmem>>, vector<2560x40xf32>,
    return
  }
  func.func @transform_0(%arg0: i32) -> (i32, i32, i32) {
    %c0_i32 = arith.constant 0 : i32
    %c0_i32_0 = arith.constant 0 : i32
    %c0_i32_1 = arith.constant 0 : i32
    return %c0_i32, %arg0, %c0_i32_0 : i32, i32, i32
  }
  func.func @transform_1(%arg0: i32) -> (i32, i32) {
    %c0_i32 = arith.constant 0 : i32
    %c0_i32_0 = arith.constant 0 : i32
    return %arg0, %c0_i32 : i32, i32
  }
  func.func @transform_2(%arg0: i32) -> (i32, i32) {
    %c0_i32 = arith.constant 0 : i32
    %c0_i32_0 = arith.constant 0 : i32
    return %arg0, %c0_i32 : i32, i32
  }
  func.func @transform_3(%arg0: i32) -> i32 {
    %c0_i32 = arith.constant 0 : i32
    %c0_i32_0 = arith.constant 0 : i32
    return %c0_i32 : i32
  }
  func.func @transform_4(%arg0: i32) -> (i32, i32) {
    %c0_i32 = arith.constant 0 : i32
    %c0_i32_0 = arith.constant 0 : i32
    return %arg0, %c0_i32 : i32, i32
  }
  func.func @transform_5(%arg0: i32) -> (i32, i32) {
    %c0_i32 = arith.constant 0 : i32
    %c0_i32_0 = arith.constant 0 : i32
    %c0_i32_1 = arith.constant 0 : i32
    return %c0_i32, %c0_i32_0 : i32, i32
  }
  func.func @transform_6(%arg0: i32) -> i32 {
    %c0_i32 = arith.constant 0 : i32
    %c0_i32_0 = arith.constant 0 : i32
    return %c0_i32 : i32
  }
  func.func @transform_7(%arg0: i32) -> (i32, i32) {
    %c0_i32 = arith.constant 0 : i32
    %c0_i32_0 = arith.constant 0 : i32
    return %arg0, %c0_i32 : i32, i32
  }
}

</mosaic_0001>

<sc_bundles>
// kernel: kernel.11.cloned.1.call-start
scs
__scs_entry_jumppad:
0x0: {  	(pc) =	sbr.rel $0x88, $3  }
0x1: {  	(tag) =	ssettag $0x0;
	lr =	simm.s32 $0x1  }
0x2: {  	[smem:$0x3F97] =	sst lr;
	_ =	strace $0xD0000000  }
0x3: {  	_ = 	snop  }
0x4: {  	_ = 	snop  }
0x5: {  	_ = 	snop  }
0x6: {  	_ = 	snop  }
0x7: {  	_ = 	snop  }
__scs_overlays_trampoline_lowered:
0x8: {  	[smem:$0x3FA6] =	sst s0  }
0x9: {  	[smem:$0x3FA7] =	sst s1  }
0xa: {  	[smem:$0x3FA8] =	sst s2  }
0xb: {  	[smem:$0x3FA9] =	sst s3  }
0xc: {  	[smem:$0x3FAA] =	sst s4  }
0xd: {  	[smem:$0x3FAB] =	sst s5  }
0xe: {  	[smem:$0x3FAC] =	sst s6  }
0xf: {  	[smem:$0x3FAD] =	sst s7  }
0x10: {  	[smem:$0x3FAE] =	sst s8  }
0x11: {  	[smem:$0x3FAF] =	sst s9;
	s0 =	simm.s32 @!p0 $0x0  }
0x12: {  	s1 =	sld [smem:$0x3F95];
	s0 =	simm.s32 @p0 $0x1  }
0x13: {  	[smem:$0x3FB0] =	sst s0;
	s0 =	simm.s32 @!p1 $0x0  }
0x14: {  	s2 =	sld [smem:$0x3F94];
	s0 =	simm.s32 @p1 $0x1  }
0x15: {  	[smem:$0x3FB1] =	sst s0;
	s0 =	simm.s32 @!p2 $0x0  }
0x16: {  	s3 =	sld [smem:$0x3FDB];
	s0 =	simm.s32 @p2 $0x1  }
0x17: {  	s4 =	simm.s32 $0x1BF5;
	[smem:$0x3FB3] =	sst s0  }
0x18: {  	s0 =	sld [smem:$0x3F96];
	_ =	swait.ge [sflag:s4], $0x0  }
0x19: {  	s7 =	sld [smem:$0x3F97]  }
0x1a: {  	s8 =	sadd.s32 $0xFFFFE003, lr  }
0x1b: {  	s9 =	sadd.s32 $0xFFFFFEF7, lr;
	s5 =	simm.s32 $0xFFFFFFFF;
	p2 =	slt.u32 s8, $0xFFFFF086  }
0x1c: {  	p1 =	slt.u32 s9, $0xF7A;
	s5 =	simm.s32 @!p2 $0x0  }
0x1d: {  	s5 =	simm.s32 @p1 $0x1;
	p0 =	seq.s32 s7, s2  }
0x1e: {  	s7 =	smul.u32 @!p0 $0xF7A, s2;
	p2 =	seq.s32 @!p0 s5, $0x0  }
0x1f: {  	s9 =	smul.u32 $0xF7A, s1;
	s8 =	simm.s32 @!p0 $0x1BF5;
	p2 =	por !p2, p0  }
0x20: {  	[sflag:s8] =	ssyncset.s32 @!p0 $0xFFFFF086;
	s6 =	sadd.s32 @!p0 s3, s7;
	s7 =	simm.s32 @!p0 $0x108  }
0x21: {  	s3 =	sadd.s32 s3, s9;
	s6 =	sadd.s32 @!p0 $0x88, s6;
	s7 =	simm.s32 @p2 $0x1082  }
0x22: {  	[simem:s7], [sflag:s8] =	dma.local @!p0 [hbm:s6], $0xF7A  }
0x23: {  	s9 =	sor.u32 $0xD0000000, s2;
	s6 =	simm.s32 $0x108;
	_ =	swait.ge @!p0 [sflag:s8], $0x0  }
0x24: {  	s3 =	sadd.s32 $0x88, s3;
	s6 =	simm.s32 @!p1 $0x1082;
	[sflag:s4] =	ssyncset.s32 $0xFFFFF086  }
0x25: {  	[simem:s6], [sflag:s4] =	dma.local [hbm:s3], $0xF7A  }
0x26: {  	[smem:$0x3F97] =	sst s1;
	(tag) =	ssettag s2;
	_ =	strace s9  }
0x27: {  	s1 =	sld [smem:$0x3FA7]  }
0x28: {  	s2 =	sld [smem:$0x3FA8]  }
0x29: {  	s4 =	sld [smem:$0x3FAA]  }
0x2a: {  	p0 =	seq.s32 s5, $0x0;
	s5 =	sld [smem:$0x3FAB]  }
0x2b: {  	s6 =	sld [smem:$0x3FAC]  }
0x2c: {  	s7 =	sld [smem:$0x3FAD]  }
0x2d: {  	s3 =	simm.s32 $0x108;
	s8 =	sld [smem:$0x3FAE]  }
0x2e: {  	s3 =	simm.s32 @!p0 $0x1082;
	s9 =	sld [smem:$0x3FAF]  }
0x2f: {  	lr =	sadd.s32 s0, s3;
	s0 =	sld [smem:$0x3FA6]  }
0x30: {  	s3 =	sld [smem:$0x3FA9]  }
0x31: {  	[smem:$0x3FB2] =	sst s10  }
0x32: {  	s10 =	sld [smem:$0x3FB0];
	_ =	sdelay $0x3  }
0x33: {  	p0 =	seq.s32 s10, $0x1;
	s10 =	sld [smem:$0x3FB2];
	_ =	sdelay $0x3  }
0x34: {  	[smem:$0x3FB2] =	sst s10  }
0x35: {  	s10 =	sld [smem:$0x3FB1];
	_ =	sdelay $0x3  }
0x36: {  	p1 =	seq.s32 s10, $0x1;
	s10 =	sld [smem:$0x3FB2];
	_ =	sdelay $0x3  }
0x37: {  	[smem:$0x3FB2] =	sst s10  }
0x38: {  	s10 =	sld [smem:$0x3FB3]  }
0x39: {  	_ = 	snop;
	(pc) =	sbr.ind lr, $3  }
0x3a: {  	_ = 	snop  }
0x3b: {  	_ = 	snop  }
0x3c: {  	p2 =	seq.s32 s10, $0x1;
	s10 =	sld [smem:$0x3FB2]  }
0x3d: {  	_ =	shalt  }
0x3e: {  	_ =	shalt  }
0x3f: {  	_ =	shalt  }
0x40: {  	_ =	shalt  }
0x41: {  	_ =	shalt  }
0x42: {  	_ =	shalt  }
0x43: {  	_ =	shalt  }
0x44: {  	_ =	shalt  }
0x45: {  	_ =	shalt  }
0x46: {  	_ =	shalt  }
0x47: {  	_ =	shalt  }
0x48: {  	_ =	shalt  }
0x49: {  	_ =	shalt  }
0x4a: {  	_ =	shalt  }
0x4b: {  	_ =	shalt  }
0x4c: {  	_ =	shalt  }
0x4d: {  	_ =	shalt  }
0x4e: {  	_ =	shalt  }
0x4f: {  	_ =	shalt  }
0x50: {  	_ =	shalt  }
0x51: {  	_ =	shalt  }
0x52: {  	_ =	shalt  }
0x53: {  	_ =	shalt  }
0x54: {  	_ =	shalt  }
0x55: {  	_ =	shalt  }
0x56: {  	_ =	shalt  }
0x57: {  	_ =	shalt  }
0x58: {  	_ =	shalt  }
0x59: {  	_ =	shalt  }
0x5a: {  	_ =	shalt  }
0x5b: {  	_ =	shalt  }
0x5c: {  	_ =	shalt  }
0x5d: {  	_ =	shalt  }
0x5e: {  	_ =	shalt  }
0x5f: {  	_ =	shalt  }
0x60: {  	_ =	shalt  }
0x61: {  	_ =	shalt  }
0x62: {  	_ =	shalt  }
0x63: {  	_ =	shalt  }
0x64: {  	_ =	shalt  }
0x65: {  	_ =	shalt  }
0x66: {  	_ =	shalt  }
0x67: {  	_ =	shalt  }
0x68: {  	_ =	shalt  }
0x69: {  	_ =	shalt  }
0x6a: {  	_ =	shalt  }
0x6b: {  	_ =	shalt  }
0x6c: {  	_ =	shalt  }
0x6d: {  	_ =	shalt  }
0x6e: {  	_ =	shalt  }
0x6f: {  	_ =	shalt  }
0x70: {  	_ =	shalt  }
0x71: {  	_ =	shalt  }
0x72: {  	_ =	shalt  }
0x73: {  	_ =	shalt  }
0x74: {  	_ =	shalt  }
0x75: {  	_ =	shalt  }
0x76: {  	_ =	shalt  }
0x77: {  	_ =	shalt  }
0x78: {  	_ =	shalt  }
0x79: {  	_ =	shalt  }
0x7a: {  	_ =	shalt  }
0x7b: {  	_ =	shalt  }
0x7c: {  	_ =	shalt  }
0x7d: {  	_ =	shalt  }
0x7e: {  	_ =	shalt  }
0x7f: {  	_ =	shalt  }
0x80: {  	_ =	shalt  }
0x81: {  	_ =	shalt  }
0x82: {  	_ =	shalt  }
0x83: {  	_ =	shalt  }
0x84: {  	_ =	shalt  }
0x85: {  	_ =	shalt  }
0x86: {  	_ =	shalt  }
0x87: {  	_ =	shalt  }
.Lfunc_end0:
.L_simem_size_0:
called_computation_lowered:
.L_overlay_start_0:
0x88: {  	s2 =	sld [smem:$0x3FD9]  }
0x89: {  	s3 =	sld [smem:$0x3FFE];
	_ =	sdelay $0x1  }
0x8a: {  	s1 =	srdreg.scid  }
0x8b: {  	s0 =	sand.u32 $0x1, s1  }
0x8c: {  	s17 =	sshll.u32 s0, $0xA;
	s2 =	sadd.s32 s3, s2  }
0x8d: {  	s2 =	sadd.s32 s2, s17  }
0x8e: {  	[smem:$0x3FBE] =	sst s2  }
0x8f: {  	_ = 	snop  }
0x90: {  	s2 =	sld [smem:$0x3FD0];
	(tm) =	ssettm $0x1  }
0x91: {  	s18 =	sld [smem:$0x3FFB];
	_ =	sdelay $0x3  }
0x92: {  	_ =	strace s18  }
0x93: {  	s3 =	sld [smem:$0x3FFC];
	_ =	sdelay $0x3  }
0x94: {  	_ =	strace s3  }
0x95: {  	s3 =	sld [smem:$0x3FFD];
	_ =	sdelay $0x3  }
0x96: {  	_ =	strace s3  }
0x97: {  	_ =	strace $0x8FFFFFFF  }
0x98: {  	s19 =	sld [smem:$0x3FDB];
	_ =	sdelay $0x1  }
0x99: {  	s4 =	simm.s32 $_scs_section_size  }
0x9a: {  	s5 =	simm.s32 $_size__tile_overlayer_lowered;
	s6 =	simm.s32 $_tile_overlayer_lowered  }
0x9b: {  	s22 =	simm.s32 $0x1BFF;
	s21 =	sshll.u32 s6, $0x1;
	s3 =	sadd.s32 s4, s19  }
0x9c: {  	s7 =	simm.s32 $0x0;
	s20 =	sshll.u32 s5, $0x1;
	s5 =	sadd.s32 s21, s3  }
0x9d: {  	[timem:s7], [sflag:s22] =	dma.local [hbm:s5], s20  }
0x9e: {  	_ =	swait.ge [sflag:s22], s20  }
0x9f: {  	s4 =	ssub.s32 $0x0, s20;
	[sflag:s22] =	ssyncset.done $0x0  }
0xa0: {  	[sflag:s22] =	ssyncadd.s32 s4;
	_ =	sdelay $0x1  }
0xa1: {  	s23 =	simm.s32 $0x1B8B  }
0xa2: {  	_ =	swait.ge [sflag:s23], $0x1  }
0xa3: {  	[sflag:s23] =	ssyncset.done $0x0  }
0xa4: {  	s25 =	simm.s32 $0x1B8E;
	s24 =	sld [smem:$0x3FFE];
	[sflag:s23] =	ssyncadd.s32 $0xFFFFFFFF  }
0xa5: {  	s26 =	simm.s32 $execute0_lowered;
	[smem:$0x3FD2] =	sst s25  }
0xa6: {  	s5 =	sshll.u32 s26, $0x1;
	_ =	strace $0x80000046;
	[dreg:$0x1] =	wrdreg $0xFFFFFFFF  }
0xa7: {  	s28 =	simm.s32 $_size_execute0_lowered;
	s3 =	sadd.s32 s3, s5;
	[dreg:$0x0] =	wrdreg $0x0  }
0xa8: {  	s5 =	sshll.u32 s28, $0x1;
	[dreg:$0x2] =	wrdreg s3  }
0xa9: {  	[dreg:$0x3] =	wrdreg s5  }
0xaa: {  	[dreg:$0x4] =	wrdreg $0xC0  }
0xab: {  	_ =	task [dreg:s7], $0x5FFFF  }
0xac: {  	[dreg:$0x1] =	wrdreg $0xFFFFFFFF  }
0xad: {  	[dreg:$0x0] =	wrdreg $0x60  }
0xae: {  	[dreg:$0x2] =	wrdreg s2  }
0xaf: {  	[dreg:$0x3] =	wrdreg s24  }
0xb0: {  	[dreg:$0x4] =	wrdreg $0x68800  }
0xb1: {  	[dreg:$0x5] =	wrdreg $0x9  }
0xb2: {  	_ =	task.clear_ibuf [dreg:s7], $0x6FFFF;
	_ =	strace $0x90000046  }
0xb3: {  	s29 =	simm.s32 $0x9;
	_ =	strace $0x80000048  }
0xb4: {  	_ =	swait.ge [sflag:s29], $0x1  }
0xb5: {  	[sflag:s29] =	ssyncadd.s32 $0xFFFFFFFF  }
0xb6: {  	_ =	strace $0x90000048  }
0xb7: {  	_ =	sfence  }
0xb8: {  	s30 =	sld [smem:$0x0];
	_ =	sdelay $0x2  }
0xb9: {  	s31 =	sshll.u32 s1, $0xD;
	s1 =	sshrl.u32 s1, $0x2  }
0xba: {  	s3 =	sand.u32 $0x4000, s31;
	s1 =	sadd.s32 s1, s30  }
0xbb: {  	s0 =	sor.u32 s3, s0;
	s1 =	sshll.u32 s1, $0x11  }
0xbc: {  	s0 =	sor.u32 s1, s0  }
0xbd: {  	s0 =	sadd.s32 $0x8F2B, s0  }
0xbe: {  	[sflag:s0] =	ssyncadd.remote.s32 $0x1  }
0xbf: {  	_ =	sfence.sel $0xFFFF  }
0xc0: {  	[dreg:$0x0] =	wrdreg $0xFFFFFFFF;
	(pc) =	sbr.abs _section_cstart, $3  }
0xc1: {  	[dreg:$0x1] =	wrdreg $0xFFFFFFFF  }
0xc2: {  	_ =	task.clear_ibuf [dreg:s7], $0x2FFFF;
	_ =	strace $0x9FFFFFFF  }
0xc3: {  	(tm) =	ssettm $0x7FFFFFFF  }
tec
execute0_lowered:
.L_overlay_start_1:
0x0: {  	(tag) =	ssettag $0x1  }
0x1: {  	s5 =	rddreg [dreg:$0x0]  }
0x2: {  	s6 =	rddreg [dreg:$0x1]  }
0x3: {  	s1 =	rddreg [dreg:$0x2]  }
0x4: {  	s2 =	srdreg.scid;
	s0 =	rddreg [dreg:$0x3];
	s3 =	simm.s32 $0x0  }
0x5: {  	s15 =	simm.s32 $0x80;
	s16 =	simm.s32 $0x10;
	s17 =	simm.s32 $0x1  }
0x6: {  	s18 =	simm.s32 $0x0;
	s4 =	sand.u32 $0x1, s2;
	s2 =	stileid.u32  }
0x7: {  	[smem:$0x7FF] =	sst s3;
	s7 =	sshll.u32 s4, $0x4;
	s8 =	smul.u32 $0x2800, s2  }
0x8: {  	_ =	strace $0x80000047;
	s10 =	smul.u32 $0x28000, s4;
	s29 =	ssub.s32 $0x2, s4  }
0x9: {  	s12 =	smul.u32 $0x50000, s2;
	s4 =	sadd.s32 $0x2BA00, s6;
	s13 =	sshll.u32 s2, $0x6  }
0xa: {  	s7 =	sor.u32 s2, s7;
	s30 =	sshrl.u32 s29, $0x1;
	s13 =	sor.u32 $0x1C02, s13  }
0xb: {  	s9 =	sshll.u32 s7, $0x4;
	s11 =	sadd.s32 s8, s6;
	s7 =	smul.u32 $0x500, s7  }
0xc: {  	s8 =	sadd.s32 s8, s10;
	s10 =	ssub.s32 s29, s30;
	s31 =	sshrl.u32 s12, $0x2  }
0xd: {  	s12 =	simm.s32 $0x2800;
	s9 =	sadd.s32 s9, s6;
	s8 =	sadd.s32 s8, s6  }
0xe: {  	s14 =	sadd.s32 s31, s1;
	s5 =	sadd.s32 s5, s7;
	s6 =	sadd.s32 $0x3800, s9  }
0xf: {  	s7 =	sadd.s32 $0x3A00, s11;
	s8 =	sadd.s32 $0x2C200, s8;
	s9 =	smax.u32 s10, $0x1  }
0x10: {  	s10 =	simm.s32 $0x2880;
	s11 =	simm.s32 $0x2;
	s14 =	sshrl.u32 s14, $0x3  }
.LBB2_1:
0x11: {  	[tilespmem:s10], [sflag:$0x2] =	stream.linear.gather [hbm4b:s4+s3], $0x4000, $0x38;
	[tilespmem:$0x1A880] =	vst v63  }
0x12: {  	_ =	swait.ge [sflag:s11], $0x4000  }
0x13: {  	[sflag:s11] =	ssyncset.done $0x0  }
0x14: {  	[sflag:s11] =	ssyncadd.s32 $0xFFFFC000  }
0x15: {  	[tilespmem:s3], [sflag:$0x2] =	stream.linear.gather [hbm4b:s5+s3], $0x2780, $0x38;
	[tilespmem:$0x1A880] =	vst v63  }
0x16: {  	_ =	swait.ge [sflag:s11], $0x2780  }
0x17: {  	[sflag:s11] =	ssyncset.done $0x0  }
0x18: {  	[sflag:s11] =	ssyncadd.s32 $0xFFFFD880  }
0x19: {  	[tilespmem:s12], [sflag:$0x2] =	stream.linear.gather [hbm4b:s6+s3], $0x80, $0x38;
	[tilespmem:$0x1A880] =	vst v63  }
0x1a: {  	_ =	swait.ge [sflag:s11], $0x80  }
0x1b: {  	[sflag:s11] =	ssyncset.done $0x0  }
0x1c: {  	[sflag:s11] =	ssyncadd.s32 $0xFFFFFF80  }
0x1d: {  	[spmem:s14], [sflag:s13] =	dma.local [hbm:s7], $0x2800  }
0x1e: {  	_ =	swait.ge [sflag:s11], $0x2800  }
0x1f: {  	[sflag:s11] =	ssyncset.done $0x0  }
0x20: {  	[sflag:s11] =	ssyncadd.s32 $0xFFFFD800  }
0x21: {  	s19 =	simm.s32 $0x200;
	s20 =	simm.s32 $0x0;
	[bflag:$0x0] =	sbarrier.arrive $0xFFFF  }
.LBB2_2:
0x22: {  	[spmem:s1] =	stream.indirect.scatter.add.f32 [tilespmem:s10], [sflag:$0x1], $0x80, s20, s15, $0xb8;
	[tilespmem:$0x1A880] =	vst v63  }
0x23: {  	s20 =	smov.u32 s19;
	p0 =	sne.s32 s19, $0x9A00  }
.Ltmp0:
0x24: {  	s19 =	sadd.s32 $0x200, s19;
	(pc) =	sbr.rel @p0 .LBB2_2-.Ltmp0, $2  }
0x25: {  	_ =	sdelay $0x2  }
0x26: {  	s20 =	sshra.s32 s20, $0x2  }
0x27: {  	[spmem:s1] =	stream.indirect.scatter.add.f32 [tilespmem:s10], [sflag:$0x1], $0x80, s20, s15, $0xb8;
	[tilespmem:$0x1A880] =	vst v63  }
0x28: {  	_ = 	snop  }
0x29: {  	[spmem:s1] =	stream.indirect.scatter.add.f32 [tilespmem:s10], [sflag:$0x1], $0x80, s12, s16, $0xb8;
	[tilespmem:$0x1A880] =	vst v63  }
0x2a: {  	_ =	swait.ge [sflag:s17], $0x4000  }
0x2b: {  	s19 =	simm.s32 $0x4D;
	[sflag:s17] =	ssyncset.done $0x0  }
.LBB2_4:
0x2c: {  	p0 =	sne.s32 s19, $0x1;
	s19 =	sadd.s32 $0xFFFFFFFF, s19;
	[sflag:s17] =	ssyncadd.s32 $0xFFFFC000  }
.Ltmp1:
0x2d: {  	(pc) =	sbr.rel @p0 .LBB2_4-.Ltmp1, $3  }
0x2e: {  	_ =	sdelay $0x1  }
0x2f: {  	_ =	swait.ge [sflag:s17], $0x4000  }
0x30: {  	[sflag:s17] =	ssyncset.done $0x0  }
0x31: {  	[sflag:s17] =	ssyncadd.s32 $0xFFFFC000  }
0x32: {  	_ =	swait.ge [sflag:s17], $0x800  }
0x33: {  	s18 =	sadd.s32 $0x1, s18;
	[sflag:s17] =	ssyncset.done $0x0  }
0x34: {  	p0 =	sne.s32 s18, s9;
	[sflag:s17] =	ssyncadd.s32 $0xFFFFF800  }
.Ltmp2:
0x35: {  	[bflag:$0x0] =	sbarrier.arrive $0xFFFF;
	(pc) =	sbr.rel @p0 .LBB2_1-.Ltmp2, $4  }
0x36: {  	[hbm:s8], [sflag:s13] =	dma.local [spmem:s14], $0x2800  }
0x37: {  	_ =	swait.ge [sflag:s11], $0x2800  }
0x38: {  	[sflag:s11] =	ssyncset.done $0x0  }
0x39: {  	[sflag:s11] =	ssyncadd.s32 $0xFFFFD800  }
0x3a: {  	_ =	sfence.sel $0x180000  }
0x3b: {  	[bflag:$0x0] =	sbarrier.arrive $0xFFFF  }
0x3c: {  	p0 =	sne.s32 s2, $0x0;
	_ =	strace $0x90000047  }
0x3d: {  	s0 =	sadd.s32 @!p0 $0x100000, s0;
	[bflag:$0x2] =	sbarrier.arrive $0xFFFF  }
0x3e: {  	[sflag:s0] =	ssyncadd.tile.s32 @!p0 $0x1;
	_ =	shalt  }
.Lfunc_end2:
_tile_overlayer_lowered:
.L_overlay_start_2:
0x3f: {  	(tag) =	ssettag $0x2  }
0x40: {  	s0 =	rddreg [dreg:$0x0];
	s2 =	stileid.u32  }
0x41: {  	s1 =	rddreg [dreg:$0x1];
	p0 =	sne.s32 s2, $0x0  }
0x42: {  	s3 =	rddreg [dreg:$0x2];
	[bflag:$0x3] =	sbarrier.arrive $0xFFFF;
	s2 =	simm.s32 @!p0 $0x1C02  }
0x43: {  	[timem:s3], [sflag:s2] =	dma.local @!p0 [hbm:s0], s1  }
0x44: {  	s0 =	simm.s32 @!p0 $0x2  }
0x45: {  	_ =	swait.ge @!p0 [sflag:s0], s1  }
0x46: {  	s1 =	ssub.s32 @!p0 $0x0, s1;
	[sflag:s0] =	ssyncset.done @!p0 $0x0  }
0x47: {  	[sflag:s0] =	ssyncadd.s32 @!p0 s1  }
0x48: {  	[bflag:$0x3] =	sbarrier.arrive $0xFFFF  }
0x49: {  	_ =	shalt  }

// kernel: kernel.14.cloned.1.call-start
scs
__scs_entry_jumppad:
0x0: {  	(pc) =	sbr.rel $0x88, $3  }
0x1: {  	(tag) =	ssettag $0x0;
	lr =	simm.s32 $0x1  }
0x2: {  	[smem:$0x3F97] =	sst lr;
	_ =	strace $0xD0000000  }
0x3: {  	_ = 	snop  }
0x4: {  	_ = 	snop  }
0x5: {  	_ = 	snop  }
0x6: {  	_ = 	snop  }
0x7: {  	_ = 	snop  }
__scs_overlays_trampoline_lowered:
0x8: {  	[smem:$0x3FA6] =	sst s0  }
0x9: {  	[smem:$0x3FA7] =	sst s1  }
0xa: {  	[smem:$0x3FA8] =	sst s2  }
0xb: {  	[smem:$0x3FA9] =	sst s3  }
0xc: {  	[smem:$0x3FAA] =	sst s4  }
0xd: {  	[smem:$0x3FAB] =	sst s5  }
0xe: {  	[smem:$0x3FAC] =	sst s6  }
0xf: {  	[smem:$0x3FAD] =	sst s7  }
0x10: {  	[smem:$0x3FAE] =	sst s8  }
0x11: {  	[smem:$0x3FAF] =	sst s9;
	s0 =	simm.s32 @!p0 $0x0  }
0x12: {  	s1 =	sld [smem:$0x3F95];
	s0 =	simm.s32 @p0 $0x1  }
0x13: {  	[smem:$0x3FB0] =	sst s0;
	s0 =	simm.s32 @!p1 $0x0  }
0x14: {  	s2 =	sld [smem:$0x3F94];
	s0 =	simm.s32 @p1 $0x1  }
0x15: {  	[smem:$0x3FB1] =	sst s0;
	s0 =	simm.s32 @!p2 $0x0  }
0x16: {  	s3 =	sld [smem:$0x3FDB];
	s0 =	simm.s32 @p2 $0x1  }
0x17: {  	s4 =	simm.s32 $0x1BF5;
	[smem:$0x3FB3] =	sst s0  }
0x18: {  	s0 =	sld [smem:$0x3F96];
	_ =	swait.ge [sflag:s4], $0x0  }
0x19: {  	s7 =	sld [smem:$0x3F97]  }
0x1a: {  	s8 =	sadd.s32 $0xFFFFE003, lr  }
0x1b: {  	s9 =	sadd.s32 $0xFFFFFEF7, lr;
	s5 =	simm.s32 $0xFFFFFFFF;
	p2 =	slt.u32 s8, $0xFFFFF086  }
0x1c: {  	p1 =	slt.u32 s9, $0xF7A;
	s5 =	simm.s32 @!p2 $0x0  }
0x1d: {  	s5 =	simm.s32 @p1 $0x1;
	p0 =	seq.s32 s7, s2  }
0x1e: {  	s7 =	smul.u32 @!p0 $0xF7A, s2;
	p2 =	seq.s32 @!p0 s5, $0x0  }
0x1f: {  	s9 =	smul.u32 $0xF7A, s1;
	s8 =	simm.s32 @!p0 $0x1BF5;
	p2 =	por !p2, p0  }
0x20: {  	[sflag:s8] =	ssyncset.s32 @!p0 $0xFFFFF086;
	s6 =	sadd.s32 @!p0 s3, s7;
	s7 =	simm.s32 @!p0 $0x108  }
0x21: {  	s3 =	sadd.s32 s3, s9;
	s6 =	sadd.s32 @!p0 $0x88, s6;
	s7 =	simm.s32 @p2 $0x1082  }
0x22: {  	[simem:s7], [sflag:s8] =	dma.local @!p0 [hbm:s6], $0xF7A  }
0x23: {  	s9 =	sor.u32 $0xD0000000, s2;
	s6 =	simm.s32 $0x108;
	_ =	swait.ge @!p0 [sflag:s8], $0x0  }
0x24: {  	s3 =	sadd.s32 $0x88, s3;
	s6 =	simm.s32 @!p1 $0x1082;
	[sflag:s4] =	ssyncset.s32 $0xFFFFF086  }
0x25: {  	[simem:s6], [sflag:s4] =	dma.local [hbm:s3], $0xF7A  }
0x26: {  	[smem:$0x3F97] =	sst s1;
	(tag) =	ssettag s2;
	_ =	strace s9  }
0x27: {  	s1 =	sld [smem:$0x3FA7]  }
0x28: {  	s2 =	sld [smem:$0x3FA8]  }
0x29: {  	s4 =	sld [smem:$0x3FAA]  }
0x2a: {  	p0 =	seq.s32 s5, $0x0;
	s5 =	sld [smem:$0x3FAB]  }
0x2b: {  	s6 =	sld [smem:$0x3FAC]  }
0x2c: {  	s7 =	sld [smem:$0x3FAD]  }
0x2d: {  	s3 =	simm.s32 $0x108;
	s8 =	sld [smem:$0x3FAE]  }
0x2e: {  	s3 =	simm.s32 @!p0 $0x1082;
	s9 =	sld [smem:$0x3FAF]  }
0x2f: {  	lr =	sadd.s32 s0, s3;
	s0 =	sld [smem:$0x3FA6]  }
0x30: {  	s3 =	sld [smem:$0x3FA9]  }
0x31: {  	[smem:$0x3FB2] =	sst s10  }
0x32: {  	s10 =	sld [smem:$0x3FB0];
	_ =	sdelay $0x3  }
0x33: {  	p0 =	seq.s32 s10, $0x1;
	s10 =	sld [smem:$0x3FB2];
	_ =	sdelay $0x3  }
0x34: {  	[smem:$0x3FB2] =	sst s10  }
0x35: {  	s10 =	sld [smem:$0x3FB1];
	_ =	sdelay $0x3  }
0x36: {  	p1 =	seq.s32 s10, $0x1;
	s10 =	sld [smem:$0x3FB2];
	_ =	sdelay $0x3  }
0x37: {  	[smem:$0x3FB2] =	sst s10  }
0x38: {  	s10 =	sld [smem:$0x3FB3]  }
0x39: {  	_ = 	snop;
	(pc) =	sbr.ind lr, $3  }
0x3a: {  	_ = 	snop  }
0x3b: {  	_ = 	snop  }
0x3c: {  	p2 =	seq.s32 s10, $0x1;
	s10 =	sld [smem:$0x3FB2]  }
0x3d: {  	_ =	shalt  }
0x3e: {  	_ =	shalt  }
0x3f: {  	_ =	shalt  }
0x40: {  	_ =	shalt  }
0x41: {  	_ =	shalt  }
0x42: {  	_ =	shalt  }
0x43: {  	_ =	shalt  }
0x44: {  	_ =	shalt  }
0x45: {  	_ =	shalt  }
0x46: {  	_ =	shalt  }
0x47: {  	_ =	shalt  }
0x48: {  	_ =	shalt  }
0x49: {  	_ =	shalt  }
0x4a: {  	_ =	shalt  }
0x4b: {  	_ =	shalt  }
0x4c: {  	_ =	shalt  }
0x4d: {  	_ =	shalt  }
0x4e: {  	_ =	shalt  }
0x4f: {  	_ =	shalt  }
0x50: {  	_ =	shalt  }
0x51: {  	_ =	shalt  }
0x52: {  	_ =	shalt  }
0x53: {  	_ =	shalt  }
0x54: {  	_ =	shalt  }
0x55: {  	_ =	shalt  }
0x56: {  	_ =	shalt  }
0x57: {  	_ =	shalt  }
0x58: {  	_ =	shalt  }
0x59: {  	_ =	shalt  }
0x5a: {  	_ =	shalt  }
0x5b: {  	_ =	shalt  }
0x5c: {  	_ =	shalt  }
0x5d: {  	_ =	shalt  }
0x5e: {  	_ =	shalt  }
0x5f: {  	_ =	shalt  }
0x60: {  	_ =	shalt  }
0x61: {  	_ =	shalt  }
0x62: {  	_ =	shalt  }
0x63: {  	_ =	shalt  }
0x64: {  	_ =	shalt  }
0x65: {  	_ =	shalt  }
0x66: {  	_ =	shalt  }
0x67: {  	_ =	shalt  }
0x68: {  	_ =	shalt  }
0x69: {  	_ =	shalt  }
0x6a: {  	_ =	shalt  }
0x6b: {  	_ =	shalt  }
0x6c: {  	_ =	shalt  }
0x6d: {  	_ =	shalt  }
0x6e: {  	_ =	shalt  }
0x6f: {  	_ =	shalt  }
0x70: {  	_ =	shalt  }
0x71: {  	_ =	shalt  }
0x72: {  	_ =	shalt  }
0x73: {  	_ =	shalt  }
0x74: {  	_ =	shalt  }
0x75: {  	_ =	shalt  }
0x76: {  	_ =	shalt  }
0x77: {  	_ =	shalt  }
0x78: {  	_ =	shalt  }
0x79: {  	_ =	shalt  }
0x7a: {  	_ =	shalt  }
0x7b: {  	_ =	shalt  }
0x7c: {  	_ =	shalt  }
0x7d: {  	_ =	shalt  }
0x7e: {  	_ =	shalt  }
0x7f: {  	_ =	shalt  }
0x80: {  	_ =	shalt  }
0x81: {  	_ =	shalt  }
0x82: {  	_ =	shalt  }
0x83: {  	_ =	shalt  }
0x84: {  	_ =	shalt  }
0x85: {  	_ =	shalt  }
0x86: {  	_ =	shalt  }
0x87: {  	_ =	shalt  }
.Lfunc_end0:
.L_simem_size_0:
called_computation.1_lowered:
.L_overlay_start_0:
0x88: {  	s2 =	sld [smem:$0x3FD9]  }
0x89: {  	s3 =	sld [smem:$0x3FFE];
	_ =	sdelay $0x1  }
0x8a: {  	s1 =	srdreg.scid  }
0x8b: {  	s0 =	sand.u32 $0x1, s1  }
0x8c: {  	s17 =	sshll.u32 s0, $0xA;
	s2 =	sadd.s32 s3, s2  }
0x8d: {  	s2 =	sadd.s32 s2, s17  }
0x8e: {  	[smem:$0x3FBE] =	sst s2  }
0x8f: {  	_ = 	snop  }
0x90: {  	s2 =	sld [smem:$0x3FD0];
	(tm) =	ssettm $0x1  }
0x91: {  	s18 =	sld [smem:$0x3FFB];
	_ =	sdelay $0x3  }
0x92: {  	_ =	strace s18  }
0x93: {  	s3 =	sld [smem:$0x3FFC];
	_ =	sdelay $0x3  }
0x94: {  	_ =	strace s3  }
0x95: {  	s3 =	sld [smem:$0x3FFD];
	_ =	sdelay $0x3  }
0x96: {  	_ =	strace s3  }
0x97: {  	_ =	strace $0x8FFFFFFF  }
0x98: {  	s19 =	sld [smem:$0x3FDB];
	_ =	sdelay $0x1  }
0x99: {  	s4 =	simm.s32 $_scs_section_size  }
0x9a: {  	s5 =	simm.s32 $_size__tile_overlayer_lowered;
	s6 =	simm.s32 $_tile_overlayer_lowered  }
0x9b: {  	s22 =	simm.s32 $0x1BFF;
	s21 =	sshll.u32 s6, $0x1;
	s3 =	sadd.s32 s4, s19  }
0x9c: {  	s7 =	simm.s32 $0x0;
	s20 =	sshll.u32 s5, $0x1;
	s5 =	sadd.s32 s21, s3  }
0x9d: {  	[timem:s7], [sflag:s22] =	dma.local [hbm:s5], s20  }
0x9e: {  	_ =	swait.ge [sflag:s22], s20  }
0x9f: {  	s4 =	ssub.s32 $0x0, s20;
	[sflag:s22] =	ssyncset.done $0x0  }
0xa0: {  	[sflag:s22] =	ssyncadd.s32 s4;
	_ =	sdelay $0x1  }
0xa1: {  	s23 =	simm.s32 $0x1B8B  }
0xa2: {  	_ =	swait.ge [sflag:s23], $0x1  }
0xa3: {  	[sflag:s23] =	ssyncset.done $0x0  }
0xa4: {  	s25 =	simm.s32 $0x1B8E;
	s24 =	sld [smem:$0x3FFE];
	[sflag:s23] =	ssyncadd.s32 $0xFFFFFFFF  }
0xa5: {  	s26 =	simm.s32 $execute0_lowered;
	[smem:$0x3FD2] =	sst s25  }
0xa6: {  	s5 =	sshll.u32 s26, $0x1;
	_ =	strace $0x80000049;
	[dreg:$0x1] =	wrdreg $0xFFFFFFFF  }
0xa7: {  	s28 =	simm.s32 $_size_execute0_lowered;
	s3 =	sadd.s32 s3, s5;
	[dreg:$0x0] =	wrdreg $0x0  }
0xa8: {  	s5 =	sshll.u32 s28, $0x1;
	[dreg:$0x2] =	wrdreg s3  }
0xa9: {  	[dreg:$0x3] =	wrdreg s5  }
0xaa: {  	[dreg:$0x4] =	wrdreg $0xC0  }
0xab: {  	_ =	task [dreg:s7], $0x5FFFF  }
0xac: {  	[dreg:$0x1] =	wrdreg $0xFFFFFFFF  }
0xad: {  	[dreg:$0x0] =	wrdreg $0x60  }
0xae: {  	[dreg:$0x2] =	wrdreg s24  }
0xaf: {  	[dreg:$0x3] =	wrdreg s2  }
0xb0: {  	[dreg:$0x4] =	wrdreg $0xBC800  }
0xb1: {  	[dreg:$0x5] =	wrdreg $0x9  }
0xb2: {  	_ =	task.clear_ibuf [dreg:s7], $0x6FFFF;
	_ =	strace $0x90000049  }
0xb3: {  	s29 =	simm.s32 $0x9;
	_ =	strace $0x8000004B  }
0xb4: {  	_ =	swait.ge [sflag:s29], $0x1  }
0xb5: {  	[sflag:s29] =	ssyncadd.s32 $0xFFFFFFFF  }
0xb6: {  	_ =	strace $0x9000004B  }
0xb7: {  	_ =	sfence  }
0xb8: {  	s30 =	sld [smem:$0x0];
	_ =	sdelay $0x2  }
0xb9: {  	s31 =	sshll.u32 s1, $0xD;
	s1 =	sshrl.u32 s1, $0x2  }
0xba: {  	s3 =	sand.u32 $0x4000, s31;
	s1 =	sadd.s32 s1, s30  }
0xbb: {  	s0 =	sor.u32 s3, s0;
	s1 =	sshll.u32 s1, $0x11  }
0xbc: {  	s0 =	sor.u32 s1, s0  }
0xbd: {  	s0 =	sadd.s32 $0x8F2B, s0  }
0xbe: {  	[sflag:s0] =	ssyncadd.remote.s32 $0x1  }
0xbf: {  	_ =	sfence.sel $0xFFFF  }
0xc0: {  	[dreg:$0x0] =	wrdreg $0xFFFFFFFF;
	(pc) =	sbr.abs _section_cstart, $3  }
0xc1: {  	[dreg:$0x1] =	wrdreg $0xFFFFFFFF  }
0xc2: {  	_ =	task.clear_ibuf [dreg:s7], $0x2FFFF;
	_ =	strace $0x9FFFFFFF  }
0xc3: {  	(tm) =	ssettm $0x7FFFFFFF  }
tec
execute0_lowered:
.L_overlay_start_1:
0x0: {  	(tag) =	ssettag $0x1  }
0x1: {  	s1 =	rddreg [dreg:$0x0]  }
0x2: {  	s0 =	srdreg.scid;
	s5 =	rddreg [dreg:$0x1]  }
0x3: {  	s13 =	stileid.u32;
	s2 =	rddreg [dreg:$0x2]  }
0x4: {  	s14 =	simm.s32 $0x3;
	s15 =	simm.s32 $0x3C00;
	s18 =	simm.s32 $0x80  }
0x5: {  	s19 =	simm.s32 $0x3C80;
	s20 =	simm.s32 $0x7C80;
	s21 =	simm.s32 $0x1  }
0x6: {  	s22 =	simm.s32 $0x2;
	s28 =	simm.s32 $0x3A00;
	s29 =	simm.s32 $0x3A80  }
0x7: {  	s30 =	simm.s32 $0x10;
	s31 =	simm.s32 $0x0;
	s7 =	smul.u32 $0x2800, s13  }
0x8: {  	s0 =	sand.u32 $0x1, s0;
	s11 =	smul.u32 $0x50000, s13;
	s26 =	sshll.u32 s13, $0x6  }
0x9: {  	s3 =	sshll.u32 s0, $0x4;
	s8 =	smul.u32 $0x28000, s0;
	s0 =	ssub.s32 $0x2, s0  }
0xa: {  	s16 =	sor.u32 $0x1C03, s26;
	s26 =	simm.s32 $0x1280;
	s6 =	sor.u32 s13, s3  }
0xb: {  	s3 =	simm.s32 $0x0;
	s24 =	sshrl.u32 s0, $0x1;
	s25 =	sshrl.u32 s11, $0x2  }
0xc: {  	s4 =	smul.u32 $0x2780, s6;
	[smem:$0x7FF] =	sst s3;
	s23 =	sshll.u32 s6, $0x4  }
0xd: {  	s6 =	smul.u32 $0x500, s6;
	s8 =	sadd.s32 s7, s8;
	s7 =	sadd.s32 s7, s1  }
0xe: {  	s0 =	ssub.s32 s0, s24;
	s17 =	sadd.s32 s25, s2;
	s25 =	simm.s32 $0x2780  }
0xf: {  	_ =	strace $0x8000004A;
	s9 =	sadd.s32 s23, s1;
	s7 =	sadd.s32 $0x3A00, s7  }
0x10: {  	s12 =	smax.u32 s0, $0x1;
	s17 =	sshrl.u32 s17, $0x3;
	s4 =	sshrl.u32 s4, $0x3  }
0x11: {  	s5 =	sadd.s32 s5, s6;
	s6 =	sadd.s32 $0x3800, s9;
	s10 =	sadd.s32 s4, s1  }
0x12: {  	s4 =	sadd.s32 $0x2BA00, s1;
	s1 =	sadd.s32 s8, s1;
	s8 =	sadd.s32 $0x7C200, s10  }
0x13: {  	s9 =	sadd.s32 $0x7C480, s10;
	s10 =	sadd.s32 $0x7C6E0, s10;
	s11 =	sadd.s32 $0x86000, s1  }
.LBB2_1:
0x14: {  	s0 =	simm.s32 $0x1400  }
0x15: {  	[tilespmem:s0], [sflag:$0x3] =	stream.linear.gather [hbm4b:s5+s3], $0x2780, $0x38;
	[tilespmem:$0x1FC80] =	vst v63  }
0x16: {  	_ =	swait.ge [sflag:s14], $0x2780  }
0x17: {  	[sflag:s14] =	ssyncset.done $0x0  }
0x18: {  	[sflag:s14] =	ssyncadd.s32 $0xFFFFD880  }
0x19: {  	[tilespmem:s15], [sflag:$0x3] =	stream.linear.gather [hbm4b:s6+s3], $0x80, $0x38;
	[tilespmem:$0x1FC80] =	vst v63  }
0x1a: {  	_ =	swait.ge [sflag:s14], $0x80  }
0x1b: {  	[sflag:s14] =	ssyncset.done $0x0  }
0x1c: {  	[sflag:s14] =	ssyncadd.s32 $0xFFFFFF80  }
0x1d: {  	[spmem:s17], [sflag:s16] =	dma.local [hbm:s7], $0x2800  }
0x1e: {  	_ =	swait.ge [sflag:s14], $0x2800  }
0x1f: {  	[sflag:s14] =	ssyncset.done $0x0  }
0x20: {  	[sflag:s14] =	ssyncadd.s32 $0xFFFFD800  }
0x21: {  	[bflag:$0x0] =	sbarrier.arrive $0xFFFF  }
0x22: {  	[tilespmem:s3], [sflag:$0x3] =	stream.linear.gather [hbm4b:s8+s3], $0x1400, $0x38;
	[tilespmem:$0x1FC80] =	vst v63  }
0x23: {  	_ =	swait.ge [sflag:s14], $0x1400  }
0x24: {  	[sflag:s14] =	ssyncset.done $0x0  }
0x25: {  	[sflag:s14] =	ssyncadd.s32 $0xFFFFEC00  }
0x26: {  	[tilespmem:s19], [sflag:$0x1] =	stream.indirect.gather [hbm4b:s4+s18], $0x80, s3, s18, $0xb8;
	[tilespmem:$0x1FC80] =	vst v63  }
0x27: {  	s1 =	simm.s32 $0x80  }
0x28: {  	[tilespmem:s20], [sflag:$0x2] =	stream.indirect.gather [hbm4b:s4+s18], $0x80, s1, s18, $0xb8;
	[tilespmem:$0x1FC80] =	vst v63  }
0x29: {  	_ =	swait.ge [sflag:s21], $0x4000  }
0x2a: {  	[sflag:s21] =	ssyncset.done $0x0  }
0x2b: {  	s13 =	simm.s32 $0x1400;
	[sflag:s21] =	ssyncadd.s32 $0xFFFFC000  }
0x2c: {  	[spmem:s2] =	stream.indirect.scatter.add.f32 [tilespmem:s19], [sflag:$0x3], $0x80, s13, s18, $0xb8;
	[tilespmem:$0x1FC80] =	vst v63  }
0x2d: {  	_ =	swait.ge [sflag:s14], $0x4000  }
0x2e: {  	[sflag:s14] =	ssyncset.done $0x0  }
0x2f: {  	s23 =	simm.s32 $0x100;
	[sflag:s14] =	ssyncadd.s32 $0xFFFFC000  }
0x30: {  	[tilespmem:s19], [sflag:$0x1] =	stream.indirect.gather [hbm4b:s4+s18], $0x80, s23, s18, $0xb8;
	[tilespmem:$0x1FC80] =	vst v63  }
0x31: {  	_ =	swait.ge [sflag:s22], $0x4000  }
0x32: {  	[sflag:s22] =	ssyncset.done $0x0  }
0x33: {  	s24 =	simm.s32 $0x1480;
	[sflag:s22] =	ssyncadd.s32 $0xFFFFC000  }
0x34: {  	[spmem:s2] =	stream.indirect.scatter.add.f32 [tilespmem:s20], [sflag:$0x3], $0x80, s24, s18, $0xb8;
	[tilespmem:$0x1FC80] =	vst v63  }
0x35: {  	_ =	swait.ge [sflag:s14], $0x4000  }
0x36: {  	s0 =	simm.s32 $0x800;
	s1 =	simm.s32 $0x100;
	[sflag:s14] =	ssyncset.done $0x0  }
.LBB2_2:
0x37: {  	s13 =	sadd.s32 $0x80, s1  }
0x38: {  	[sflag:s14] =	ssyncadd.s32 $0xFFFFC000;
	s23 =	smov.u32 s0;
	s24 =	sadd.s32 $0x400, s0  }
0x39: {  	[tilespmem:s20], [sflag:$0x2] =	stream.indirect.gather [hbm4b:s4+s18], $0x80, s13, s18, $0xb8;
	[tilespmem:$0x1FC80] =	vst v63  }
0x3a: {  	p0 =	sne.s32 s0, $0x4800;
	_ =	swait.ge [sflag:s21], $0x4000  }
0x3b: {  	[sflag:s21] =	ssyncset.done $0x0  }
0x3c: {  	s0 =	sadd.s32 $0x1400, s1;
	[sflag:s21] =	ssyncadd.s32 $0xFFFFC000  }
0x3d: {  	[spmem:s2] =	stream.indirect.scatter.add.f32 [tilespmem:s19], [sflag:$0x3], $0x80, s0, s18, $0xb8;
	[tilespmem:$0x1FC80] =	vst v63  }
0x3e: {  	_ =	swait.ge [sflag:s14], $0x4000  }
0x3f: {  	[sflag:s14] =	ssyncset.done $0x0  }
0x40: {  	s0 =	sadd.s32 $0x100, s1;
	[sflag:s14] =	ssyncadd.s32 $0xFFFFC000  }
0x41: {  	[tilespmem:s19], [sflag:$0x1] =	stream.indirect.gather [hbm4b:s4+s18], $0x80, s0, s18, $0xb8;
	[tilespmem:$0x1FC80] =	vst v63  }
0x42: {  	_ =	swait.ge [sflag:s22], $0x4000  }
.Ltmp0:
0x43: {  	[sflag:s22] =	ssyncset.done $0x0;
	(pc) =	sbr.rel @p0 .LBB2_2-.Ltmp0, $4  }
0x44: {  	s0 =	sadd.s32 $0x1480, s1;
	[sflag:s22] =	ssyncadd.s32 $0xFFFFC000  }
0x45: {  	[spmem:s2] =	stream.indirect.scatter.add.f32 [tilespmem:s20], [sflag:$0x3], $0x80, s0, s18, $0xb8;
	[tilespmem:$0x1FC80] =	vst v63  }
0x46: {  	_ =	swait.ge [sflag:s14], $0x4000  }
0x47: {  	s1 =	sshra.s32 s23, $0x2;
	s0 =	smov.u32 s24;
	[sflag:s14] =	ssyncset.done $0x0  }
0x48: {  	s0 =	sadd.s32 $0x80, s1;
	[sflag:s14] =	ssyncadd.s32 $0xFFFFC000  }
0x49: {  	[tilespmem:s20], [sflag:$0x2] =	stream.indirect.gather [hbm4b:s4+s18], $0x80, s0, s18, $0xb8;
	[tilespmem:$0x1FC80] =	vst v63  }
0x4a: {  	_ =	swait.ge [sflag:s21], $0x4000  }
0x4b: {  	[sflag:s21] =	ssyncset.done $0x0  }
0x4c: {  	s23 =	sadd.s32 $0x1400, s1;
	[sflag:s21] =	ssyncadd.s32 $0xFFFFC000  }
0x4d: {  	[spmem:s2] =	stream.indirect.scatter.add.f32 [tilespmem:s19], [sflag:$0x3], $0x80, s23, s18, $0xb8;
	[tilespmem:$0x1FC80] =	vst v63  }
0x4e: {  	_ =	swait.ge [sflag:s14], $0x4000  }
0x4f: {  	[sflag:s14] =	ssyncset.done $0x0  }
0x50: {  	s24 =	sadd.s32 $0x100, s1;
	[sflag:s14] =	ssyncadd.s32 $0xFFFFC000  }
0x51: {  	[tilespmem:s19], [sflag:$0x1] =	stream.indirect.gather [hbm4b:s4+s18], $0x80, s24, s18, $0xb8;
	[tilespmem:$0x1FC80] =	vst v63  }
0x52: {  	_ =	swait.ge [sflag:s22], $0x4000  }
0x53: {  	[sflag:s22] =	ssyncset.done $0x0  }
0x54: {  	s13 =	sadd.s32 $0x1480, s1;
	[sflag:s22] =	ssyncadd.s32 $0xFFFFC000  }
0x55: {  	[spmem:s2] =	stream.indirect.scatter.add.f32 [tilespmem:s20], [sflag:$0x3], $0x80, s13, s18, $0xb8;
	[tilespmem:$0x1FC80] =	vst v63  }
0x56: {  	_ =	swait.ge [sflag:s14], $0x4000  }
0x57: {  	[sflag:s14] =	ssyncset.done $0x0  }
0x58: {  	s23 =	simm.s32 $0x1380;
	[sflag:s14] =	ssyncadd.s32 $0xFFFFC000  }
0x59: {  	[tilespmem:s20], [sflag:$0x2] =	stream.indirect.gather [hbm4b:s4+s18], $0x80, s23, s18, $0xb8;
	[tilespmem:$0x1FC80] =	vst v63  }
0x5a: {  	_ =	swait.ge [sflag:s21], $0x4000  }
0x5b: {  	[sflag:s21] =	ssyncset.done $0x0  }
0x5c: {  	s24 =	simm.s32 $0x2700;
	[sflag:s21] =	ssyncadd.s32 $0xFFFFC000  }
0x5d: {  	[spmem:s2] =	stream.indirect.scatter.add.f32 [tilespmem:s19], [sflag:$0x3], $0x80, s24, s18, $0xb8;
	[tilespmem:$0x1FC80] =	vst v63  }
0x5e: {  	_ =	swait.ge [sflag:s14], $0x4000  }
0x5f: {  	[sflag:s14] =	ssyncset.done $0x0  }
0x60: {  	[sflag:s14] =	ssyncadd.s32 $0xFFFFC000  }
0x61: {  	_ =	swait.ge [sflag:s22], $0x4000  }
0x62: {  	[sflag:s22] =	ssyncset.done $0x0  }
0x63: {  	[sflag:s22] =	ssyncadd.s32 $0xFFFFC000  }
0x64: {  	[spmem:s2] =	stream.indirect.scatter.add.f32 [tilespmem:s20], [sflag:$0x3], $0x80, s25, s18, $0xb8;
	[tilespmem:$0x1FC80] =	vst v63  }
0x65: {  	_ =	swait.ge [sflag:s14], $0x4000  }
0x66: {  	[sflag:s14] =	ssyncset.done $0x0  }
0x67: {  	[sflag:s14] =	ssyncadd.s32 $0xFFFFC000  }
0x68: {  	[tilespmem:s3], [sflag:$0x3] =	stream.linear.gather [hbm4b:s9+s3], $0x1300, $0x38;
	[tilespmem:$0x1FC80] =	vst v63  }
0x69: {  	_ =	swait.ge [sflag:s14], $0x1300  }
0x6a: {  	[sflag:s14] =	ssyncset.done $0x0  }
0x6b: {  	[sflag:s14] =	ssyncadd.s32 $0xFFFFED00  }
0x6c: {  	[tilespmem:s19], [sflag:$0x1] =	stream.indirect.gather [hbm4b:s4+s18], $0x80, s3, s18, $0xb8;
	[tilespmem:$0x1FC80] =	vst v63  }
0x6d: {  	s1 =	simm.s32 $0x80  }
0x6e: {  	[tilespmem:s20], [sflag:$0x2] =	stream.indirect.gather [hbm4b:s4+s18], $0x80, s1, s18, $0xb8;
	[tilespmem:$0x1FC80] =	vst v63  }
0x6f: {  	_ =	swait.ge [sflag:s21], $0x4000  }
0x70: {  	[sflag:s21] =	ssyncset.done $0x0  }
0x71: {  	s13 =	simm.s32 $0x2800;
	[sflag:s21] =	ssyncadd.s32 $0xFFFFC000  }
0x72: {  	[spmem:s2] =	stream.indirect.scatter.add.f32 [tilespmem:s19], [sflag:$0x3], $0x80, s13, s18, $0xb8;
	[tilespmem:$0x1FC80] =	vst v63  }
0x73: {  	_ =	swait.ge [sflag:s14], $0x4000  }
0x74: {  	[sflag:s14] =	ssyncset.done $0x0  }
0x75: {  	s23 =	simm.s32 $0x100;
	[sflag:s14] =	ssyncadd.s32 $0xFFFFC000  }
0x76: {  	[tilespmem:s19], [sflag:$0x1] =	stream.indirect.gather [hbm4b:s4+s18], $0x80, s23, s18, $0xb8;
	[tilespmem:$0x1FC80] =	vst v63  }
0x77: {  	_ =	swait.ge [sflag:s22], $0x4000  }
0x78: {  	[sflag:s22] =	ssyncset.done $0x0  }
0x79: {  	s24 =	simm.s32 $0x2880;
	[sflag:s22] =	ssyncadd.s32 $0xFFFFC000  }
0x7a: {  	[spmem:s2] =	stream.indirect.scatter.add.f32 [tilespmem:s20], [sflag:$0x3], $0x80, s24, s18, $0xb8;
	[tilespmem:$0x1FC80] =	vst v63  }
0x7b: {  	_ =	swait.ge [sflag:s14], $0x4000  }
0x7c: {  	s0 =	simm.s32 $0xFFFFC000;
	s1 =	simm.s32 $0xFFFFEF00;
	[sflag:s14] =	ssyncset.done $0x0  }
.LBB2_4:
0x7d: {  	s13 =	sadd.s32 $0x1280, s1  }
0x7e: {  	[sflag:s14] =	ssyncadd.s32 $0xFFFFC000;
	s23 =	smov.u32 s0;
	s24 =	sadd.s32 $0x400, s0  }
0x7f: {  	[tilespmem:s20], [sflag:$0x2] =	stream.indirect.gather [hbm4b:s4+s18], $0x80, s13, s18, $0xb8;
	[tilespmem:$0x1FC80] =	vst v63  }
0x80: {  	p0 =	sne.s32 s0, $0xFFFFFC00;
	_ =	swait.ge [sflag:s21], $0x4000  }
0x81: {  	[sflag:s21] =	ssyncset.done $0x0  }
0x82: {  	s0 =	sadd.s32 $0x3A00, s1;
	[sflag:s21] =	ssyncadd.s32 $0xFFFFC000  }
0x83: {  	[spmem:s2] =	stream.indirect.scatter.add.f32 [tilespmem:s19], [sflag:$0x3], $0x80, s0, s18, $0xb8;
	[tilespmem:$0x1FC80] =	vst v63  }
0x84: {  	_ =	swait.ge [sflag:s14], $0x4000  }
0x85: {  	[sflag:s14] =	ssyncset.done $0x0  }
0x86: {  	s0 =	sadd.s32 $0x1300, s1;
	[sflag:s14] =	ssyncadd.s32 $0xFFFFC000  }
0x87: {  	[tilespmem:s19], [sflag:$0x1] =	stream.indirect.gather [hbm4b:s4+s18], $0x80, s0, s18, $0xb8;
	[tilespmem:$0x1FC80] =	vst v63  }
0x88: {  	_ =	swait.ge [sflag:s22], $0x4000  }
.Ltmp1:
0x89: {  	[sflag:s22] =	ssyncset.done $0x0;
	(pc) =	sbr.rel @p0 .LBB2_4-.Ltmp1, $4  }
0x8a: {  	s0 =	sadd.s32 $0x3A80, s1;
	[sflag:s22] =	ssyncadd.s32 $0xFFFFC000  }
0x8b: {  	[spmem:s2] =	stream.indirect.scatter.add.f32 [tilespmem:s20], [sflag:$0x3], $0x80, s0, s18, $0xb8;
	[tilespmem:$0x1FC80] =	vst v63  }
0x8c: {  	_ =	swait.ge [sflag:s14], $0x4000  }
0x8d: {  	s1 =	sshra.s32 s23, $0x2;
	s0 =	smov.u32 s24;
	[sflag:s14] =	ssyncset.done $0x0  }
0x8e: {  	s0 =	sadd.s32 $0x1280, s1;
	[sflag:s14] =	ssyncadd.s32 $0xFFFFC000  }
0x8f: {  	[tilespmem:s20], [sflag:$0x2] =	stream.indirect.gather [hbm4b:s4+s18], $0x80, s0, s18, $0xb8;
	[tilespmem:$0x1FC80] =	vst v63  }
0x90: {  	_ =	swait.ge [sflag:s21], $0x4000  }
0x91: {  	[sflag:s21] =	ssyncset.done $0x0  }
0x92: {  	s13 =	sadd.s32 $0x3A00, s1;
	[sflag:s21] =	ssyncadd.s32 $0xFFFFC000  }
0x93: {  	[spmem:s2] =	stream.indirect.scatter.add.f32 [tilespmem:s19], [sflag:$0x3], $0x80, s13, s18, $0xb8;
	[tilespmem:$0x1FC80] =	vst v63  }
0x94: {  	_ =	swait.ge [sflag:s14], $0x4000  }
0x95: {  	[sflag:s14] =	ssyncset.done $0x0  }
0x96: {  	s23 =	sadd.s32 $0x1300, s1;
	[sflag:s14] =	ssyncadd.s32 $0xFFFFC000  }
0x97: {  	[tilespmem:s19], [sflag:$0x1] =	stream.indirect.gather [hbm4b:s4+s18], $0x80, s23, s18, $0xb8;
	[tilespmem:$0x1FC80] =	vst v63  }
0x98: {  	_ =	swait.ge [sflag:s22], $0x4000  }
0x99: {  	[sflag:s22] =	ssyncset.done $0x0  }
0x9a: {  	s24 =	sadd.s32 $0x3A80, s1;
	[sflag:s22] =	ssyncadd.s32 $0xFFFFC000  }
0x9b: {  	[spmem:s2] =	stream.indirect.scatter.add.f32 [tilespmem:s20], [sflag:$0x3], $0x80, s24, s18, $0xb8;
	[tilespmem:$0x1FC80] =	vst v63  }
0x9c: {  	_ =	swait.ge [sflag:s14], $0x4000  }
0x9d: {  	[sflag:s14] =	ssyncset.done $0x0  }
0x9e: {  	[sflag:s14] =	ssyncadd.s32 $0xFFFFC000  }
0x9f: {  	[tilespmem:s20], [sflag:$0x2] =	stream.indirect.gather [hbm4b:s4+s18], $0x80, s26, s18, $0xb8;
	[tilespmem:$0x1FC80] =	vst v63  }
0xa0: {  	_ =	swait.ge [sflag:s21], $0x4000  }
0xa1: {  	[sflag:s21] =	ssyncset.done $0x0  }
0xa2: {  	[sflag:s21] =	ssyncadd.s32 $0xFFFFC000  }
0xa3: {  	[spmem:s2] =	stream.indirect.scatter.add.f32 [tilespmem:s19], [sflag:$0x3], $0x80, s28, s18, $0xb8;
	[tilespmem:$0x1FC80] =	vst v63  }
0xa4: {  	_ =	swait.ge [sflag:s14], $0x4000  }
0xa5: {  	[sflag:s14] =	ssyncset.done $0x0  }
0xa6: {  	[sflag:s14] =	ssyncadd.s32 $0xFFFFC000  }
0xa7: {  	_ =	swait.ge [sflag:s22], $0x4000  }
0xa8: {  	[sflag:s22] =	ssyncset.done $0x0  }
0xa9: {  	[sflag:s22] =	ssyncadd.s32 $0xFFFFC000  }
0xaa: {  	[spmem:s2] =	stream.indirect.scatter.add.f32 [tilespmem:s20], [sflag:$0x3], $0x80, s29, s18, $0xb8;
	[tilespmem:$0x1FC80] =	vst v63  }
0xab: {  	_ =	swait.ge [sflag:s14], $0x4000  }
0xac: {  	[sflag:s14] =	ssyncset.done $0x0  }
0xad: {  	[sflag:s14] =	ssyncadd.s32 $0xFFFFC000  }
0xae: {  	[tilespmem:s3], [sflag:$0x3] =	stream.linear.gather [hbm4b:s10+s3], $0x10, $0x38;
	[tilespmem:$0x1FC80] =	vst v63  }
0xaf: {  	_ =	swait.ge [sflag:s14], $0x10  }
0xb0: {  	[sflag:s14] =	ssyncset.done $0x0  }
0xb1: {  	[sflag:s14] =	ssyncadd.s32 $0xFFFFFFF0  }
0xb2: {  	[tilespmem:s19], [sflag:$0x1] =	stream.indirect.gather [hbm4b:s4+s30], $0x80, s3, s30, $0xb8;
	[tilespmem:$0x1FC80] =	vst v63  }
0xb3: {  	_ =	swait.ge [sflag:s21], $0x800  }
0xb4: {  	[sflag:s21] =	ssyncset.done $0x0  }
0xb5: {  	[sflag:s21] =	ssyncadd.s32 $0xFFFFF800  }
0xb6: {  	[spmem:s2] =	stream.indirect.scatter.add.f32 [tilespmem:s19], [sflag:$0x3], $0x80, s15, s30, $0xb8;
	[tilespmem:$0x1FC80] =	vst v63  }
0xb7: {  	_ =	swait.ge [sflag:s14], $0x800  }
0xb8: {  	s31 =	sadd.s32 $0x1, s31;
	[sflag:s14] =	ssyncset.done $0x0  }
0xb9: {  	p0 =	sne.s32 s31, s12;
	[sflag:s14] =	ssyncadd.s32 $0xFFFFF800  }
.Ltmp2:
0xba: {  	[bflag:$0x0] =	sbarrier.arrive $0xFFFF;
	(pc) =	sbr.rel @p0 .LBB2_1-.Ltmp2, $4  }
0xbb: {  	[hbm:s11], [sflag:s16] =	dma.local [spmem:s17], $0x2800  }
0xbc: {  	_ =	swait.ge [sflag:s14], $0x2800  }
0xbd: {  	[sflag:s14] =	ssyncset.done $0x0  }
0xbe: {  	[sflag:s14] =	ssyncadd.s32 $0xFFFFD800  }
0xbf: {  	_ =	sfence.sel $0x180000  }
0xc0: {  	[bflag:$0x0] =	sbarrier.arrive $0xFFFF  }
0xc1: {  	_ =	strace $0x9000004A  }
0xc2: {  	s0 =	stileid.u32;
	[bflag:$0x2] =	sbarrier.arrive $0xFFFF  }
0xc3: {  	p0 =	sne.s32 s0, $0x0;
	s0 =	rddreg [dreg:$0x3]  }
0xc4: {  	s0 =	sadd.s32 @!p0 $0x100000, s0  }
0xc5: {  	[sflag:s0] =	ssyncadd.tile.s32 @!p0 $0x1;
	_ =	shalt  }
.Lfunc_end2:
_tile_overlayer_lowered:
.L_overlay_start_2:
0xc6: {  	(tag) =	ssettag $0x2  }
0xc7: {  	s0 =	rddreg [dreg:$0x0];
	s2 =	stileid.u32  }
0xc8: {  	s1 =	rddreg [dreg:$0x1];
	p0 =	sne.s32 s2, $0x0  }
0xc9: {  	s3 =	rddreg [dreg:$0x2];
	[bflag:$0x3] =	sbarrier.arrive $0xFFFF;
	s2 =	simm.s32 @!p0 $0x1C03  }
0xca: {  	[timem:s3], [sflag:s2] =	dma.local @!p0 [hbm:s0], s1  }
0xcb: {  	s0 =	simm.s32 @!p0 $0x3  }
0xcc: {  	_ =	swait.ge @!p0 [sflag:s0], s1  }
0xcd: {  	s1 =	ssub.s32 @!p0 $0x0, s1;
	[sflag:s0] =	ssyncset.done @!p0 $0x0  }
0xce: {  	[sflag:s0] =	ssyncadd.s32 @!p0 s1  }
0xcf: {  	[bflag:$0x3] =	sbarrier.arrive $0xFFFF  }
0xd0: {  	_ =	shalt  }

// kernel: kernel.17.cloned.1.call-start
scs
__scs_entry_jumppad:
0x0: {  	(pc) =	sbr.rel $0x88, $3  }
0x1: {  	(tag) =	ssettag $0x0;
	lr =	simm.s32 $0x1  }
0x2: {  	[smem:$0x3F97] =	sst lr;
	_ =	strace $0xD0000000  }
0x3: {  	_ = 	snop  }
0x4: {  	_ = 	snop  }
0x5: {  	_ = 	snop  }
0x6: {  	_ = 	snop  }
0x7: {  	_ = 	snop  }
__scs_overlays_trampoline_lowered:
0x8: {  	[smem:$0x3FA6] =	sst s0  }
0x9: {  	[smem:$0x3FA7] =	sst s1  }
0xa: {  	[smem:$0x3FA8] =	sst s2  }
0xb: {  	[smem:$0x3FA9] =	sst s3  }
0xc: {  	[smem:$0x3FAA] =	sst s4  }
0xd: {  	[smem:$0x3FAB] =	sst s5  }
0xe: {  	[smem:$0x3FAC] =	sst s6  }
0xf: {  	[smem:$0x3FAD] =	sst s7  }
0x10: {  	[smem:$0x3FAE] =	sst s8  }
0x11: {  	[smem:$0x3FAF] =	sst s9;
	s0 =	simm.s32 @!p0 $0x0  }
0x12: {  	s1 =	sld [smem:$0x3F95];
	s0 =	simm.s32 @p0 $0x1  }
0x13: {  	[smem:$0x3FB0] =	sst s0;
	s0 =	simm.s32 @!p1 $0x0  }
0x14: {  	s2 =	sld [smem:$0x3F94];
	s0 =	simm.s32 @p1 $0x1  }
0x15: {  	[smem:$0x3FB1] =	sst s0;
	s0 =	simm.s32 @!p2 $0x0  }
0x16: {  	s3 =	sld [smem:$0x3FDB];
	s0 =	simm.s32 @p2 $0x1  }
0x17: {  	s4 =	simm.s32 $0x1BF5;
	[smem:$0x3FB3] =	sst s0  }
0x18: {  	s0 =	sld [smem:$0x3F96];
	_ =	swait.ge [sflag:s4], $0x0  }
0x19: {  	s7 =	sld [smem:$0x3F97]  }
0x1a: {  	s8 =	sadd.s32 $0xFFFFE003, lr  }
0x1b: {  	s9 =	sadd.s32 $0xFFFFFEF7, lr;
	s5 =	simm.s32 $0xFFFFFFFF;
	p2 =	slt.u32 s8, $0xFFFFF086  }
0x1c: {  	p1 =	slt.u32 s9, $0xF7A;
	s5 =	simm.s32 @!p2 $0x0  }
0x1d: {  	s5 =	simm.s32 @p1 $0x1;
	p0 =	seq.s32 s7, s2  }
0x1e: {  	s7 =	smul.u32 @!p0 $0xF7A, s2;
	p2 =	seq.s32 @!p0 s5, $0x0  }
0x1f: {  	s9 =	smul.u32 $0xF7A, s1;
	s8 =	simm.s32 @!p0 $0x1BF5;
	p2 =	por !p2, p0  }
0x20: {  	[sflag:s8] =	ssyncset.s32 @!p0 $0xFFFFF086;
	s6 =	sadd.s32 @!p0 s3, s7;
	s7 =	simm.s32 @!p0 $0x108  }
0x21: {  	s3 =	sadd.s32 s3, s9;
	s6 =	sadd.s32 @!p0 $0x88, s6;
	s7 =	simm.s32 @p2 $0x1082  }
0x22: {  	[simem:s7], [sflag:s8] =	dma.local @!p0 [hbm:s6], $0xF7A  }
0x23: {  	s9 =	sor.u32 $0xD0000000, s2;
	s6 =	simm.s32 $0x108;
	_ =	swait.ge @!p0 [sflag:s8], $0x0  }
0x24: {  	s3 =	sadd.s32 $0x88, s3;
	s6 =	simm.s32 @!p1 $0x1082;
	[sflag:s4] =	ssyncset.s32 $0xFFFFF086  }
0x25: {  	[simem:s6], [sflag:s4] =	dma.local [hbm:s3], $0xF7A  }
0x26: {  	[smem:$0x3F97] =	sst s1;
	(tag) =	ssettag s2;
	_ =	strace s9  }
0x27: {  	s1 =	sld [smem:$0x3FA7]  }
0x28: {  	s2 =	sld [smem:$0x3FA8]  }
0x29: {  	s4 =	sld [smem:$0x3FAA]  }
0x2a: {  	p0 =	seq.s32 s5, $0x0;
	s5 =	sld [smem:$0x3FAB]  }
0x2b: {  	s6 =	sld [smem:$0x3FAC]  }
0x2c: {  	s7 =	sld [smem:$0x3FAD]  }
0x2d: {  	s3 =	simm.s32 $0x108;
	s8 =	sld [smem:$0x3FAE]  }
0x2e: {  	s3 =	simm.s32 @!p0 $0x1082;
	s9 =	sld [smem:$0x3FAF]  }
0x2f: {  	lr =	sadd.s32 s0, s3;
	s0 =	sld [smem:$0x3FA6]  }
0x30: {  	s3 =	sld [smem:$0x3FA9]  }
0x31: {  	[smem:$0x3FB2] =	sst s10  }
0x32: {  	s10 =	sld [smem:$0x3FB0];
	_ =	sdelay $0x3  }
0x33: {  	p0 =	seq.s32 s10, $0x1;
	s10 =	sld [smem:$0x3FB2];
	_ =	sdelay $0x3  }
0x34: {  	[smem:$0x3FB2] =	sst s10  }
0x35: {  	s10 =	sld [smem:$0x3FB1];
	_ =	sdelay $0x3  }
0x36: {  	p1 =	seq.s32 s10, $0x1;
	s10 =	sld [smem:$0x3FB2];
	_ =	sdelay $0x3  }
0x37: {  	[smem:$0x3FB2] =	sst s10  }
0x38: {  	s10 =	sld [smem:$0x3FB3]  }
0x39: {  	_ = 	snop;
	(pc) =	sbr.ind lr, $3  }
0x3a: {  	_ = 	snop  }
0x3b: {  	_ = 	snop  }
0x3c: {  	p2 =	seq.s32 s10, $0x1;
	s10 =	sld [smem:$0x3FB2]  }
0x3d: {  	_ =	shalt  }
0x3e: {  	_ =	shalt  }
0x3f: {  	_ =	shalt  }
0x40: {  	_ =	shalt  }
0x41: {  	_ =	shalt  }
0x42: {  	_ =	shalt  }
0x43: {  	_ =	shalt  }
0x44: {  	_ =	shalt  }
0x45: {  	_ =	shalt  }
0x46: {  	_ =	shalt  }
0x47: {  	_ =	shalt  }
0x48: {  	_ =	shalt  }
0x49: {  	_ =	shalt  }
0x4a: {  	_ =	shalt  }
0x4b: {  	_ =	shalt  }
0x4c: {  	_ =	shalt  }
0x4d: {  	_ =	shalt  }
0x4e: {  	_ =	shalt  }
0x4f: {  	_ =	shalt  }
0x50: {  	_ =	shalt  }
0x51: {  	_ =	shalt  }
0x52: {  	_ =	shalt  }
0x53: {  	_ =	shalt  }
0x54: {  	_ =	shalt  }
0x55: {  	_ =	shalt  }
0x56: {  	_ =	shalt  }
0x57: {  	_ =	shalt  }
0x58: {  	_ =	shalt  }
0x59: {  	_ =	shalt  }
0x5a: {  	_ =	shalt  }
0x5b: {  	_ =	shalt  }
0x5c: {  	_ =	shalt  }
0x5d: {  	_ =	shalt  }
0x5e: {  	_ =	shalt  }
0x5f: {  	_ =	shalt  }
0x60: {  	_ =	shalt  }
0x61: {  	_ =	shalt  }
0x62: {  	_ =	shalt  }
0x63: {  	_ =	shalt  }
0x64: {  	_ =	shalt  }
0x65: {  	_ =	shalt  }
0x66: {  	_ =	shalt  }
0x67: {  	_ =	shalt  }
0x68: {  	_ =	shalt  }
0x69: {  	_ =	shalt  }
0x6a: {  	_ =	shalt  }
0x6b: {  	_ =	shalt  }
0x6c: {  	_ =	shalt  }
0x6d: {  	_ =	shalt  }
0x6e: {  	_ =	shalt  }
0x6f: {  	_ =	shalt  }
0x70: {  	_ =	shalt  }
0x71: {  	_ =	shalt  }
0x72: {  	_ =	shalt  }
0x73: {  	_ =	shalt  }
0x74: {  	_ =	shalt  }
0x75: {  	_ =	shalt  }
0x76: {  	_ =	shalt  }
0x77: {  	_ =	shalt  }
0x78: {  	_ =	shalt  }
0x79: {  	_ =	shalt  }
0x7a: {  	_ =	shalt  }
0x7b: {  	_ =	shalt  }
0x7c: {  	_ =	shalt  }
0x7d: {  	_ =	shalt  }
0x7e: {  	_ =	shalt  }
0x7f: {  	_ =	shalt  }
0x80: {  	_ =	shalt  }
0x81: {  	_ =	shalt  }
0x82: {  	_ =	shalt  }
0x83: {  	_ =	shalt  }
0x84: {  	_ =	shalt  }
0x85: {  	_ =	shalt  }
0x86: {  	_ =	shalt  }
0x87: {  	_ =	shalt  }
.Lfunc_end0:
.L_simem_size_0:
called_computation.2_lowered:
.L_overlay_start_0:
0x88: {  	s2 =	sld [smem:$0x3FD9]  }
0x89: {  	s3 =	sld [smem:$0x3FFE];
	_ =	sdelay $0x1  }
0x8a: {  	s1 =	srdreg.scid  }
0x8b: {  	s0 =	sand.u32 $0x1, s1  }
0x8c: {  	s17 =	sshll.u32 s0, $0xA;
	s2 =	sadd.s32 s3, s2  }
0x8d: {  	s2 =	sadd.s32 s2, s17  }
0x8e: {  	[smem:$0x3FBE] =	sst s2  }
0x8f: {  	_ = 	snop  }
0x90: {  	s2 =	sld [smem:$0x3FD0];
	(tm) =	ssettm $0x1  }
0x91: {  	s18 =	sld [smem:$0x3FFB];
	_ =	sdelay $0x3  }
0x92: {  	_ =	strace s18  }
0x93: {  	s3 =	sld [smem:$0x3FFC];
	_ =	sdelay $0x3  }
0x94: {  	_ =	strace s3  }
0x95: {  	s3 =	sld [smem:$0x3FFD];
	_ =	sdelay $0x3  }
0x96: {  	_ =	strace s3  }
0x97: {  	_ =	strace $0x8FFFFFFF  }
0x98: {  	s19 =	sld [smem:$0x3FDB];
	_ =	sdelay $0x1  }
0x99: {  	s4 =	simm.s32 $_scs_section_size  }
0x9a: {  	s5 =	simm.s32 $_size__tile_overlayer_lowered;
	s6 =	simm.s32 $_tile_overlayer_lowered  }
0x9b: {  	s22 =	simm.s32 $0x1BFF;
	s21 =	sshll.u32 s6, $0x1;
	s3 =	sadd.s32 s4, s19  }
0x9c: {  	s7 =	simm.s32 $0x0;
	s20 =	sshll.u32 s5, $0x1;
	s5 =	sadd.s32 s21, s3  }
0x9d: {  	[timem:s7], [sflag:s22] =	dma.local [hbm:s5], s20  }
0x9e: {  	_ =	swait.ge [sflag:s22], s20  }
0x9f: {  	s4 =	ssub.s32 $0x0, s20;
	[sflag:s22] =	ssyncset.done $0x0  }
0xa0: {  	[sflag:s22] =	ssyncadd.s32 s4;
	_ =	sdelay $0x1  }
0xa1: {  	s23 =	simm.s32 $0x1B8B  }
0xa2: {  	_ =	swait.ge [sflag:s23], $0x1  }
0xa3: {  	[sflag:s23] =	ssyncset.done $0x0  }
0xa4: {  	s25 =	simm.s32 $0x1B8E;
	s24 =	sld [smem:$0x3FFE];
	[sflag:s23] =	ssyncadd.s32 $0xFFFFFFFF  }
0xa5: {  	s26 =	simm.s32 $execute0_lowered;
	[smem:$0x3FD2] =	sst s25  }
0xa6: {  	s5 =	sshll.u32 s26, $0x1;
	_ =	strace $0x8000004C;
	[dreg:$0x1] =	wrdreg $0xFFFFFFFF  }
0xa7: {  	s28 =	simm.s32 $_size_execute0_lowered;
	s3 =	sadd.s32 s3, s5;
	[dreg:$0x0] =	wrdreg $0x0  }
0xa8: {  	s5 =	sshll.u32 s28, $0x1;
	[dreg:$0x2] =	wrdreg s3  }
0xa9: {  	[dreg:$0x3] =	wrdreg s5  }
0xaa: {  	[dreg:$0x4] =	wrdreg $0xC0  }
0xab: {  	_ =	task [dreg:s7], $0x5FFFF  }
0xac: {  	[dreg:$0x1] =	wrdreg $0xFFFFFFFF  }
0xad: {  	[dreg:$0x0] =	wrdreg $0x60  }
0xae: {  	[dreg:$0x2] =	wrdreg s24  }
0xaf: {  	[dreg:$0x3] =	wrdreg s2  }
0xb0: {  	[dreg:$0x4] =	wrdreg $0xBC800  }
0xb1: {  	[dreg:$0x5] =	wrdreg $0x9  }
0xb2: {  	_ =	task.clear_ibuf [dreg:s7], $0x6FFFF;
	_ =	strace $0x9000004C  }
0xb3: {  	s29 =	simm.s32 $0x9;
	_ =	strace $0x8000004E  }
0xb4: {  	_ =	swait.ge [sflag:s29], $0x1  }
0xb5: {  	[sflag:s29] =	ssyncadd.s32 $0xFFFFFFFF  }
0xb6: {  	_ =	strace $0x9000004E  }
0xb7: {  	_ =	sfence  }
0xb8: {  	s30 =	sld [smem:$0x0];
	_ =	sdelay $0x2  }
0xb9: {  	s31 =	sshll.u32 s1, $0xD;
	s1 =	sshrl.u32 s1, $0x2  }
0xba: {  	s3 =	sand.u32 $0x4000, s31;
	s1 =	sadd.s32 s1, s30  }
0xbb: {  	s0 =	sor.u32 s3, s0;
	s1 =	sshll.u32 s1, $0x11  }
0xbc: {  	s0 =	sor.u32 s1, s0  }
0xbd: {  	s0 =	sadd.s32 $0x8F2B, s0  }
0xbe: {  	[sflag:s0] =	ssyncadd.remote.s32 $0x1  }
0xbf: {  	_ =	sfence.sel $0xFFFF  }
0xc0: {  	[dreg:$0x0] =	wrdreg $0xFFFFFFFF;
	(pc) =	sbr.abs _section_cstart, $3  }
0xc1: {  	[dreg:$0x1] =	wrdreg $0xFFFFFFFF  }
0xc2: {  	_ =	task.clear_ibuf [dreg:s7], $0x2FFFF;
	_ =	strace $0x9FFFFFFF  }
0xc3: {  	(tm) =	ssettm $0x7FFFFFFF  }
tec
execute0_lowered:
.L_overlay_start_1:
0x0: {  	(tag) =	ssettag $0x1  }
0x1: {  	s1 =	rddreg [dreg:$0x0]  }
0x2: {  	s0 =	srdreg.scid;
	s5 =	rddreg [dreg:$0x1]  }
0x3: {  	s13 =	stileid.u32;
	s2 =	rddreg [dreg:$0x2]  }
0x4: {  	s14 =	simm.s32 $0x3;
	s15 =	simm.s32 $0x3C00;
	s18 =	simm.s32 $0x80  }
0x5: {  	s19 =	simm.s32 $0x3C80;
	s20 =	simm.s32 $0x7C80;
	s21 =	simm.s32 $0x1  }
0x6: {  	s22 =	simm.s32 $0x2;
	s28 =	simm.s32 $0x3A00;
	s29 =	simm.s32 $0x3A80  }
0x7: {  	s30 =	simm.s32 $0x10;
	s31 =	simm.s32 $0x0;
	s7 =	smul.u32 $0x2800, s13  }
0x8: {  	s0 =	sand.u32 $0x1, s0;
	s11 =	smul.u32 $0x50000, s13;
	s26 =	sshll.u32 s13, $0x6  }
0x9: {  	s3 =	sshll.u32 s0, $0x4;
	s8 =	smul.u32 $0x28000, s0;
	s0 =	ssub.s32 $0x2, s0  }
0xa: {  	s16 =	sor.u32 $0x1C03, s26;
	s26 =	simm.s32 $0x1280;
	s6 =	sor.u32 s13, s3  }
0xb: {  	s3 =	simm.s32 $0x0;
	s24 =	sshrl.u32 s0, $0x1;
	s25 =	sshrl.u32 s11, $0x2  }
0xc: {  	s4 =	smul.u32 $0x2780, s6;
	[smem:$0x7FF] =	sst s3;
	s23 =	sshll.u32 s6, $0x4  }
0xd: {  	s6 =	smul.u32 $0x500, s6;
	s8 =	sadd.s32 s7, s8;
	s7 =	sadd.s32 s7, s1  }
0xe: {  	s0 =	ssub.s32 s0, s24;
	s17 =	sadd.s32 s25, s2;
	s25 =	simm.s32 $0x2780  }
0xf: {  	_ =	strace $0x8000004D;
	s9 =	sadd.s32 s23, s1;
	s7 =	sadd.s32 $0x3A00, s7  }
0x10: {  	s12 =	smax.u32 s0, $0x1;
	s17 =	sshrl.u32 s17, $0x3;
	s4 =	sshrl.u32 s4, $0x3  }
0x11: {  	s5 =	sadd.s32 s5, s6;
	s6 =	sadd.s32 $0x3800, s9;
	s10 =	sadd.s32 s4, s1  }
0x12: {  	s4 =	sadd.s32 $0x2BA00, s1;
	s1 =	sadd.s32 s8, s1;
	s8 =	sadd.s32 $0x7C200, s10  }
0x13: {  	s9 =	sadd.s32 $0x7C480, s10;
	s10 =	sadd.s32 $0x7C6E0, s10;
	s11 =	sadd.s32 $0xAE000, s1  }
.LBB2_1:
0x14: {  	s0 =	simm.s32 $0x1400  }
0x15: {  	[tilespmem:s0], [sflag:$0x3] =	stream.linear.gather [hbm4b:s5+s3], $0x2780, $0x38;
	[tilespmem:$0x1FC80] =	vst v63  }
0x16: {  	_ =	swait.ge [sflag:s14], $0x2780  }
0x17: {  	[sflag:s14] =	ssyncset.done $0x0  }
0x18: {  	[sflag:s14] =	ssyncadd.s32 $0xFFFFD880  }
0x19: {  	[tilespmem:s15], [sflag:$0x3] =	stream.linear.gather [hbm4b:s6+s3], $0x80, $0x38;
	[tilespmem:$0x1FC80] =	vst v63  }
0x1a: {  	_ =	swait.ge [sflag:s14], $0x80  }
0x1b: {  	[sflag:s14] =	ssyncset.done $0x0  }
0x1c: {  	[sflag:s14] =	ssyncadd.s32 $0xFFFFFF80  }
0x1d: {  	[spmem:s17], [sflag:s16] =	dma.local [hbm:s7], $0x2800  }
0x1e: {  	_ =	swait.ge [sflag:s14], $0x2800  }
0x1f: {  	[sflag:s14] =	ssyncset.done $0x0  }
0x20: {  	[sflag:s14] =	ssyncadd.s32 $0xFFFFD800  }
0x21: {  	[bflag:$0x0] =	sbarrier.arrive $0xFFFF  }
0x22: {  	[tilespmem:s3], [sflag:$0x3] =	stream.linear.gather [hbm4b:s8+s3], $0x1400, $0x38;
	[tilespmem:$0x1FC80] =	vst v63  }
0x23: {  	_ =	swait.ge [sflag:s14], $0x1400  }
0x24: {  	[sflag:s14] =	ssyncset.done $0x0  }
0x25: {  	[sflag:s14] =	ssyncadd.s32 $0xFFFFEC00  }
0x26: {  	[tilespmem:s19], [sflag:$0x1] =	stream.indirect.gather [hbm4b:s4+s18], $0x80, s3, s18, $0xb8;
	[tilespmem:$0x1FC80] =	vst v63  }
0x27: {  	s1 =	simm.s32 $0x80  }
0x28: {  	[tilespmem:s20], [sflag:$0x2] =	stream.indirect.gather [hbm4b:s4+s18], $0x80, s1, s18, $0xb8;
	[tilespmem:$0x1FC80] =	vst v63  }
0x29: {  	_ =	swait.ge [sflag:s21], $0x4000  }
0x2a: {  	[sflag:s21] =	ssyncset.done $0x0  }
0x2b: {  	s13 =	simm.s32 $0x1400;
	[sflag:s21] =	ssyncadd.s32 $0xFFFFC000  }
0x2c: {  	[spmem:s2] =	stream.indirect.scatter.add.f32 [tilespmem:s19], [sflag:$0x3], $0x80, s13, s18, $0xb8;
	[tilespmem:$0x1FC80] =	vst v63  }
0x2d: {  	_ =	swait.ge [sflag:s14], $0x4000  }
0x2e: {  	[sflag:s14] =	ssyncset.done $0x0  }
0x2f: {  	s23 =	simm.s32 $0x100;
	[sflag:s14] =	ssyncadd.s32 $0xFFFFC000  }
0x30: {  	[tilespmem:s19], [sflag:$0x1] =	stream.indirect.gather [hbm4b:s4+s18], $0x80, s23, s18, $0xb8;
	[tilespmem:$0x1FC80] =	vst v63  }
0x31: {  	_ =	swait.ge [sflag:s22], $0x4000  }
0x32: {  	[sflag:s22] =	ssyncset.done $0x0  }
0x33: {  	s24 =	simm.s32 $0x1480;
	[sflag:s22] =	ssyncadd.s32 $0xFFFFC000  }
0x34: {  	[spmem:s2] =	stream.indirect.scatter.add.f32 [tilespmem:s20], [sflag:$0x3], $0x80, s24, s18, $0xb8;
	[tilespmem:$0x1FC80] =	vst v63  }
0x35: {  	_ =	swait.ge [sflag:s14], $0x4000  }
0x36: {  	s0 =	simm.s32 $0x800;
	s1 =	simm.s32 $0x100;
	[sflag:s14] =	ssyncset.done $0x0  }
.LBB2_2:
0x37: {  	s13 =	sadd.s32 $0x80, s1  }
0x38: {  	[sflag:s14] =	ssyncadd.s32 $0xFFFFC000;
	s23 =	smov.u32 s0;
	s24 =	sadd.s32 $0x400, s0  }
0x39: {  	[tilespmem:s20], [sflag:$0x2] =	stream.indirect.gather [hbm4b:s4+s18], $0x80, s13, s18, $0xb8;
	[tilespmem:$0x1FC80] =	vst v63  }
0x3a: {  	p0 =	sne.s32 s0, $0x4800;
	_ =	swait.ge [sflag:s21], $0x4000  }
0x3b: {  	[sflag:s21] =	ssyncset.done $0x0  }
0x3c: {  	s0 =	sadd.s32 $0x1400, s1;
	[sflag:s21] =	ssyncadd.s32 $0xFFFFC000  }
0x3d: {  	[spmem:s2] =	stream.indirect.scatter.add.f32 [tilespmem:s19], [sflag:$0x3], $0x80, s0, s18, $0xb8;
	[tilespmem:$0x1FC80] =	vst v63  }
0x3e: {  	_ =	swait.ge [sflag:s14], $0x4000  }
0x3f: {  	[sflag:s14] =	ssyncset.done $0x0  }
0x40: {  	s0 =	sadd.s32 $0x100, s1;
	[sflag:s14] =	ssyncadd.s32 $0xFFFFC000  }
0x41: {  	[tilespmem:s19], [sflag:$0x1] =	stream.indirect.gather [hbm4b:s4+s18], $0x80, s0, s18, $0xb8;
	[tilespmem:$0x1FC80] =	vst v63  }
0x42: {  	_ =	swait.ge [sflag:s22], $0x4000  }
.Ltmp0:
0x43: {  	[sflag:s22] =	ssyncset.done $0x0;
	(pc) =	sbr.rel @p0 .LBB2_2-.Ltmp0, $4  }
0x44: {  	s0 =	sadd.s32 $0x1480, s1;
	[sflag:s22] =	ssyncadd.s32 $0xFFFFC000  }
0x45: {  	[spmem:s2] =	stream.indirect.scatter.add.f32 [tilespmem:s20], [sflag:$0x3], $0x80, s0, s18, $0xb8;
	[tilespmem:$0x1FC80] =	vst v63  }
0x46: {  	_ =	swait.ge [sflag:s14], $0x4000  }
0x47: {  	s1 =	sshra.s32 s23, $0x2;
	s0 =	smov.u32 s24;
	[sflag:s14] =	ssyncset.done $0x0  }
0x48: {  	s0 =	sadd.s32 $0x80, s1;
	[sflag:s14] =	ssyncadd.s32 $0xFFFFC000  }
0x49: {  	[tilespmem:s20], [sflag:$0x2] =	stream.indirect.gather [hbm4b:s4+s18], $0x80, s0, s18, $0xb8;
	[tilespmem:$0x1FC80] =	vst v63  }
0x4a: {  	_ =	swait.ge [sflag:s21], $0x4000  }
0x4b: {  	[sflag:s21] =	ssyncset.done $0x0  }
0x4c: {  	s23 =	sadd.s32 $0x1400, s1;
	[sflag:s21] =	ssyncadd.s32 $0xFFFFC000  }
0x4d: {  	[spmem:s2] =	stream.indirect.scatter.add.f32 [tilespmem:s19], [sflag:$0x3], $0x80, s23, s18, $0xb8;
	[tilespmem:$0x1FC80] =	vst v63  }
0x4e: {  	_ =	swait.ge [sflag:s14], $0x4000  }
0x4f: {  	[sflag:s14] =	ssyncset.done $0x0  }
0x50: {  	s24 =	sadd.s32 $0x100, s1;
	[sflag:s14] =	ssyncadd.s32 $0xFFFFC000  }
0x51: {  	[tilespmem:s19], [sflag:$0x1] =	stream.indirect.gather [hbm4b:s4+s18], $0x80, s24, s18, $0xb8;
	[tilespmem:$0x1FC80] =	vst v63  }
0x52: {  	_ =	swait.ge [sflag:s22], $0x4000  }
0x53: {  	[sflag:s22] =	ssyncset.done $0x0  }
0x54: {  	s13 =	sadd.s32 $0x1480, s1;
	[sflag:s22] =	ssyncadd.s32 $0xFFFFC000  }
0x55: {  	[spmem:s2] =	stream.indirect.scatter.add.f32 [tilespmem:s20], [sflag:$0x3], $0x80, s13, s18, $0xb8;
	[tilespmem:$0x1FC80] =	vst v63  }
0x56: {  	_ =	swait.ge [sflag:s14], $0x4000  }
0x57: {  	[sflag:s14] =	ssyncset.done $0x0  }
0x58: {  	s23 =	simm.s32 $0x1380;
	[sflag:s14] =	ssyncadd.s32 $0xFFFFC000  }
0x59: {  	[tilespmem:s20], [sflag:$0x2] =	stream.indirect.gather [hbm4b:s4+s18], $0x80, s23, s18, $0xb8;
	[tilespmem:$0x1FC80] =	vst v63  }
0x5a: {  	_ =	swait.ge [sflag:s21], $0x4000  }
0x5b: {  	[sflag:s21] =	ssyncset.done $0x0  }
0x5c: {  	s24 =	simm.s32 $0x2700;
	[sflag:s21] =	ssyncadd.s32 $0xFFFFC000  }
0x5d: {  	[spmem:s2] =	stream.indirect.scatter.add.f32 [tilespmem:s19], [sflag:$0x3], $0x80, s24, s18, $0xb8;
	[tilespmem:$0x1FC80] =	vst v63  }
0x5e: {  	_ =	swait.ge [sflag:s14], $0x4000  }
0x5f: {  	[sflag:s14] =	ssyncset.done $0x0  }
0x60: {  	[sflag:s14] =	ssyncadd.s32 $0xFFFFC000  }
0x61: {  	_ =	swait.ge [sflag:s22], $0x4000  }
0x62: {  	[sflag:s22] =	ssyncset.done $0x0  }
0x63: {  	[sflag:s22] =	ssyncadd.s32 $0xFFFFC000  }
0x64: {  	[spmem:s2] =	stream.indirect.scatter.add.f32 [tilespmem:s20], [sflag:$0x3], $0x80, s25, s18, $0xb8;
	[tilespmem:$0x1FC80] =	vst v63  }
0x65: {  	_ =	swait.ge [sflag:s14], $0x4000  }
0x66: {  	[sflag:s14] =	ssyncset.done $0x0  }
0x67: {  	[sflag:s14] =	ssyncadd.s32 $0xFFFFC000  }
0x68: {  	[tilespmem:s3], [sflag:$0x3] =	stream.linear.gather [hbm4b:s9+s3], $0x1300, $0x38;
	[tilespmem:$0x1FC80] =	vst v63  }
0x69: {  	_ =	swait.ge [sflag:s14], $0x1300  }
0x6a: {  	[sflag:s14] =	ssyncset.done $0x0  }
0x6b: {  	[sflag:s14] =	ssyncadd.s32 $0xFFFFED00  }
0x6c: {  	[tilespmem:s19], [sflag:$0x1] =	stream.indirect.gather [hbm4b:s4+s18], $0x80, s3, s18, $0xb8;
	[tilespmem:$0x1FC80] =	vst v63  }
0x6d: {  	s1 =	simm.s32 $0x80  }
0x6e: {  	[tilespmem:s20], [sflag:$0x2] =	stream.indirect.gather [hbm4b:s4+s18], $0x80, s1, s18, $0xb8;
	[tilespmem:$0x1FC80] =	vst v63  }
0x6f: {  	_ =	swait.ge [sflag:s21], $0x4000  }
0x70: {  	[sflag:s21] =	ssyncset.done $0x0  }
0x71: {  	s13 =	simm.s32 $0x2800;
	[sflag:s21] =	ssyncadd.s32 $0xFFFFC000  }
0x72: {  	[spmem:s2] =	stream.indirect.scatter.add.f32 [tilespmem:s19], [sflag:$0x3], $0x80, s13, s18, $0xb8;
	[tilespmem:$0x1FC80] =	vst v63  }
0x73: {  	_ =	swait.ge [sflag:s14], $0x4000  }
0x74: {  	[sflag:s14] =	ssyncset.done $0x0  }
0x75: {  	s23 =	simm.s32 $0x100;
	[sflag:s14] =	ssyncadd.s32 $0xFFFFC000  }
0x76: {  	[tilespmem:s19], [sflag:$0x1] =	stream.indirect.gather [hbm4b:s4+s18], $0x80, s23, s18, $0xb8;
	[tilespmem:$0x1FC80] =	vst v63  }
0x77: {  	_ =	swait.ge [sflag:s22], $0x4000  }
0x78: {  	[sflag:s22] =	ssyncset.done $0x0  }
0x79: {  	s24 =	simm.s32 $0x2880;
	[sflag:s22] =	ssyncadd.s32 $0xFFFFC000  }
0x7a: {  	[spmem:s2] =	stream.indirect.scatter.add.f32 [tilespmem:s20], [sflag:$0x3], $0x80, s24, s18, $0xb8;
	[tilespmem:$0x1FC80] =	vst v63  }
0x7b: {  	_ =	swait.ge [sflag:s14], $0x4000  }
0x7c: {  	s0 =	simm.s32 $0xFFFFC000;
	s1 =	simm.s32 $0xFFFFEF00;
	[sflag:s14] =	ssyncset.done $0x0  }
.LBB2_4:
0x7d: {  	s13 =	sadd.s32 $0x1280, s1  }
0x7e: {  	[sflag:s14] =	ssyncadd.s32 $0xFFFFC000;
	s23 =	smov.u32 s0;
	s24 =	sadd.s32 $0x400, s0  }
0x7f: {  	[tilespmem:s20], [sflag:$0x2] =	stream.indirect.gather [hbm4b:s4+s18], $0x80, s13, s18, $0xb8;
	[tilespmem:$0x1FC80] =	vst v63  }
0x80: {  	p0 =	sne.s32 s0, $0xFFFFFC00;
	_ =	swait.ge [sflag:s21], $0x4000  }
0x81: {  	[sflag:s21] =	ssyncset.done $0x0  }
0x82: {  	s0 =	sadd.s32 $0x3A00, s1;
	[sflag:s21] =	ssyncadd.s32 $0xFFFFC000  }
0x83: {  	[spmem:s2] =	stream.indirect.scatter.add.f32 [tilespmem:s19], [sflag:$0x3], $0x80, s0, s18, $0xb8;
	[tilespmem:$0x1FC80] =	vst v63  }
0x84: {  	_ =	swait.ge [sflag:s14], $0x4000  }
0x85: {  	[sflag:s14] =	ssyncset.done $0x0  }
0x86: {  	s0 =	sadd.s32 $0x1300, s1;
	[sflag:s14] =	ssyncadd.s32 $0xFFFFC000  }
0x87: {  	[tilespmem:s19], [sflag:$0x1] =	stream.indirect.gather [hbm4b:s4+s18], $0x80, s0, s18, $0xb8;
	[tilespmem:$0x1FC80] =	vst v63  }
0x88: {  	_ =	swait.ge [sflag:s22], $0x4000  }
.Ltmp1:
0x89: {  	[sflag:s22] =	ssyncset.done $0x0;
	(pc) =	sbr.rel @p0 .LBB2_4-.Ltmp1, $4  }
0x8a: {  	s0 =	sadd.s32 $0x3A80, s1;
	[sflag:s22] =	ssyncadd.s32 $0xFFFFC000  }
0x8b: {  	[spmem:s2] =	stream.indirect.scatter.add.f32 [tilespmem:s20], [sflag:$0x3], $0x80, s0, s18, $0xb8;
	[tilespmem:$0x1FC80] =	vst v63  }
0x8c: {  	_ =	swait.ge [sflag:s14], $0x4000  }
0x8d: {  	s1 =	sshra.s32 s23, $0x2;
	s0 =	smov.u32 s24;
	[sflag:s14] =	ssyncset.done $0x0  }
0x8e: {  	s0 =	sadd.s32 $0x1280, s1;
	[sflag:s14] =	ssyncadd.s32 $0xFFFFC000  }
0x8f: {  	[tilespmem:s20], [sflag:$0x2] =	stream.indirect.gather [hbm4b:s4+s18], $0x80, s0, s18, $0xb8;
	[tilespmem:$0x1FC80] =	vst v63  }
0x90: {  	_ =	swait.ge [sflag:s21], $0x4000  }
0x91: {  	[sflag:s21] =	ssyncset.done $0x0  }
0x92: {  	s13 =	sadd.s32 $0x3A00, s1;
	[sflag:s21] =	ssyncadd.s32 $0xFFFFC000  }
0x93: {  	[spmem:s2] =	stream.indirect.scatter.add.f32 [tilespmem:s19], [sflag:$0x3], $0x80, s13, s18, $0xb8;
	[tilespmem:$0x1FC80] =	vst v63  }
0x94: {  	_ =	swait.ge [sflag:s14], $0x4000  }
0x95: {  	[sflag:s14] =	ssyncset.done $0x0  }
0x96: {  	s23 =	sadd.s32 $0x1300, s1;
	[sflag:s14] =	ssyncadd.s32 $0xFFFFC000  }
0x97: {  	[tilespmem:s19], [sflag:$0x1] =	stream.indirect.gather [hbm4b:s4+s18], $0x80, s23, s18, $0xb8;
	[tilespmem:$0x1FC80] =	vst v63  }
0x98: {  	_ =	swait.ge [sflag:s22], $0x4000  }
0x99: {  	[sflag:s22] =	ssyncset.done $0x0  }
0x9a: {  	s24 =	sadd.s32 $0x3A80, s1;
	[sflag:s22] =	ssyncadd.s32 $0xFFFFC000  }
0x9b: {  	[spmem:s2] =	stream.indirect.scatter.add.f32 [tilespmem:s20], [sflag:$0x3], $0x80, s24, s18, $0xb8;
	[tilespmem:$0x1FC80] =	vst v63  }
0x9c: {  	_ =	swait.ge [sflag:s14], $0x4000  }
0x9d: {  	[sflag:s14] =	ssyncset.done $0x0  }
0x9e: {  	[sflag:s14] =	ssyncadd.s32 $0xFFFFC000  }
0x9f: {  	[tilespmem:s20], [sflag:$0x2] =	stream.indirect.gather [hbm4b:s4+s18], $0x80, s26, s18, $0xb8;
	[tilespmem:$0x1FC80] =	vst v63  }
0xa0: {  	_ =	swait.ge [sflag:s21], $0x4000  }
0xa1: {  	[sflag:s21] =	ssyncset.done $0x0  }
0xa2: {  	[sflag:s21] =	ssyncadd.s32 $0xFFFFC000  }
0xa3: {  	[spmem:s2] =	stream.indirect.scatter.add.f32 [tilespmem:s19], [sflag:$0x3], $0x80, s28, s18, $0xb8;
	[tilespmem:$0x1FC80] =	vst v63  }
0xa4: {  	_ =	swait.ge [sflag:s14], $0x4000  }
0xa5: {  	[sflag:s14] =	ssyncset.done $0x0  }
0xa6: {  	[sflag:s14] =	ssyncadd.s32 $0xFFFFC000  }
0xa7: {  	_ =	swait.ge [sflag:s22], $0x4000  }
0xa8: {  	[sflag:s22] =	ssyncset.done $0x0  }
0xa9: {  	[sflag:s22] =	ssyncadd.s32 $0xFFFFC000  }
0xaa: {  	[spmem:s2] =	stream.indirect.scatter.add.f32 [tilespmem:s20], [sflag:$0x3], $0x80, s29, s18, $0xb8;
	[tilespmem:$0x1FC80] =	vst v63  }
0xab: {  	_ =	swait.ge [sflag:s14], $0x4000  }
0xac: {  	[sflag:s14] =	ssyncset.done $0x0  }
0xad: {  	[sflag:s14] =	ssyncadd.s32 $0xFFFFC000  }
0xae: {  	[tilespmem:s3], [sflag:$0x3] =	stream.linear.gather [hbm4b:s10+s3], $0x10, $0x38;
	[tilespmem:$0x1FC80] =	vst v63  }
0xaf: {  	_ =	swait.ge [sflag:s14], $0x10  }
0xb0: {  	[sflag:s14] =	ssyncset.done $0x0  }
0xb1: {  	[sflag:s14] =	ssyncadd.s32 $0xFFFFFFF0  }
0xb2: {  	[tilespmem:s19], [sflag:$0x1] =	stream.indirect.gather [hbm4b:s4+s30], $0x80, s3, s30, $0xb8;
	[tilespmem:$0x1FC80] =	vst v63  }
0xb3: {  	_ =	swait.ge [sflag:s21], $0x800  }
0xb4: {  	[sflag:s21] =	ssyncset.done $0x0  }
0xb5: {  	[sflag:s21] =	ssyncadd.s32 $0xFFFFF800  }
0xb6: {  	[spmem:s2] =	stream.indirect.scatter.add.f32 [tilespmem:s19], [sflag:$0x3], $0x80, s15, s30, $0xb8;
	[tilespmem:$0x1FC80] =	vst v63  }
0xb7: {  	_ =	swait.ge [sflag:s14], $0x800  }
0xb8: {  	s31 =	sadd.s32 $0x1, s31;
	[sflag:s14] =	ssyncset.done $0x0  }
0xb9: {  	p0 =	sne.s32 s31, s12;
	[sflag:s14] =	ssyncadd.s32 $0xFFFFF800  }
.Ltmp2:
0xba: {  	[bflag:$0x0] =	sbarrier.arrive $0xFFFF;
	(pc) =	sbr.rel @p0 .LBB2_1-.Ltmp2, $4  }
0xbb: {  	[hbm:s11], [sflag:s16] =	dma.local [spmem:s17], $0x2800  }
0xbc: {  	_ =	swait.ge [sflag:s14], $0x2800  }
0xbd: {  	[sflag:s14] =	ssyncset.done $0x0  }
0xbe: {  	[sflag:s14] =	ssyncadd.s32 $0xFFFFD800  }
0xbf: {  	_ =	sfence.sel $0x180000  }
0xc0: {  	[bflag:$0x0] =	sbarrier.arrive $0xFFFF  }
0xc1: {  	_ =	strace $0x9000004D  }
0xc2: {  	s0 =	stileid.u32;
	[bflag:$0x2] =	sbarrier.arrive $0xFFFF  }
0xc3: {  	p0 =	sne.s32 s0, $0x0;
	s0 =	rddreg [dreg:$0x3]  }
0xc4: {  	s0 =	sadd.s32 @!p0 $0x100000, s0  }
0xc5: {  	[sflag:s0] =	ssyncadd.tile.s32 @!p0 $0x1;
	_ =	shalt  }
.Lfunc_end2:
_tile_overlayer_lowered:
.L_overlay_start_2:
0xc6: {  	(tag) =	ssettag $0x2  }
0xc7: {  	s0 =	rddreg [dreg:$0x0];
	s2 =	stileid.u32  }
0xc8: {  	s1 =	rddreg [dreg:$0x1];
	p0 =	sne.s32 s2, $0x0  }
0xc9: {  	s3 =	rddreg [dreg:$0x2];
	[bflag:$0x3] =	sbarrier.arrive $0xFFFF;
	s2 =	simm.s32 @!p0 $0x1C03  }
0xca: {  	[timem:s3], [sflag:s2] =	dma.local @!p0 [hbm:s0], s1  }
0xcb: {  	s0 =	simm.s32 @!p0 $0x3  }
0xcc: {  	_ =	swait.ge @!p0 [sflag:s0], s1  }
0xcd: {  	s1 =	ssub.s32 @!p0 $0x0, s1;
	[sflag:s0] =	ssyncset.done @!p0 $0x0  }
0xce: {  	[sflag:s0] =	ssyncadd.s32 @!p0 s1  }
0xcf: {  	[bflag:$0x3] =	sbarrier.arrive $0xFFFF  }
0xd0: {  	_ =	shalt  }

// kernel: kernel.20.cloned.1.call-start
scs
__scs_entry_jumppad:
0x0: {  	(pc) =	sbr.rel $0x88, $3  }
0x1: {  	(tag) =	ssettag $0x0;
	lr =	simm.s32 $0x1  }
0x2: {  	[smem:$0x3F97] =	sst lr;
	_ =	strace $0xD0000000  }
0x3: {  	_ = 	snop  }
0x4: {  	_ = 	snop  }
0x5: {  	_ = 	snop  }
0x6: {  	_ = 	snop  }
0x7: {  	_ = 	snop  }
__scs_overlays_trampoline_lowered:
0x8: {  	[smem:$0x3FA6] =	sst s0  }
0x9: {  	[smem:$0x3FA7] =	sst s1  }
0xa: {  	[smem:$0x3FA8] =	sst s2  }
0xb: {  	[smem:$0x3FA9] =	sst s3  }
0xc: {  	[smem:$0x3FAA] =	sst s4  }
0xd: {  	[smem:$0x3FAB] =	sst s5  }
0xe: {  	[smem:$0x3FAC] =	sst s6  }
0xf: {  	[smem:$0x3FAD] =	sst s7  }
0x10: {  	[smem:$0x3FAE] =	sst s8  }
0x11: {  	[smem:$0x3FAF] =	sst s9;
	s0 =	simm.s32 @!p0 $0x0  }
0x12: {  	s1 =	sld [smem:$0x3F95];
	s0 =	simm.s32 @p0 $0x1  }
0x13: {  	[smem:$0x3FB0] =	sst s0;
	s0 =	simm.s32 @!p1 $0x0  }
0x14: {  	s2 =	sld [smem:$0x3F94];
	s0 =	simm.s32 @p1 $0x1  }
0x15: {  	[smem:$0x3FB1] =	sst s0;
	s0 =	simm.s32 @!p2 $0x0  }
0x16: {  	s3 =	sld [smem:$0x3FDB];
	s0 =	simm.s32 @p2 $0x1  }
0x17: {  	s4 =	simm.s32 $0x1BF5;
	[smem:$0x3FB3] =	sst s0  }
0x18: {  	s0 =	sld [smem:$0x3F96];
	_ =	swait.ge [sflag:s4], $0x0  }
0x19: {  	s7 =	sld [smem:$0x3F97]  }
0x1a: {  	s8 =	sadd.s32 $0xFFFFE003, lr  }
0x1b: {  	s9 =	sadd.s32 $0xFFFFFEF7, lr;
	s5 =	simm.s32 $0xFFFFFFFF;
	p2 =	slt.u32 s8, $0xFFFFF086  }
0x1c: {  	p1 =	slt.u32 s9, $0xF7A;
	s5 =	simm.s32 @!p2 $0x0  }
0x1d: {  	s5 =	simm.s32 @p1 $0x1;
	p0 =	seq.s32 s7, s2  }
0x1e: {  	s7 =	smul.u32 @!p0 $0xF7A, s2;
	p2 =	seq.s32 @!p0 s5, $0x0  }
0x1f: {  	s9 =	smul.u32 $0xF7A, s1;
	s8 =	simm.s32 @!p0 $0x1BF5;
	p2 =	por !p2, p0  }
0x20: {  	[sflag:s8] =	ssyncset.s32 @!p0 $0xFFFFF086;
	s6 =	sadd.s32 @!p0 s3, s7;
	s7 =	simm.s32 @!p0 $0x108  }
0x21: {  	s3 =	sadd.s32 s3, s9;
	s6 =	sadd.s32 @!p0 $0x88, s6;
	s7 =	simm.s32 @p2 $0x1082  }
0x22: {  	[simem:s7], [sflag:s8] =	dma.local @!p0 [hbm:s6], $0xF7A  }
0x23: {  	s9 =	sor.u32 $0xD0000000, s2;
	s6 =	simm.s32 $0x108;
	_ =	swait.ge @!p0 [sflag:s8], $0x0  }
0x24: {  	s3 =	sadd.s32 $0x88, s3;
	s6 =	simm.s32 @!p1 $0x1082;
	[sflag:s4] =	ssyncset.s32 $0xFFFFF086  }
0x25: {  	[simem:s6], [sflag:s4] =	dma.local [hbm:s3], $0xF7A  }
0x26: {  	[smem:$0x3F97] =	sst s1;
	(tag) =	ssettag s2;
	_ =	strace s9  }
0x27: {  	s1 =	sld [smem:$0x3FA7]  }
0x28: {  	s2 =	sld [smem:$0x3FA8]  }
0x29: {  	s4 =	sld [smem:$0x3FAA]  }
0x2a: {  	p0 =	seq.s32 s5, $0x0;
	s5 =	sld [smem:$0x3FAB]  }
0x2b: {  	s6 =	sld [smem:$0x3FAC]  }
0x2c: {  	s7 =	sld [smem:$0x3FAD]  }
0x2d: {  	s3 =	simm.s32 $0x108;
	s8 =	sld [smem:$0x3FAE]  }
0x2e: {  	s3 =	simm.s32 @!p0 $0x1082;
	s9 =	sld [smem:$0x3FAF]  }
0x2f: {  	lr =	sadd.s32 s0, s3;
	s0 =	sld [smem:$0x3FA6]  }
0x30: {  	s3 =	sld [smem:$0x3FA9]  }
0x31: {  	[smem:$0x3FB2] =	sst s10  }
0x32: {  	s10 =	sld [smem:$0x3FB0];
	_ =	sdelay $0x3  }
0x33: {  	p0 =	seq.s32 s10, $0x1;
	s10 =	sld [smem:$0x3FB2];
	_ =	sdelay $0x3  }
0x34: {  	[smem:$0x3FB2] =	sst s10  }
0x35: {  	s10 =	sld [smem:$0x3FB1];
	_ =	sdelay $0x3  }
0x36: {  	p1 =	seq.s32 s10, $0x1;
	s10 =	sld [smem:$0x3FB2];
	_ =	sdelay $0x3  }
0x37: {  	[smem:$0x3FB2] =	sst s10  }
0x38: {  	s10 =	sld [smem:$0x3FB3]  }
0x39: {  	_ = 	snop;
	(pc) =	sbr.ind lr, $3  }
0x3a: {  	_ = 	snop  }
0x3b: {  	_ = 	snop  }
0x3c: {  	p2 =	seq.s32 s10, $0x1;
	s10 =	sld [smem:$0x3FB2]  }
0x3d: {  	_ =	shalt  }
0x3e: {  	_ =	shalt  }
0x3f: {  	_ =	shalt  }
0x40: {  	_ =	shalt  }
0x41: {  	_ =	shalt  }
0x42: {  	_ =	shalt  }
0x43: {  	_ =	shalt  }
0x44: {  	_ =	shalt  }
0x45: {  	_ =	shalt  }
0x46: {  	_ =	shalt  }
0x47: {  	_ =	shalt  }
0x48: {  	_ =	shalt  }
0x49: {  	_ =	shalt  }
0x4a: {  	_ =	shalt  }
0x4b: {  	_ =	shalt  }
0x4c: {  	_ =	shalt  }
0x4d: {  	_ =	shalt  }
0x4e: {  	_ =	shalt  }
0x4f: {  	_ =	shalt  }
0x50: {  	_ =	shalt  }
0x51: {  	_ =	shalt  }
0x52: {  	_ =	shalt  }
0x53: {  	_ =	shalt  }
0x54: {  	_ =	shalt  }
0x55: {  	_ =	shalt  }
0x56: {  	_ =	shalt  }
0x57: {  	_ =	shalt  }
0x58: {  	_ =	shalt  }
0x59: {  	_ =	shalt  }
0x5a: {  	_ =	shalt  }
0x5b: {  	_ =	shalt  }
0x5c: {  	_ =	shalt  }
0x5d: {  	_ =	shalt  }
0x5e: {  	_ =	shalt  }
0x5f: {  	_ =	shalt  }
0x60: {  	_ =	shalt  }
0x61: {  	_ =	shalt  }
0x62: {  	_ =	shalt  }
0x63: {  	_ =	shalt  }
0x64: {  	_ =	shalt  }
0x65: {  	_ =	shalt  }
0x66: {  	_ =	shalt  }
0x67: {  	_ =	shalt  }
0x68: {  	_ =	shalt  }
0x69: {  	_ =	shalt  }
0x6a: {  	_ =	shalt  }
0x6b: {  	_ =	shalt  }
0x6c: {  	_ =	shalt  }
0x6d: {  	_ =	shalt  }
0x6e: {  	_ =	shalt  }
0x6f: {  	_ =	shalt  }
0x70: {  	_ =	shalt  }
0x71: {  	_ =	shalt  }
0x72: {  	_ =	shalt  }
0x73: {  	_ =	shalt  }
0x74: {  	_ =	shalt  }
0x75: {  	_ =	shalt  }
0x76: {  	_ =	shalt  }
0x77: {  	_ =	shalt  }
0x78: {  	_ =	shalt  }
0x79: {  	_ =	shalt  }
0x7a: {  	_ =	shalt  }
0x7b: {  	_ =	shalt  }
0x7c: {  	_ =	shalt  }
0x7d: {  	_ =	shalt  }
0x7e: {  	_ =	shalt  }
0x7f: {  	_ =	shalt  }
0x80: {  	_ =	shalt  }
0x81: {  	_ =	shalt  }
0x82: {  	_ =	shalt  }
0x83: {  	_ =	shalt  }
0x84: {  	_ =	shalt  }
0x85: {  	_ =	shalt  }
0x86: {  	_ =	shalt  }
0x87: {  	_ =	shalt  }
.Lfunc_end0:
.L_simem_size_0:
called_computation.3_lowered:
.L_overlay_start_0:
0x88: {  	s2 =	sld [smem:$0x3FD9]  }
0x89: {  	s3 =	sld [smem:$0x3FFE];
	_ =	sdelay $0x1  }
0x8a: {  	s1 =	srdreg.scid  }
0x8b: {  	s0 =	sand.u32 $0x1, s1  }
0x8c: {  	s17 =	sshll.u32 s0, $0xA;
	s2 =	sadd.s32 s3, s2  }
0x8d: {  	s2 =	sadd.s32 s2, s17  }
0x8e: {  	[smem:$0x3FBE] =	sst s2  }
0x8f: {  	_ = 	snop  }
0x90: {  	s2 =	sld [smem:$0x3FD0];
	(tm) =	ssettm $0x1  }
0x91: {  	s18 =	sld [smem:$0x3FFB];
	_ =	sdelay $0x3  }
0x92: {  	_ =	strace s18  }
0x93: {  	s3 =	sld [smem:$0x3FFC];
	_ =	sdelay $0x3  }
0x94: {  	_ =	strace s3  }
0x95: {  	s3 =	sld [smem:$0x3FFD];
	_ =	sdelay $0x3  }
0x96: {  	_ =	strace s3  }
0x97: {  	_ =	strace $0x8FFFFFFF  }
0x98: {  	s19 =	sld [smem:$0x3FDB];
	_ =	sdelay $0x1  }
0x99: {  	s4 =	simm.s32 $_scs_section_size  }
0x9a: {  	s5 =	simm.s32 $_size__tile_overlayer_lowered;
	s6 =	simm.s32 $_tile_overlayer_lowered  }
0x9b: {  	s22 =	simm.s32 $0x1BFF;
	s21 =	sshll.u32 s6, $0x1;
	s3 =	sadd.s32 s4, s19  }
0x9c: {  	s7 =	simm.s32 $0x0;
	s20 =	sshll.u32 s5, $0x1;
	s5 =	sadd.s32 s21, s3  }
0x9d: {  	[timem:s7], [sflag:s22] =	dma.local [hbm:s5], s20  }
0x9e: {  	_ =	swait.ge [sflag:s22], s20  }
0x9f: {  	s4 =	ssub.s32 $0x0, s20;
	[sflag:s22] =	ssyncset.done $0x0  }
0xa0: {  	[sflag:s22] =	ssyncadd.s32 s4;
	_ =	sdelay $0x1  }
0xa1: {  	s23 =	simm.s32 $0x1B8B  }
0xa2: {  	_ =	swait.ge [sflag:s23], $0x1  }
0xa3: {  	[sflag:s23] =	ssyncset.done $0x0  }
0xa4: {  	s25 =	simm.s32 $0x1B8E;
	s24 =	sld [smem:$0x3FFE];
	[sflag:s23] =	ssyncadd.s32 $0xFFFFFFFF  }
0xa5: {  	s26 =	simm.s32 $execute0_lowered;
	[smem:$0x3FD2] =	sst s25  }
0xa6: {  	s5 =	sshll.u32 s26, $0x1;
	_ =	strace $0x8000004F;
	[dreg:$0x1] =	wrdreg $0xFFFFFFFF  }
0xa7: {  	s28 =	simm.s32 $_size_execute0_lowered;
	s3 =	sadd.s32 s3, s5;
	[dreg:$0x0] =	wrdreg $0x0  }
0xa8: {  	s5 =	sshll.u32 s28, $0x1;
	[dreg:$0x2] =	wrdreg s3  }
0xa9: {  	[dreg:$0x3] =	wrdreg s5  }
0xaa: {  	[dreg:$0x4] =	wrdreg $0xC0  }
0xab: {  	_ =	task [dreg:s7], $0x5FFFF  }
0xac: {  	[dreg:$0x1] =	wrdreg $0xFFFFFFFF  }
0xad: {  	[dreg:$0x0] =	wrdreg $0x60  }
0xae: {  	[dreg:$0x2] =	wrdreg s24  }
0xaf: {  	[dreg:$0x3] =	wrdreg s2  }
0xb0: {  	[dreg:$0x4] =	wrdreg $0xBC800  }
0xb1: {  	[dreg:$0x5] =	wrdreg $0x9  }
0xb2: {  	_ =	task.clear_ibuf [dreg:s7], $0x6FFFF;
	_ =	strace $0x9000004F  }
0xb3: {  	s29 =	simm.s32 $0x9;
	_ =	strace $0x80000051  }
0xb4: {  	_ =	swait.ge [sflag:s29], $0x1  }
0xb5: {  	[sflag:s29] =	ssyncadd.s32 $0xFFFFFFFF  }
0xb6: {  	_ =	strace $0x90000051  }
0xb7: {  	_ =	sfence  }
0xb8: {  	s30 =	sld [smem:$0x0];
	_ =	sdelay $0x2  }
0xb9: {  	s31 =	sshll.u32 s1, $0xD;
	s1 =	sshrl.u32 s1, $0x2  }
0xba: {  	s3 =	sand.u32 $0x4000, s31;
	s1 =	sadd.s32 s1, s30  }
0xbb: {  	s0 =	sor.u32 s3, s0;
	s1 =	sshll.u32 s1, $0x11  }
0xbc: {  	s0 =	sor.u32 s1, s0  }
0xbd: {  	s0 =	sadd.s32 $0x8F2B, s0  }
0xbe: {  	[sflag:s0] =	ssyncadd.remote.s32 $0x1  }
0xbf: {  	_ =	sfence.sel $0xFFFF  }
0xc0: {  	[dreg:$0x0] =	wrdreg $0xFFFFFFFF;
	(pc) =	sbr.abs _section_cstart, $3  }
0xc1: {  	[dreg:$0x1] =	wrdreg $0xFFFFFFFF  }
0xc2: {  	_ =	task.clear_ibuf [dreg:s7], $0x2FFFF;
	_ =	strace $0x9FFFFFFF  }
0xc3: {  	(tm) =	ssettm $0x7FFFFFFF  }
tec
execute0_lowered:
.L_overlay_start_1:
0x0: {  	(tag) =	ssettag $0x1  }
0x1: {  	s1 =	rddreg [dreg:$0x0]  }
0x2: {  	s0 =	srdreg.scid;
	s5 =	rddreg [dreg:$0x1]  }
0x3: {  	s13 =	stileid.u32;
	s2 =	rddreg [dreg:$0x2]  }
0x4: {  	s14 =	simm.s32 $0x3;
	s15 =	simm.s32 $0x3C00;
	s18 =	simm.s32 $0x80  }
0x5: {  	s19 =	simm.s32 $0x3C80;
	s20 =	simm.s32 $0x7C80;
	s21 =	simm.s32 $0x1  }
0x6: {  	s22 =	simm.s32 $0x2;
	s28 =	simm.s32 $0x3A00;
	s29 =	simm.s32 $0x3A80  }
0x7: {  	s30 =	simm.s32 $0x10;
	s31 =	simm.s32 $0x0;
	s7 =	smul.u32 $0x2800, s13  }
0x8: {  	s0 =	sand.u32 $0x1, s0;
	s11 =	smul.u32 $0x50000, s13;
	s26 =	sshll.u32 s13, $0x6  }
0x9: {  	s3 =	sshll.u32 s0, $0x4;
	s8 =	smul.u32 $0x28000, s0;
	s0 =	ssub.s32 $0x2, s0  }
0xa: {  	s16 =	sor.u32 $0x1C03, s26;
	s26 =	simm.s32 $0x1280;
	s6 =	sor.u32 s13, s3  }
0xb: {  	s3 =	simm.s32 $0x0;
	s24 =	sshrl.u32 s0, $0x1;
	s25 =	sshrl.u32 s11, $0x2  }
0xc: {  	s4 =	smul.u32 $0x2780, s6;
	[smem:$0x7FF] =	sst s3;
	s23 =	sshll.u32 s6, $0x4  }
0xd: {  	s6 =	smul.u32 $0x500, s6;
	s8 =	sadd.s32 s7, s8;
	s7 =	sadd.s32 s7, s1  }
0xe: {  	s0 =	ssub.s32 s0, s24;
	s17 =	sadd.s32 s25, s2;
	s25 =	simm.s32 $0x2780  }
0xf: {  	_ =	strace $0x80000050;
	s9 =	sadd.s32 s23, s1;
	s7 =	sadd.s32 $0x3A00, s7  }
0x10: {  	s12 =	smax.u32 s0, $0x1;
	s17 =	sshrl.u32 s17, $0x3;
	s4 =	sshrl.u32 s4, $0x3  }
0x11: {  	s5 =	sadd.s32 s5, s6;
	s6 =	sadd.s32 $0x3800, s9;
	s10 =	sadd.s32 s4, s1  }
0x12: {  	s4 =	sadd.s32 $0x2BA00, s1;
	s1 =	sadd.s32 s8, s1;
	s8 =	sadd.s32 $0x7C200, s10  }
0x13: {  	s9 =	sadd.s32 $0x7C480, s10;
	s10 =	sadd.s32 $0x7C6E0, s10;
	s11 =	sadd.s32 $0x86000, s1  }
.LBB2_1:
0x14: {  	s0 =	simm.s32 $0x1400  }
0x15: {  	[tilespmem:s0], [sflag:$0x3] =	stream.linear.gather [hbm4b:s5+s3], $0x2780, $0x38;
	[tilespmem:$0x1FC80] =	vst v63  }
0x16: {  	_ =	swait.ge [sflag:s14], $0x2780  }
0x17: {  	[sflag:s14] =	ssyncset.done $0x0  }
0x18: {  	[sflag:s14] =	ssyncadd.s32 $0xFFFFD880  }
0x19: {  	[tilespmem:s15], [sflag:$0x3] =	stream.linear.gather [hbm4b:s6+s3], $0x80, $0x38;
	[tilespmem:$0x1FC80] =	vst v63  }
0x1a: {  	_ =	swait.ge [sflag:s14], $0x80  }
0x1b: {  	[sflag:s14] =	ssyncset.done $0x0  }
0x1c: {  	[sflag:s14] =	ssyncadd.s32 $0xFFFFFF80  }
0x1d: {  	[spmem:s17], [sflag:s16] =	dma.local [hbm:s7], $0x2800  }
0x1e: {  	_ =	swait.ge [sflag:s14], $0x2800  }
0x1f: {  	[sflag:s14] =	ssyncset.done $0x0  }
0x20: {  	[sflag:s14] =	ssyncadd.s32 $0xFFFFD800  }
0x21: {  	[bflag:$0x0] =	sbarrier.arrive $0xFFFF  }
0x22: {  	[tilespmem:s3], [sflag:$0x3] =	stream.linear.gather [hbm4b:s8+s3], $0x1400, $0x38;
	[tilespmem:$0x1FC80] =	vst v63  }
0x23: {  	_ =	swait.ge [sflag:s14], $0x1400  }
0x24: {  	[sflag:s14] =	ssyncset.done $0x0  }
0x25: {  	[sflag:s14] =	ssyncadd.s32 $0xFFFFEC00  }
0x26: {  	[tilespmem:s19], [sflag:$0x1] =	stream.indirect.gather [hbm4b:s4+s18], $0x80, s3, s18, $0xb8;
	[tilespmem:$0x1FC80] =	vst v63  }
0x27: {  	s1 =	simm.s32 $0x80  }
0x28: {  	[tilespmem:s20], [sflag:$0x2] =	stream.indirect.gather [hbm4b:s4+s18], $0x80, s1, s18, $0xb8;
	[tilespmem:$0x1FC80] =	vst v63  }
0x29: {  	_ =	swait.ge [sflag:s21], $0x4000  }
0x2a: {  	[sflag:s21] =	ssyncset.done $0x0  }
0x2b: {  	s13 =	simm.s32 $0x1400;
	[sflag:s21] =	ssyncadd.s32 $0xFFFFC000  }
0x2c: {  	[spmem:s2] =	stream.indirect.scatter.add.f32 [tilespmem:s19], [sflag:$0x3], $0x80, s13, s18, $0xb8;
	[tilespmem:$0x1FC80] =	vst v63  }
0x2d: {  	_ =	swait.ge [sflag:s14], $0x4000  }
0x2e: {  	[sflag:s14] =	ssyncset.done $0x0  }
0x2f: {  	s23 =	simm.s32 $0x100;
	[sflag:s14] =	ssyncadd.s32 $0xFFFFC000  }
0x30: {  	[tilespmem:s19], [sflag:$0x1] =	stream.indirect.gather [hbm4b:s4+s18], $0x80, s23, s18, $0xb8;
	[tilespmem:$0x1FC80] =	vst v63  }
0x31: {  	_ =	swait.ge [sflag:s22], $0x4000  }
0x32: {  	[sflag:s22] =	ssyncset.done $0x0  }
0x33: {  	s24 =	simm.s32 $0x1480;
	[sflag:s22] =	ssyncadd.s32 $0xFFFFC000  }
0x34: {  	[spmem:s2] =	stream.indirect.scatter.add.f32 [tilespmem:s20], [sflag:$0x3], $0x80, s24, s18, $0xb8;
	[tilespmem:$0x1FC80] =	vst v63  }
0x35: {  	_ =	swait.ge [sflag:s14], $0x4000  }
0x36: {  	s0 =	simm.s32 $0x800;
	s1 =	simm.s32 $0x100;
	[sflag:s14] =	ssyncset.done $0x0  }
.LBB2_2:
0x37: {  	s13 =	sadd.s32 $0x80, s1  }
0x38: {  	[sflag:s14] =	ssyncadd.s32 $0xFFFFC000;
	s23 =	smov.u32 s0;
	s24 =	sadd.s32 $0x400, s0  }
0x39: {  	[tilespmem:s20], [sflag:$0x2] =	stream.indirect.gather [hbm4b:s4+s18], $0x80, s13, s18, $0xb8;
	[tilespmem:$0x1FC80] =	vst v63  }
0x3a: {  	p0 =	sne.s32 s0, $0x4800;
	_ =	swait.ge [sflag:s21], $0x4000  }
0x3b: {  	[sflag:s21] =	ssyncset.done $0x0  }
0x3c: {  	s0 =	sadd.s32 $0x1400, s1;
	[sflag:s21] =	ssyncadd.s32 $0xFFFFC000  }
0x3d: {  	[spmem:s2] =	stream.indirect.scatter.add.f32 [tilespmem:s19], [sflag:$0x3], $0x80, s0, s18, $0xb8;
	[tilespmem:$0x1FC80] =	vst v63  }
0x3e: {  	_ =	swait.ge [sflag:s14], $0x4000  }
0x3f: {  	[sflag:s14] =	ssyncset.done $0x0  }
0x40: {  	s0 =	sadd.s32 $0x100, s1;
	[sflag:s14] =	ssyncadd.s32 $0xFFFFC000  }
0x41: {  	[tilespmem:s19], [sflag:$0x1] =	stream.indirect.gather [hbm4b:s4+s18], $0x80, s0, s18, $0xb8;
	[tilespmem:$0x1FC80] =	vst v63  }
0x42: {  	_ =	swait.ge [sflag:s22], $0x4000  }
.Ltmp0:
0x43: {  	[sflag:s22] =	ssyncset.done $0x0;
	(pc) =	sbr.rel @p0 .LBB2_2-.Ltmp0, $4  }
0x44: {  	s0 =	sadd.s32 $0x1480, s1;
	[sflag:s22] =	ssyncadd.s32 $0xFFFFC000  }
0x45: {  	[spmem:s2] =	stream.indirect.scatter.add.f32 [tilespmem:s20], [sflag:$0x3], $0x80, s0, s18, $0xb8;
	[tilespmem:$0x1FC80] =	vst v63  }
0x46: {  	_ =	swait.ge [sflag:s14], $0x4000  }
0x47: {  	s1 =	sshra.s32 s23, $0x2;
	s0 =	smov.u32 s24;
	[sflag:s14] =	ssyncset.done $0x0  }
0x48: {  	s0 =	sadd.s32 $0x80, s1;
	[sflag:s14] =	ssyncadd.s32 $0xFFFFC000  }
0x49: {  	[tilespmem:s20], [sflag:$0x2] =	stream.indirect.gather [hbm4b:s4+s18], $0x80, s0, s18, $0xb8;
	[tilespmem:$0x1FC80] =	vst v63  }
0x4a: {  	_ =	swait.ge [sflag:s21], $0x4000  }
0x4b: {  	[sflag:s21] =	ssyncset.done $0x0  }
0x4c: {  	s23 =	sadd.s32 $0x1400, s1;
	[sflag:s21] =	ssyncadd.s32 $0xFFFFC000  }
0x4d: {  	[spmem:s2] =	stream.indirect.scatter.add.f32 [tilespmem:s19], [sflag:$0x3], $0x80, s23, s18, $0xb8;
	[tilespmem:$0x1FC80] =	vst v63  }
0x4e: {  	_ =	swait.ge [sflag:s14], $0x4000  }
0x4f: {  	[sflag:s14] =	ssyncset.done $0x0  }
0x50: {  	s24 =	sadd.s32 $0x100, s1;
	[sflag:s14] =	ssyncadd.s32 $0xFFFFC000  }
0x51: {  	[tilespmem:s19], [sflag:$0x1] =	stream.indirect.gather [hbm4b:s4+s18], $0x80, s24, s18, $0xb8;
	[tilespmem:$0x1FC80] =	vst v63  }
0x52: {  	_ =	swait.ge [sflag:s22], $0x4000  }
0x53: {  	[sflag:s22] =	ssyncset.done $0x0  }
0x54: {  	s13 =	sadd.s32 $0x1480, s1;
	[sflag:s22] =	ssyncadd.s32 $0xFFFFC000  }
0x55: {  	[spmem:s2] =	stream.indirect.scatter.add.f32 [tilespmem:s20], [sflag:$0x3], $0x80, s13, s18, $0xb8;
	[tilespmem:$0x1FC80] =	vst v63  }
0x56: {  	_ =	swait.ge [sflag:s14], $0x4000  }
0x57: {  	[sflag:s14] =	ssyncset.done $0x0  }
0x58: {  	s23 =	simm.s32 $0x1380;
	[sflag:s14] =	ssyncadd.s32 $0xFFFFC000  }
0x59: {  	[tilespmem:s20], [sflag:$0x2] =	stream.indirect.gather [hbm4b:s4+s18], $0x80, s23, s18, $0xb8;
	[tilespmem:$0x1FC80] =	vst v63  }
0x5a: {  	_ =	swait.ge [sflag:s21], $0x4000  }
0x5b: {  	[sflag:s21] =	ssyncset.done $0x0  }
0x5c: {  	s24 =	simm.s32 $0x2700;
	[sflag:s21] =	ssyncadd.s32 $0xFFFFC000  }
0x5d: {  	[spmem:s2] =	stream.indirect.scatter.add.f32 [tilespmem:s19], [sflag:$0x3], $0x80, s24, s18, $0xb8;
	[tilespmem:$0x1FC80] =	vst v63  }
0x5e: {  	_ =	swait.ge [sflag:s14], $0x4000  }
0x5f: {  	[sflag:s14] =	ssyncset.done $0x0  }
0x60: {  	[sflag:s14] =	ssyncadd.s32 $0xFFFFC000  }
0x61: {  	_ =	swait.ge [sflag:s22], $0x4000  }
0x62: {  	[sflag:s22] =	ssyncset.done $0x0  }
0x63: {  	[sflag:s22] =	ssyncadd.s32 $0xFFFFC000  }
0x64: {  	[spmem:s2] =	stream.indirect.scatter.add.f32 [tilespmem:s20], [sflag:$0x3], $0x80, s25, s18, $0xb8;
	[tilespmem:$0x1FC80] =	vst v63  }
0x65: {  	_ =	swait.ge [sflag:s14], $0x4000  }
0x66: {  	[sflag:s14] =	ssyncset.done $0x0  }
0x67: {  	[sflag:s14] =	ssyncadd.s32 $0xFFFFC000  }
0x68: {  	[tilespmem:s3], [sflag:$0x3] =	stream.linear.gather [hbm4b:s9+s3], $0x1300, $0x38;
	[tilespmem:$0x1FC80] =	vst v63  }
0x69: {  	_ =	swait.ge [sflag:s14], $0x1300  }
0x6a: {  	[sflag:s14] =	ssyncset.done $0x0  }
0x6b: {  	[sflag:s14] =	ssyncadd.s32 $0xFFFFED00  }
0x6c: {  	[tilespmem:s19], [sflag:$0x1] =	stream.indirect.gather [hbm4b:s4+s18], $0x80, s3, s18, $0xb8;
	[tilespmem:$0x1FC80] =	vst v63  }
0x6d: {  	s1 =	simm.s32 $0x80  }
0x6e: {  	[tilespmem:s20], [sflag:$0x2] =	stream.indirect.gather [hbm4b:s4+s18], $0x80, s1, s18, $0xb8;
	[tilespmem:$0x1FC80] =	vst v63  }
0x6f: {  	_ =	swait.ge [sflag:s21], $0x4000  }
0x70: {  	[sflag:s21] =	ssyncset.done $0x0  }
0x71: {  	s13 =	simm.s32 $0x2800;
	[sflag:s21] =	ssyncadd.s32 $0xFFFFC000  }
0x72: {  	[spmem:s2] =	stream.indirect.scatter.add.f32 [tilespmem:s19], [sflag:$0x3], $0x80, s13, s18, $0xb8;
	[tilespmem:$0x1FC80] =	vst v63  }
0x73: {  	_ =	swait.ge [sflag:s14], $0x4000  }
0x74: {  	[sflag:s14] =	ssyncset.done $0x0  }
0x75: {  	s23 =	simm.s32 $0x100;
	[sflag:s14] =	ssyncadd.s32 $0xFFFFC000  }
0x76: {  	[tilespmem:s19], [sflag:$0x1] =	stream.indirect.gather [hbm4b:s4+s18], $0x80, s23, s18, $0xb8;
	[tilespmem:$0x1FC80] =	vst v63  }
0x77: {  	_ =	swait.ge [sflag:s22], $0x4000  }
0x78: {  	[sflag:s22] =	ssyncset.done $0x0  }
0x79: {  	s24 =	simm.s32 $0x2880;
	[sflag:s22] =	ssyncadd.s32 $0xFFFFC000  }
0x7a: {  	[spmem:s2] =	stream.indirect.scatter.add.f32 [tilespmem:s20], [sflag:$0x3], $0x80, s24, s18, $0xb8;
	[tilespmem:$0x1FC80] =	vst v63  }
0x7b: {  	_ =	swait.ge [sflag:s14], $0x4000  }
0x7c: {  	s0 =	simm.s32 $0xFFFFC000;
	s1 =	simm.s32 $0xFFFFEF00;
	[sflag:s14] =	ssyncset.done $0x0  }
.LBB2_4:
0x7d: {  	s13 =	sadd.s32 $0x1280, s1  }
0x7e: {  	[sflag:s14] =	ssyncadd.s32 $0xFFFFC000;
	s23 =	smov.u32 s0;
	s24 =	sadd.s32 $0x400, s0  }
0x7f: {  	[tilespmem:s20], [sflag:$0x2] =	stream.indirect.gather [hbm4b:s4+s18], $0x80, s13, s18, $0xb8;
	[tilespmem:$0x1FC80] =	vst v63  }
0x80: {  	p0 =	sne.s32 s0, $0xFFFFFC00;
	_ =	swait.ge [sflag:s21], $0x4000  }
0x81: {  	[sflag:s21] =	ssyncset.done $0x0  }
0x82: {  	s0 =	sadd.s32 $0x3A00, s1;
	[sflag:s21] =	ssyncadd.s32 $0xFFFFC000  }
0x83: {  	[spmem:s2] =	stream.indirect.scatter.add.f32 [tilespmem:s19], [sflag:$0x3], $0x80, s0, s18, $0xb8;
	[tilespmem:$0x1FC80] =	vst v63  }
0x84: {  	_ =	swait.ge [sflag:s14], $0x4000  }
0x85: {  	[sflag:s14] =	ssyncset.done $0x0  }
0x86: {  	s0 =	sadd.s32 $0x1300, s1;
	[sflag:s14] =	ssyncadd.s32 $0xFFFFC000  }
0x87: {  	[tilespmem:s19], [sflag:$0x1] =	stream.indirect.gather [hbm4b:s4+s18], $0x80, s0, s18, $0xb8;
	[tilespmem:$0x1FC80] =	vst v63  }
0x88: {  	_ =	swait.ge [sflag:s22], $0x4000  }
.Ltmp1:
0x89: {  	[sflag:s22] =	ssyncset.done $0x0;
	(pc) =	sbr.rel @p0 .LBB2_4-.Ltmp1, $4  }
0x8a: {  	s0 =	sadd.s32 $0x3A80, s1;
	[sflag:s22] =	ssyncadd.s32 $0xFFFFC000  }
0x8b: {  	[spmem:s2] =	stream.indirect.scatter.add.f32 [tilespmem:s20], [sflag:$0x3], $0x80, s0, s18, $0xb8;
	[tilespmem:$0x1FC80] =	vst v63  }
0x8c: {  	_ =	swait.ge [sflag:s14], $0x4000  }
0x8d: {  	s1 =	sshra.s32 s23, $0x2;
	s0 =	smov.u32 s24;
	[sflag:s14] =	ssyncset.done $0x0  }
0x8e: {  	s0 =	sadd.s32 $0x1280, s1;
	[sflag:s14] =	ssyncadd.s32 $0xFFFFC000  }
0x8f: {  	[tilespmem:s20], [sflag:$0x2] =	stream.indirect.gather [hbm4b:s4+s18], $0x80, s0, s18, $0xb8;
	[tilespmem:$0x1FC80] =	vst v63  }
0x90: {  	_ =	swait.ge [sflag:s21], $0x4000  }
0x91: {  	[sflag:s21] =	ssyncset.done $0x0  }
0x92: {  	s13 =	sadd.s32 $0x3A00, s1;
	[sflag:s21] =	ssyncadd.s32 $0xFFFFC000  }
0x93: {  	[spmem:s2] =	stream.indirect.scatter.add.f32 [tilespmem:s19], [sflag:$0x3], $0x80, s13, s18, $0xb8;
	[tilespmem:$0x1FC80] =	vst v63  }
0x94: {  	_ =	swait.ge [sflag:s14], $0x4000  }
0x95: {  	[sflag:s14] =	ssyncset.done $0x0  }
0x96: {  	s23 =	sadd.s32 $0x1300, s1;
	[sflag:s14] =	ssyncadd.s32 $0xFFFFC000  }
0x97: {  	[tilespmem:s19], [sflag:$0x1] =	stream.indirect.gather [hbm4b:s4+s18], $0x80, s23, s18, $0xb8;
	[tilespmem:$0x1FC80] =	vst v63  }
0x98: {  	_ =	swait.ge [sflag:s22], $0x4000  }
0x99: {  	[sflag:s22] =	ssyncset.done $0x0  }
0x9a: {  	s24 =	sadd.s32 $0x3A80, s1;
	[sflag:s22] =	ssyncadd.s32 $0xFFFFC000  }
0x9b: {  	[spmem:s2] =	stream.indirect.scatter.add.f32 [tilespmem:s20], [sflag:$0x3], $0x80, s24, s18, $0xb8;
	[tilespmem:$0x1FC80] =	vst v63  }
0x9c: {  	_ =	swait.ge [sflag:s14], $0x4000  }
0x9d: {  	[sflag:s14] =	ssyncset.done $0x0  }
0x9e: {  	[sflag:s14] =	ssyncadd.s32 $0xFFFFC000  }
0x9f: {  	[tilespmem:s20], [sflag:$0x2] =	stream.indirect.gather [hbm4b:s4+s18], $0x80, s26, s18, $0xb8;
	[tilespmem:$0x1FC80] =	vst v63  }
0xa0: {  	_ =	swait.ge [sflag:s21], $0x4000  }
0xa1: {  	[sflag:s21] =	ssyncset.done $0x0  }
0xa2: {  	[sflag:s21] =	ssyncadd.s32 $0xFFFFC000  }
0xa3: {  	[spmem:s2] =	stream.indirect.scatter.add.f32 [tilespmem:s19], [sflag:$0x3], $0x80, s28, s18, $0xb8;
	[tilespmem:$0x1FC80] =	vst v63  }
0xa4: {  	_ =	swait.ge [sflag:s14], $0x4000  }
0xa5: {  	[sflag:s14] =	ssyncset.done $0x0  }
0xa6: {  	[sflag:s14] =	ssyncadd.s32 $0xFFFFC000  }
0xa7: {  	_ =	swait.ge [sflag:s22], $0x4000  }
0xa8: {  	[sflag:s22] =	ssyncset.done $0x0  }
0xa9: {  	[sflag:s22] =	ssyncadd.s32 $0xFFFFC000  }
0xaa: {  	[spmem:s2] =	stream.indirect.scatter.add.f32 [tilespmem:s20], [sflag:$0x3], $0x80, s29, s18, $0xb8;
	[tilespmem:$0x1FC80] =	vst v63  }
0xab: {  	_ =	swait.ge [sflag:s14], $0x4000  }
0xac: {  	[sflag:s14] =	ssyncset.done $0x0  }
0xad: {  	[sflag:s14] =	ssyncadd.s32 $0xFFFFC000  }
0xae: {  	[tilespmem:s3], [sflag:$0x3] =	stream.linear.gather [hbm4b:s10+s3], $0x10, $0x38;
	[tilespmem:$0x1FC80] =	vst v63  }
0xaf: {  	_ =	swait.ge [sflag:s14], $0x10  }
0xb0: {  	[sflag:s14] =	ssyncset.done $0x0  }
0xb1: {  	[sflag:s14] =	ssyncadd.s32 $0xFFFFFFF0  }
0xb2: {  	[tilespmem:s19], [sflag:$0x1] =	stream.indirect.gather [hbm4b:s4+s30], $0x80, s3, s30, $0xb8;
	[tilespmem:$0x1FC80] =	vst v63  }
0xb3: {  	_ =	swait.ge [sflag:s21], $0x800  }
0xb4: {  	[sflag:s21] =	ssyncset.done $0x0  }
0xb5: {  	[sflag:s21] =	ssyncadd.s32 $0xFFFFF800  }
0xb6: {  	[spmem:s2] =	stream.indirect.scatter.add.f32 [tilespmem:s19], [sflag:$0x3], $0x80, s15, s30, $0xb8;
	[tilespmem:$0x1FC80] =	vst v63  }
0xb7: {  	_ =	swait.ge [sflag:s14], $0x800  }
0xb8: {  	s31 =	sadd.s32 $0x1, s31;
	[sflag:s14] =	ssyncset.done $0x0  }
0xb9: {  	p0 =	sne.s32 s31, s12;
	[sflag:s14] =	ssyncadd.s32 $0xFFFFF800  }
.Ltmp2:
0xba: {  	[bflag:$0x0] =	sbarrier.arrive $0xFFFF;
	(pc) =	sbr.rel @p0 .LBB2_1-.Ltmp2, $4  }
0xbb: {  	[hbm:s11], [sflag:s16] =	dma.local [spmem:s17], $0x2800  }
0xbc: {  	_ =	swait.ge [sflag:s14], $0x2800  }
0xbd: {  	[sflag:s14] =	ssyncset.done $0x0  }
0xbe: {  	[sflag:s14] =	ssyncadd.s32 $0xFFFFD800  }
0xbf: {  	_ =	sfence.sel $0x180000  }
0xc0: {  	[bflag:$0x0] =	sbarrier.arrive $0xFFFF  }
0xc1: {  	_ =	strace $0x90000050  }
0xc2: {  	s0 =	stileid.u32;
	[bflag:$0x2] =	sbarrier.arrive $0xFFFF  }
0xc3: {  	p0 =	sne.s32 s0, $0x0;
	s0 =	rddreg [dreg:$0x3]  }
0xc4: {  	s0 =	sadd.s32 @!p0 $0x100000, s0  }
0xc5: {  	[sflag:s0] =	ssyncadd.tile.s32 @!p0 $0x1;
	_ =	shalt  }
.Lfunc_end2:
_tile_overlayer_lowered:
.L_overlay_start_2:
0xc6: {  	(tag) =	ssettag $0x2  }
0xc7: {  	s0 =	rddreg [dreg:$0x0];
	s2 =	stileid.u32  }
0xc8: {  	s1 =	rddreg [dreg:$0x1];
	p0 =	sne.s32 s2, $0x0  }
0xc9: {  	s3 =	rddreg [dreg:$0x2];
	[bflag:$0x3] =	sbarrier.arrive $0xFFFF;
	s2 =	simm.s32 @!p0 $0x1C03  }
0xca: {  	[timem:s3], [sflag:s2] =	dma.local @!p0 [hbm:s0], s1  }
0xcb: {  	s0 =	simm.s32 @!p0 $0x3  }
0xcc: {  	_ =	swait.ge @!p0 [sflag:s0], s1  }
0xcd: {  	s1 =	ssub.s32 @!p0 $0x0, s1;
	[sflag:s0] =	ssyncset.done @!p0 $0x0  }
0xce: {  	[sflag:s0] =	ssyncadd.s32 @!p0 s1  }
0xcf: {  	[bflag:$0x3] =	sbarrier.arrive $0xFFFF  }
0xd0: {  	_ =	shalt  }

</sc_bundles>
